<compile_context>
chip_gen: v7x
topology: tpu7x:2x2x1
jax: 0.10.2.dev20260603
libtpu: 0.0.44.dev20260713+nightly
codegen_flags: <defaults>
</compile_context>

<pallas_src>
import functools

import numpy as np

import jax
import jax.numpy as jnp
from jax import lax
from jax.experimental import pallas as pl
from jax.experimental.pallas import tpu as pltpu
from jax.experimental.pallas import tpu_sc as plsc

N_NODES = 10000
N_EDGES = 320000
D = 128
S_SUB = 500
S_PAD = 512
G_OUT = 8

CHUNK = 128
DEG_W = 16
NC = 2
NS = 16
NW = NC * NS

_HIGH = jax.lax.Precision.HIGHEST


def _dot(a, b, dims):
    return lax.dot_general(a, b, dimension_numbers=(dims, ((), ())),
                           precision=_HIGH, preferred_element_type=jnp.float32)


N_CHUNKS = N_EDGES // CHUNK
PER_TILE = 80
CH_PAD = NW * PER_TILE
ROWS_MAIN = 624
ROWS_TAIL = N_NODES - ROWS_MAIN * NS


N_TAB = N_NODES + 128
NBUF = 2
N_PH = 5


def _chunk_perm():
    base, rem = divmod(N_CHUNKS, NW)
    perm = np.empty(CH_PAD, dtype=np.int32)
    real = 0
    pad = N_CHUNKS
    for w in range(NW):
        n_real = base + (1 if w < rem else 0)
        pos = w * PER_TILE
        perm[pos:pos + n_real] = np.arange(real, real + n_real)
        n_pad = PER_TILE - n_real
        perm[pos + n_real:pos + PER_TILE] = np.arange(pad, pad + n_pad)
        real += n_real
        pad += n_pad
    return perm


_CHUNK_PERM = _chunk_perm()


@functools.cache
def _sc_agg_kernel():
    mesh = plsc.VectorSubcoreMesh(core_axis_name="c", subcore_axis_name="s")

    @functools.partial(
        pl.kernel,
        mesh=mesh,
        compiler_params=pltpu.CompilerParams(needs_layout_passes=False),
        out_type=[
            jax.ShapeDtypeStruct((NC, N_NODES, D), jnp.float32),
            jax.ShapeDtypeStruct((NW * N_NODES,), jnp.float32),
        ],
        scratch_types=[
            pltpu.VMEM((PER_TILE // N_PH, CHUNK), jnp.int32),
            pltpu.VMEM((PER_TILE // N_PH, CHUNK), jnp.int32),
            pltpu.VMEM((NBUF, CHUNK, D), jnp.float32),
            pltpu.VMEM((N_TAB,), jnp.float32),
            pltpu.VMEM_SHARED((N_TAB, D), jnp.float32),
            [pltpu.SemaphoreType.DMA] * NBUF,
            [pltpu.SemaphoreType.DMA] * NBUF,
        ],
    )
    def sc_agg(x_hbm, src2d_hbm, dst2d_hbm, zrow_hbm, agg_out, deg_out,
               src_v, dst_v, rows_v, deg_loc, agg_sh, gsems, ssems):
        c = lax.axis_index("c")
        s = lax.axis_index("s")
        w = s * NC + c
        r0 = s * ROWS_MAIN

        pltpu.sync_copy(zrow_hbm.at[pl.ds(0, ROWS_MAIN)],
                        agg_sh.at[pl.ds(r0, ROWS_MAIN)])

        @pl.when(s == 0)
        def _():
            pltpu.sync_copy(zrow_hbm.at[pl.ds(0, ROWS_TAIL)],
                            agg_sh.at[pl.ds(NS * ROWS_MAIN, ROWS_TAIL)])

        zero16 = jnp.zeros((16,), jnp.float32)

        def zero_body(i, carry):
            deg_loc[pl.ds(i * 16, 16)] = zero16
            return carry

        lax.fori_loop(0, N_TAB // 16, zero_body, 0)

        plsc.subcore_barrier()

        ones16 = jnp.ones((16,), jnp.float32)
        ph_rows = PER_TILE // N_PH

        def make_chunk_body(ph):
            def chunk_body(k, carry):
                i0 = k * NBUF
                gs = []
                for j in range(NBUF):
                    @pl.when(jnp.logical_or(k > 0, ph > 0))
                    def _():
                        pltpu.make_async_copy(
                            x_hbm.at[pl.ds(0, CHUNK)], rows_v.at[j], ssems[j]
                        ).wait()
                    gs.append(pltpu.async_copy(x_hbm.at[src_v.at[i0 + j]],
                                               rows_v.at[j], gsems[j]))
                for j in range(NBUF):
                    gs[j].wait()
                    pltpu.async_copy(rows_v.at[j],
                                     agg_sh.at[dst_v.at[i0 + j]],
                                     ssems[j], add=True)
                    for t in range(CHUNK // 16):
                        idx = dst_v[i0 + j, pl.ds(t * 16, 16)]
                        plsc.addupdate_scatter(deg_loc, [idx], ones16)
                return carry
            return chunk_body

        for ph in range(N_PH):
            base = w * PER_TILE + ph * ph_rows
            pltpu.sync_copy(src2d_hbm.at[pl.ds(base, ph_rows)], src_v)
            pltpu.sync_copy(dst2d_hbm.at[pl.ds(base, ph_rows)], dst_v)
            lax.fori_loop(0, ph_rows // NBUF, make_chunk_body(ph), 0)

        for j in range(NBUF):
            pltpu.make_async_copy(x_hbm.at[pl.ds(0, CHUNK)], rows_v.at[j],
                                  ssems[j]).wait()

        plsc.subcore_barrier()
        pltpu.sync_copy(agg_sh.at[pl.ds(r0, ROWS_MAIN)],
                        agg_out.at[c, pl.ds(r0, ROWS_MAIN)])
        pltpu.sync_copy(deg_loc.at[pl.ds(0, N_NODES)],
                        deg_out.at[pl.ds(w * N_NODES, N_NODES)])

        @pl.when(s == 0)
        def _():
            pltpu.sync_copy(agg_sh.at[pl.ds(NS * ROWS_MAIN, ROWS_TAIL)],
                            agg_out.at[c, pl.ds(NS * ROWS_MAIN, ROWS_TAIL)])

    return sc_agg


def _tc_body(x_ref, aggp_ref, degp_ref, nb_ref, w_ref, gb_ref,
             ws_ref, wn_ref, b1_ref, wo1_ref, bo1_ref, wo2_ref, bo2_ref,
             out_ref, sub_sum, sub_cnt):
    i = pl.program_id(0)
    nblk = pl.num_programs(0)
    B = x_ref.shape[0]

    @pl.when(i == 0)
    def _():
        sub_sum[...] = jnp.zeros_like(sub_sum)
        sub_cnt[...] = jnp.zeros_like(sub_cnt)

    x = x_ref[...]
    agg = aggp_ref[0] + aggp_ref[1]
    deg = jnp.sum(degp_ref[...], axis=1, keepdims=True)
    agg = agg / jnp.maximum(deg, 1.0)
    h = _dot(x, ws_ref[...], (((1,), (0,)))) \
        + _dot(agg, wn_ref[...], (((1,), (0,)))) + b1_ref[...]
    h = jnp.maximum(h, 0.0)

    nb = nb_ref[0, 0, :]
    oh = (nb[:, None]
          == lax.broadcasted_iota(jnp.int32, (B, S_PAD), 1)).astype(jnp.float32)
    sub_sum[...] += _dot(oh, h, (((0,), (0,))))
    sub_cnt[...] += _dot(oh, jnp.ones((B, D), jnp.float32), (((0,), (0,))))

    @pl.when(i == nblk - 1)
    def _():
        emb = sub_sum[...] / jnp.maximum(sub_cnt[...], 1.0)
        t = _dot(emb, wo1_ref[...], (((1,), (0,)))) + bo1_ref[...]
        t = jnp.where(t > 0.0, t, 0.01 * t)
        o = _dot(t, wo2_ref[...], (((1,), (0,)))) + bo2_ref[...]
        wv = w_ref[...]
        ow = o * wv
        gb = gb_ref[0, 0, :]
        gh = (gb[:, None]
              == lax.broadcasted_iota(jnp.int32, (S_PAD, G_OUT), 1)
              ).astype(jnp.float32)
        energy = _dot(gh, ow, (((0,), (0,))))
        norm = _dot(gh, wv, (((0,), (0,))))
        out_ref[...] = energy / jnp.maximum(norm, 1e-8)


def kernel(x, edge_index, node_batch, weights, graph_batch,
           W_self, W_neigh, b1, W_o1, b_o1, W_o2, b_o2):
    n_padc = CH_PAD - N_CHUNKS
    pad_src = jnp.tile(jnp.arange(CHUNK, dtype=jnp.int32), (n_padc, 1))
    pad_dst = pad_src + N_NODES
    src2d = jnp.concatenate(
        [edge_index[0].reshape(N_CHUNKS, CHUNK), pad_src], axis=0)[_CHUNK_PERM]
    dst2d = jnp.concatenate(
        [edge_index[1].reshape(N_CHUNKS, CHUNK), pad_dst], axis=0)[_CHUNK_PERM]
    zrow = jnp.zeros((ROWS_MAIN, D), jnp.float32)

    aggp, degf = _sc_agg_kernel()(x, src2d, dst2d, zrow)
    degp = degf.reshape(NW, N_NODES).T

    B = 1000
    nblk = N_NODES // B
    nb3d = node_batch.reshape(nblk, 1, B)
    wpad = jnp.pad(weights, ((0, S_PAD - S_SUB), (0, 0)))
    gb3d = jnp.pad(graph_batch, (0, S_PAD - S_SUB),
                   constant_values=G_OUT).reshape(1, 1, S_PAD)

    out = pl.pallas_call(
        _tc_body,
        grid=(nblk,),
        in_specs=[
            pl.BlockSpec((B, D), lambda i: (i, 0)),
            pl.BlockSpec((NC, B, D), lambda i: (0, i, 0)),
            pl.BlockSpec((B, NW), lambda i: (i, 0)),
            pl.BlockSpec((1, 1, B), lambda i: (i, 0, 0)),
            pl.BlockSpec((S_PAD, 1), lambda i: (0, 0)),
            pl.BlockSpec((1, 1, S_PAD), lambda i: (0, 0, 0)),
            pl.BlockSpec((D, D), lambda i: (0, 0)),
            pl.BlockSpec((D, D), lambda i: (0, 0)),
            pl.BlockSpec((1, D), lambda i: (0, 0)),
            pl.BlockSpec((D, D), lambda i: (0, 0)),
            pl.BlockSpec((1, D), lambda i: (0, 0)),
            pl.BlockSpec((D, 1), lambda i: (0, 0)),
            pl.BlockSpec((1, 1), lambda i: (0, 0)),
        ],
        out_specs=pl.BlockSpec((G_OUT, 1), lambda i: (0, 0)),
        out_shape=jax.ShapeDtypeStruct((G_OUT, 1), jnp.float32),
        scratch_shapes=[
            pltpu.VMEM((S_PAD, D), jnp.float32),
            pltpu.VMEM((S_PAD, D), jnp.float32),
        ],
    )(x, aggp, degp, nb3d, wpad, gb3d,
      W_self, W_neigh, b1.reshape(1, D), W_o1, b_o1.reshape(1, D),
      W_o2, b_o2.reshape(1, 1))
    return out

# --- scband reference (transcript-rebuilt; emitter-appended) ---
"""Pipeline reference for scband-net-72541997629472 (READ-ONLY COPY).

The authoritative reference and input builder live on the scoring server;
editing this copy changes nothing except your own understanding.
"""

import jax, jax.numpy as jnp
import numpy as np

N, E, D, H = 10000, 320000, 128, 128
S, G = 500, 8


def setup_inputs(seed: int = 0) -> dict:
    key = jax.random.key(seed)
    ks = jax.random.split(key, 12)
    x = jax.random.normal(ks[0], (N, D), dtype=jnp.float32)
    edge_index = jax.random.randint(ks[1], (2, E), 0, N, dtype=jnp.int32)
    node_batch = jnp.sort(jax.random.randint(ks[2], (N,), 0, S, dtype=jnp.int32))
    weights = jax.random.uniform(ks[3], (S, 1), dtype=jnp.float32)
    graph_batch = jnp.sort(jax.random.randint(ks[4], (S,), 0, G, dtype=jnp.int32))
    # GraphSAGE (single layer) params
    W_self = jax.random.normal(ks[5], (D, H), dtype=jnp.float32) * (1.0 / np.sqrt(D))
    W_neigh = jax.random.normal(ks[6], (D, H), dtype=jnp.float32) * (1.0 / np.sqrt(D))
    b1 = jnp.zeros((H,), dtype=jnp.float32)
    # output MLP: Linear(H,H) -> LeakyReLU -> Linear(H,1)
    W_o1 = jax.random.normal(ks[7], (H, H), dtype=jnp.float32) * (1.0 / np.sqrt(H))
    b_o1 = jnp.zeros((H,), dtype=jnp.float32)
    W_o2 = jax.random.normal(ks[8], (H, 1), dtype=jnp.float32) * (1.0 / np.sqrt(H))
    b_o2 = jnp.zeros((1,), dtype=jnp.float32)
    return {"x": x, "edge_index": edge_index, "node_batch": node_batch,
            "weights": weights, "graph_batch": graph_batch,
            "W_self": W_self, "W_neigh": W_neigh, "b1": b1,
            "W_o1": W_o1, "b_o1": b_o1, "W_o2": W_o2, "b_o2": b_o2}


def reference(x, edge_index, node_batch, weights, graph_batch,
              W_self, W_neigh, b1, W_o1, b_o1, W_o2, b_o2):
    src = edge_index[0]
    dst = edge_index[1]
    # SAGEConv with mean aggregation: gather source feats, scatter-add to dst, normalize by degree
    msg = jnp.take(x, src, axis=0)
    agg = jax.ops.segment_sum(msg, dst, num_segments=N)
    deg = jax.ops.segment_sum(jnp.ones((E,), x.dtype), dst, num_segments=N)
    agg = agg / jnp.maximum(deg, 1.0)[:, None]
    h = x @ W_self + agg @ W_neigh + b1
    h = jax.nn.relu(h)
    # global mean pool nodes -> subgraph embeddings
    sub_sum = jax.ops.segment_sum(h, node_batch, num_segments=S)
    sub_cnt = jax.ops.segment_sum(jnp.ones((x.shape[0],), x.dtype), node_batch, num_segments=S)
    sub_emb = sub_sum / jnp.maximum(sub_cnt, 1.0)[:, None]
    # output MLP: Linear -> LeakyReLU -> Linear
    o = jax.nn.leaky_relu(sub_emb @ W_o1 + b_o1, negative_slope=0.01) @ W_o2 + b_o2
    # weighted tour averaging: energy / norm via global_add_pool over graph batch
    o = o * weights
    norm = jax.ops.segment_sum(weights, graph_batch, num_segments=G)
    energy = jax.ops.segment_sum(o, graph_batch, num_segments=G)
    return energy / jnp.maximum(norm, 1e-8)

if __name__ == "__main__":
    import jax
    _d = setup_inputs()
    print(jax.jit(kernel)(*tuple(_d.values())))

</pallas_src>

<mosaic_0001>
#map = affine_map<(d0, d1) -> (0, 0)>
#map1 = affine_map<(d0, d1) -> (0, 0, 0)>
#map2 = affine_map<(d0, d1) -> (0)>
module attributes {stable_mosaic.version = 14 : i64} {
  func.func @sc_agg(%arg0: i32, %arg1: i32, %arg2: memref<10000x128xf32, #tpu.memory_space<hbm>>, %arg3: memref<2560x128xi32, #tpu.memory_space<hbm>>, %arg4: memref<2560x128xi32, #tpu.memory_space<hbm>>, %arg5: memref<624x128xf32, #tpu.memory_space<hbm>>, %arg6: memref<2x10000x128xf32, #tpu.memory_space<hbm>>, %arg7: memref<320000xf32, #tpu.memory_space<hbm>>, %arg8: memref<16x128xi32, #tpu.memory_space<vmem>>, %arg9: memref<16x128xi32, #tpu.memory_space<vmem>>, %arg10: memref<2x128x128xf32, #tpu.memory_space<vmem>>, %arg11: memref<10128xf32, #tpu.memory_space<vmem>>, %arg12: memref<10128x128xf32, #tpu.memory_space<vmem_shared>>, %arg13: memref<!tpu.dma_semaphore, #tpu.memory_space<semaphore_mem>>, %arg14: memref<!tpu.dma_semaphore, #tpu.memory_space<semaphore_mem>>, %arg15: memref<!tpu.dma_semaphore, #tpu.memory_space<semaphore_mem>>, %arg16: memref<!tpu.dma_semaphore, #tpu.memory_space<semaphore_mem>>) attributes {dimension_semantics = [#tpu.dimension_semantics<core_parallel>, #tpu.dimension_semantics<subcore_parallel>], iteration_bounds = array<i64: 2, 16>, scalar_prefetch = 0 : i64, scratch_operands = 9 : i64, tpu.core_type = #tpu.core_type<sc_vector_subcore>, window_params = [{transform_indices = #map}, {transform_indices = #map}, {transform_indices = #map}, {transform_indices = #map}, {transform_indices = #map1}, {transform_indices = #map2}]} {
    %mul3A = arith.constant 2 : i32
    %mul3A_0 = arith.muli %arg1, %mul3A : i32
    %add3A = arith.addi %mul3A_0, %arg0 : i32
    %mul3A_1 = arith.constant 624 : i32
    %mul3A_2 = arith.muli %arg1, %mul3A_1 : i32
    "tpu.region"() ({
      %run_scoped3A = tpu.sem_alloc : memref<!tpu.dma_semaphore, #tpu.memory_space<semaphore_mem>>
      %dma_start3A = arith.constant 0 : i32
      %dma_start3A_100 = tpu.memref_slice %arg12[%mul3A_2, %dma_start3A] : memref<10128x128xf32, #tpu.memory_space<vmem_shared>> -> memref<624x128xf32, #tpu.memory_space<vmem_shared>>
      %dma_start3A_101 = arith.constant 0 : i32
      %dma_start3A_102 = arith.constant 0 : i32
      %dma_start3A_103 = tpu.memref_slice %arg5[%dma_start3A_101, %dma_start3A_102] : memref<624x128xf32, #tpu.memory_space<hbm>> -> memref<624x128xf32, #tpu.memory_space<hbm>>
      tpu.enqueue_dma source(%dma_start3A_103 : memref<624x128xf32, #tpu.memory_space<hbm>>) target(%dma_start3A_100 : memref<624x128xf32, #tpu.memory_space<vmem_shared>>) target_semaphore(%run_scoped3A : memref<!tpu.dma_semaphore, #tpu.memory_space<semaphore_mem>>)
      %dma_wait3A_104 = arith.constant 0 : i32
      %dma_wait3A_105 = tpu.memref_slice %arg12[%mul3A_2, %dma_wait3A_104] : memref<10128x128xf32, #tpu.memory_space<vmem_shared>> -> memref<624x128xf32, #tpu.memory_space<vmem_shared>>
      %dma_wait3A_106 = arith.constant 0 : i32
      %dma_wait3A_107 = arith.constant 0 : i32
      %dma_wait3A_108 = tpu.memref_slice %arg5[%dma_wait3A_106, %dma_wait3A_107] : memref<624x128xf32, #tpu.memory_space<hbm>> -> memref<624x128xf32, #tpu.memory_space<hbm>>
      tpu.wait_dma2 semaphore(%run_scoped3A : memref<!tpu.dma_semaphore, #tpu.memory_space<semaphore_mem>>) src(%dma_wait3A_108 : memref<624x128xf32, #tpu.memory_space<hbm>>) dst(%dma_wait3A_105 : memref<624x128xf32, #tpu.memory_space<vmem_shared>>)
      tpu.yield
    }) : () -> ()
    %eq3A = arith.constant 0 : i32
    %eq3A_3 = arith.cmpi eq, %arg1, %eq3A : i32
    %convert_element_type3A = arith.extui %eq3A_3 : i1 to i32
    %cond3A = arith.constant 0 : i32
    %cond3A_4 = arith.cmpi ne, %convert_element_type3A, %cond3A : i32
    scf.if %cond3A_4 {
      "tpu.region"() ({
        %run_scoped3A = tpu.sem_alloc : memref<!tpu.dma_semaphore, #tpu.memory_space<semaphore_mem>>
        %dma_start3A = arith.constant 9984 : i32
        %dma_start3A_100 = arith.constant 0 : i32
        %dma_start3A_101 = tpu.memref_slice %arg12[%dma_start3A, %dma_start3A_100] : memref<10128x128xf32, #tpu.memory_space<vmem_shared>> -> memref<16x128xf32, #tpu.memory_space<vmem_shared>>
        %dma_start3A_102 = arith.constant 0 : i32
        %dma_start3A_103 = arith.constant 0 : i32
        %dma_start3A_104 = tpu.memref_slice %arg5[%dma_start3A_102, %dma_start3A_103] : memref<624x128xf32, #tpu.memory_space<hbm>> -> memref<16x128xf32, #tpu.memory_space<hbm>>
        tpu.enqueue_dma source(%dma_start3A_104 : memref<16x128xf32, #tpu.memory_space<hbm>>) target(%dma_start3A_101 : memref<16x128xf32, #tpu.memory_space<vmem_shared>>) target_semaphore(%run_scoped3A : memref<!tpu.dma_semaphore, #tpu.memory_space<semaphore_mem>>)
        %dma_wait3A_105 = arith.constant 9984 : i32
        %dma_wait3A_106 = arith.constant 0 : i32
        %dma_wait3A_107 = tpu.memref_slice %arg12[%dma_wait3A_105, %dma_wait3A_106] : memref<10128x128xf32, #tpu.memory_space<vmem_shared>> -> memref<16x128xf32, #tpu.memory_space<vmem_shared>>
        %dma_wait3A_108 = arith.constant 0 : i32
        %dma_wait3A_109 = arith.constant 0 : i32
        %dma_wait3A_110 = tpu.memref_slice %arg5[%dma_wait3A_108, %dma_wait3A_109] : memref<624x128xf32, #tpu.memory_space<hbm>> -> memref<16x128xf32, #tpu.memory_space<hbm>>
        tpu.wait_dma2 semaphore(%run_scoped3A : memref<!tpu.dma_semaphore, #tpu.memory_space<semaphore_mem>>) src(%dma_wait3A_110 : memref<16x128xf32, #tpu.memory_space<hbm>>) dst(%dma_wait3A_107 : memref<16x128xf32, #tpu.memory_space<vmem_shared>>)
        tpu.yield
      }) : () -> ()
    } else {
    }
    %broadcast_in_dim3A = arith.constant 0.000000e+00 : f32
    %broadcast_in_dim3A_5 = vector.broadcast %broadcast_in_dim3A : f32 to vector<16xf32>
    %scan3A = arith.constant 0 : i32
    %scan3A_6 = arith.constant 0 : i32
    %scan3A_7 = arith.constant 633 : i32
    %scan3A_8 = arith.addi %scan3A_6, %scan3A_7 : i32
    %scan3A_9 = arith.constant 1 : i32
    scf.for %scan3A_100 = %scan3A_6 to %scan3A_8 step %scan3A_9  : i32 {
      %mul3A_101 = arith.constant 16 : i32
      %mul3A_102 = arith.muli %scan3A_100, %mul3A_101 : i32
      %swap3A = arith.index_cast %mul3A_102 : i32 to index
      %swap3A_103 = tpu.vector_load %arg11[%swap3A] {strides = array<i32>} : memref<10128xf32, #tpu.memory_space<vmem>>, vector<16xf32>,
      tpu.vector_store %arg11[%swap3A], %broadcast_in_dim3A_5 {strides = array<i32>} : memref<10128xf32, #tpu.memory_space<vmem>>, vector<16xf32>,
    }
    %scan3A_10 = arith.constant 633 : i32
    %barrier3A = arith.constant 0 : index
    tpu.barrier barrier_id(%barrier3A)
    %broadcast_in_dim3A_11 = arith.constant 1.000000e+00 : f32
    %broadcast_in_dim3A_12 = vector.broadcast %broadcast_in_dim3A_11 : f32 to vector<16xf32>
    %mul3A_13 = arith.constant 80 : i32
    %mul3A_14 = arith.muli %add3A, %mul3A_13 : i32
    %add3A_15 = arith.constant 0 : i32
    %add3A_16 = arith.addi %mul3A_14, %add3A_15 : i32
    "tpu.region"() ({
      %run_scoped3A = tpu.sem_alloc : memref<!tpu.dma_semaphore, #tpu.memory_space<semaphore_mem>>
      %dma_start3A = arith.constant 0 : i32
      %dma_start3A_100 = tpu.memref_slice %arg3[%add3A_16, %dma_start3A] : memref<2560x128xi32, #tpu.memory_space<hbm>> -> memref<16x128xi32, #tpu.memory_space<hbm>>
      %dma_start3A_101 = arith.constant 0 : i32
      %dma_start3A_102 = tpu.memref_slice %arg3[%add3A_16, %dma_start3A_101] : memref<2560x128xi32, #tpu.memory_space<hbm>> -> memref<16x128xi32, #tpu.memory_space<hbm>>
      tpu.enqueue_dma source(%dma_start3A_102 : memref<16x128xi32, #tpu.memory_space<hbm>>) target(%arg8 : memref<16x128xi32, #tpu.memory_space<vmem>>) target_semaphore(%run_scoped3A : memref<!tpu.dma_semaphore, #tpu.memory_space<semaphore_mem>>)
      %dma_wait3A_103 = arith.constant 0 : i32
      %dma_wait3A_104 = tpu.memref_slice %arg3[%add3A_16, %dma_wait3A_103] : memref<2560x128xi32, #tpu.memory_space<hbm>> -> memref<16x128xi32, #tpu.memory_space<hbm>>
      %dma_wait3A_105 = arith.constant 0 : i32
      %dma_wait3A_106 = tpu.memref_slice %arg3[%add3A_16, %dma_wait3A_105] : memref<2560x128xi32, #tpu.memory_space<hbm>> -> memref<16x128xi32, #tpu.memory_space<hbm>>
      tpu.wait_dma2 semaphore(%run_scoped3A : memref<!tpu.dma_semaphore, #tpu.memory_space<semaphore_mem>>) src(%dma_wait3A_106 : memref<16x128xi32, #tpu.memory_space<hbm>>) dst(%arg8 : memref<16x128xi32, #tpu.memory_space<vmem>>)
      tpu.yield
    }) : () -> ()
    "tpu.region"() ({
      %run_scoped3A = tpu.sem_alloc : memref<!tpu.dma_semaphore, #tpu.memory_space<semaphore_mem>>
      %dma_start3A = arith.constant 0 : i32
      %dma_start3A_100 = tpu.memref_slice %arg4[%add3A_16, %dma_start3A] : memref<2560x128xi32, #tpu.memory_space<hbm>> -> memref<16x128xi32, #tpu.memory_space<hbm>>
      %dma_start3A_101 = arith.constant 0 : i32
      %dma_start3A_102 = tpu.memref_slice %arg4[%add3A_16, %dma_start3A_101] : memref<2560x128xi32, #tpu.memory_space<hbm>> -> memref<16x128xi32, #tpu.memory_space<hbm>>
      tpu.enqueue_dma source(%dma_start3A_102 : memref<16x128xi32, #tpu.memory_space<hbm>>) target(%arg9 : memref<16x128xi32, #tpu.memory_space<vmem>>) target_semaphore(%run_scoped3A : memref<!tpu.dma_semaphore, #tpu.memory_space<semaphore_mem>>)
      %dma_wait3A_103 = arith.constant 0 : i32
      %dma_wait3A_104 = tpu.memref_slice %arg4[%add3A_16, %dma_wait3A_103] : memref<2560x128xi32, #tpu.memory_space<hbm>> -> memref<16x128xi32, #tpu.memory_space<hbm>>
      %dma_wait3A_105 = arith.constant 0 : i32
      %dma_wait3A_106 = tpu.memref_slice %arg4[%add3A_16, %dma_wait3A_105] : memref<2560x128xi32, #tpu.memory_space<hbm>> -> memref<16x128xi32, #tpu.memory_space<hbm>>
      tpu.wait_dma2 semaphore(%run_scoped3A : memref<!tpu.dma_semaphore, #tpu.memory_space<semaphore_mem>>) src(%dma_wait3A_106 : memref<16x128xi32, #tpu.memory_space<hbm>>) dst(%arg9 : memref<16x128xi32, #tpu.memory_space<vmem>>)
      tpu.yield
    }) : () -> ()
    %scan3A_17 = arith.constant 0 : i32
    %scan3A_18 = arith.constant 0 : i32
    %scan3A_19 = arith.constant 8 : i32
    %scan3A_20 = arith.addi %scan3A_18, %scan3A_19 : i32
    %scan3A_21 = arith.constant 1 : i32
    scf.for %scan3A_100 = %scan3A_18 to %scan3A_20 step %scan3A_21  : i32 {
      %mul3A_101 = arith.constant 2 : i32
      %mul3A_102 = arith.muli %scan3A_100, %mul3A_101 : i32
      %gt3A = arith.constant 0 : i32
      %gt3A_103 = arith.cmpi sgt, %scan3A_100, %gt3A : i32
      %or3A = arith.constant false
      %or3A_104 = arith.ori %gt3A_103, %or3A : i1
      %convert_element_type3A_105 = arith.extui %or3A_104 : i1 to i32
      %cond3A_106 = arith.constant 0 : i32
      %cond3A_107 = arith.cmpi ne, %convert_element_type3A_105, %cond3A_106 : i32
      scf.if %cond3A_107 {
        %dma_wait3A_267 = arith.constant 0 : i32
        %dma_wait3A_268 = arith.constant 0 : i32
        %dma_wait3A_269 = arith.constant 0 : i32
        %dma_wait3A_270 = tpu.memref_slice %arg10[%dma_wait3A_267, %dma_wait3A_268, %dma_wait3A_269] : memref<2x128x128xf32, #tpu.memory_space<vmem>> -> memref<1x128x128xf32, #tpu.memory_space<vmem>>
        %dma_wait3A_271 = tpu.memref_squeeze %dma_wait3A_270 : memref<1x128x128xf32, #tpu.memory_space<vmem>> -> memref<128x128xf32, #tpu.memory_space<vmem>>
        %dma_wait3A_272 = arith.constant 0 : i32
        %dma_wait3A_273 = arith.constant 0 : i32
        %dma_wait3A_274 = tpu.memref_slice %arg2[%dma_wait3A_272, %dma_wait3A_273] : memref<10000x128xf32, #tpu.memory_space<hbm>> -> memref<128x128xf32, #tpu.memory_space<hbm>>
        %dma_wait3A_275 = arith.constant 0 : i32
        %dma_wait3A_276 = arith.constant 0 : i32
        %dma_wait3A_277 = tpu.memref_slice %arg10[%dma_wait3A_267, %dma_wait3A_275, %dma_wait3A_276] : memref<2x128x128xf32, #tpu.memory_space<vmem>> -> memref<1x128x128xf32, #tpu.memory_space<vmem>>
        %dma_wait3A_278 = tpu.memref_squeeze %dma_wait3A_277 : memref<1x128x128xf32, #tpu.memory_space<vmem>> -> memref<128x128xf32, #tpu.memory_space<vmem>>
        %dma_wait3A_279 = arith.constant 0 : i32
        %dma_wait3A_280 = arith.constant 0 : i32
        %dma_wait3A_281 = tpu.memref_slice %arg2[%dma_wait3A_279, %dma_wait3A_280] : memref<10000x128xf32, #tpu.memory_space<hbm>> -> memref<128x128xf32, #tpu.memory_space<hbm>>
        tpu.wait_dma2 semaphore(%arg15 : memref<!tpu.dma_semaphore, #tpu.memory_space<semaphore_mem>>) src(%dma_wait3A_281 : memref<128x128xf32, #tpu.memory_space<hbm>>) dst(%dma_wait3A_278 : memref<128x128xf32, #tpu.memory_space<vmem>>)
      } else {
      }
      %add3A_108 = arith.constant 0 : i32
      %add3A_109 = arith.addi %mul3A_102, %add3A_108 : i32
      %dma_start3A = arith.constant 0 : i32
      %dma_start3A_110 = arith.constant 0 : i32
      %dma_start3A_111 = arith.constant 0 : i32
      %dma_start3A_112 = tpu.memref_slice %arg10[%dma_start3A, %dma_start3A_110, %dma_start3A_111] : memref<2x128x128xf32, #tpu.memory_space<vmem>> -> memref<1x128x128xf32, #tpu.memory_space<vmem>>
      %dma_start3A_113 = tpu.memref_squeeze %dma_start3A_112 : memref<1x128x128xf32, #tpu.memory_space<vmem>> -> memref<128x128xf32, #tpu.memory_space<vmem>>
      %dma_start3A_114 = arith.constant 0 : i32
      %dma_start3A_115 = tpu.memref_slice %arg8[%add3A_109, %dma_start3A_114] : memref<16x128xi32, #tpu.memory_space<vmem>> -> memref<1x128xi32, #tpu.memory_space<vmem>>
      %dma_start3A_116 = tpu.memref_squeeze %dma_start3A_115 : memref<1x128xi32, #tpu.memory_space<vmem>> -> memref<128xi32, #tpu.memory_space<vmem>>
      %dma_start3A_117 = arith.constant 0 : i32
      %dma_start3A_118 = arith.constant 0 : i32
      %dma_start3A_119 = tpu.memref_slice %arg2[%dma_start3A_117, %dma_start3A_118] : memref<10000x128xf32, #tpu.memory_space<hbm>> -> memref<10000x128xf32, #tpu.memory_space<hbm>>
      tpu.enqueue_indirect_dma source(%dma_start3A_119 : memref<10000x128xf32, #tpu.memory_space<hbm>>) target(%dma_start3A_113 : memref<128x128xf32, #tpu.memory_space<vmem>>) offsets(%dma_start3A_116 : memref<128xi32, #tpu.memory_space<vmem>>) semaphore(%arg13 : memref<!tpu.dma_semaphore, #tpu.memory_space<semaphore_mem>>)
      %gt3A_120 = arith.constant 0 : i32
      %gt3A_121 = arith.cmpi sgt, %scan3A_100, %gt3A_120 : i32
      %or3A_122 = arith.constant false
      %or3A_123 = arith.ori %gt3A_121, %or3A_122 : i1
      %convert_element_type3A_124 = arith.extui %or3A_123 : i1 to i32
      %cond3A_125 = arith.constant 0 : i32
      %cond3A_126 = arith.cmpi ne, %convert_element_type3A_124, %cond3A_125 : i32
      scf.if %cond3A_126 {
        %dma_wait3A_267 = arith.constant 1 : i32
        %dma_wait3A_268 = arith.constant 0 : i32
        %dma_wait3A_269 = arith.constant 0 : i32
        %dma_wait3A_270 = tpu.memref_slice %arg10[%dma_wait3A_267, %dma_wait3A_268, %dma_wait3A_269] : memref<2x128x128xf32, #tpu.memory_space<vmem>> -> memref<1x128x128xf32, #tpu.memory_space<vmem>>
        %dma_wait3A_271 = tpu.memref_squeeze %dma_wait3A_270 : memref<1x128x128xf32, #tpu.memory_space<vmem>> -> memref<128x128xf32, #tpu.memory_space<vmem>>
        %dma_wait3A_272 = arith.constant 0 : i32
        %dma_wait3A_273 = arith.constant 0 : i32
        %dma_wait3A_274 = tpu.memref_slice %arg2[%dma_wait3A_272, %dma_wait3A_273] : memref<10000x128xf32, #tpu.memory_space<hbm>> -> memref<128x128xf32, #tpu.memory_space<hbm>>
        %dma_wait3A_275 = arith.constant 0 : i32
        %dma_wait3A_276 = arith.constant 0 : i32
        %dma_wait3A_277 = tpu.memref_slice %arg10[%dma_wait3A_267, %dma_wait3A_275, %dma_wait3A_276] : memref<2x128x128xf32, #tpu.memory_space<vmem>> -> memref<1x128x128xf32, #tpu.memory_space<vmem>>
        %dma_wait3A_278 = tpu.memref_squeeze %dma_wait3A_277 : memref<1x128x128xf32, #tpu.memory_space<vmem>> -> memref<128x128xf32, #tpu.memory_space<vmem>>
        %dma_wait3A_279 = arith.constant 0 : i32
        %dma_wait3A_280 = arith.constant 0 : i32
        %dma_wait3A_281 = tpu.memref_slice %arg2[%dma_wait3A_279, %dma_wait3A_280] : memref<10000x128xf32, #tpu.memory_space<hbm>> -> memref<128x128xf32, #tpu.memory_space<hbm>>
        tpu.wait_dma2 semaphore(%arg16 : memref<!tpu.dma_semaphore, #tpu.memory_space<semaphore_mem>>) src(%dma_wait3A_281 : memref<128x128xf32, #tpu.memory_space<hbm>>) dst(%dma_wait3A_278 : memref<128x128xf32, #tpu.memory_space<vmem>>)
      } else {
      }
      %add3A_127 = arith.constant 1 : i32
      %add3A_128 = arith.addi %mul3A_102, %add3A_127 : i32
      %dma_start3A_129 = arith.constant 1 : i32
      %dma_start3A_130 = arith.constant 0 : i32
      %dma_start3A_131 = arith.constant 0 : i32
      %dma_start3A_132 = tpu.memref_slice %arg10[%dma_start3A_129, %dma_start3A_130, %dma_start3A_131] : memref<2x128x128xf32, #tpu.memory_space<vmem>> -> memref<1x128x128xf32, #tpu.memory_space<vmem>>
      %dma_start3A_133 = tpu.memref_squeeze %dma_start3A_132 : memref<1x128x128xf32, #tpu.memory_space<vmem>> -> memref<128x128xf32, #tpu.memory_space<vmem>>
      %dma_start3A_134 = arith.constant 0 : i32
      %dma_start3A_135 = tpu.memref_slice %arg8[%add3A_128, %dma_start3A_134] : memref<16x128xi32, #tpu.memory_space<vmem>> -> memref<1x128xi32, #tpu.memory_space<vmem>>
      %dma_start3A_136 = tpu.memref_squeeze %dma_start3A_135 : memref<1x128xi32, #tpu.memory_space<vmem>> -> memref<128xi32, #tpu.memory_space<vmem>>
      %dma_start3A_137 = arith.constant 0 : i32
      %dma_start3A_138 = arith.constant 0 : i32
      %dma_start3A_139 = tpu.memref_slice %arg2[%dma_start3A_137, %dma_start3A_138] : memref<10000x128xf32, #tpu.memory_space<hbm>> -> memref<10000x128xf32, #tpu.memory_space<hbm>>
      tpu.enqueue_indirect_dma source(%dma_start3A_139 : memref<10000x128xf32, #tpu.memory_space<hbm>>) target(%dma_start3A_133 : memref<128x128xf32, #tpu.memory_space<vmem>>) offsets(%dma_start3A_136 : memref<128xi32, #tpu.memory_space<vmem>>) semaphore(%arg14 : memref<!tpu.dma_semaphore, #tpu.memory_space<semaphore_mem>>)
      %dma_wait3A_140 = arith.constant 0 : i32
      %dma_wait3A_141 = arith.constant 0 : i32
      %dma_wait3A_142 = arith.constant 0 : i32
      %dma_wait3A_143 = tpu.memref_slice %arg10[%dma_wait3A_140, %dma_wait3A_141, %dma_wait3A_142] : memref<2x128x128xf32, #tpu.memory_space<vmem>> -> memref<1x128x128xf32, #tpu.memory_space<vmem>>
      %dma_wait3A_144 = tpu.memref_squeeze %dma_wait3A_143 : memref<1x128x128xf32, #tpu.memory_space<vmem>> -> memref<128x128xf32, #tpu.memory_space<vmem>>
      %dma_wait3A_145 = arith.constant 0 : i32
      %dma_wait3A_146 = tpu.memref_slice %arg8[%add3A_109, %dma_wait3A_145] : memref<16x128xi32, #tpu.memory_space<vmem>> -> memref<1x128xi32, #tpu.memory_space<vmem>>
      %dma_wait3A_147 = tpu.memref_squeeze %dma_wait3A_146 : memref<1x128xi32, #tpu.memory_space<vmem>> -> memref<128xi32, #tpu.memory_space<vmem>>
      %dma_wait3A_148 = arith.constant 0 : i32
      %dma_wait3A_149 = arith.constant 0 : i32
      %dma_wait3A_150 = tpu.memref_slice %arg2[%dma_wait3A_148, %dma_wait3A_149] : memref<10000x128xf32, #tpu.memory_space<hbm>> -> memref<10000x128xf32, #tpu.memory_space<hbm>>
      tpu.wait_indirect_dma semaphore(%arg13 : memref<!tpu.dma_semaphore, #tpu.memory_space<semaphore_mem>>) src(%dma_wait3A_150 : memref<10000x128xf32, #tpu.memory_space<hbm>>) dst(%dma_wait3A_144 : memref<128x128xf32, #tpu.memory_space<vmem>>)
      %add3A_151 = arith.constant 0 : i32
      %add3A_152 = arith.addi %mul3A_102, %add3A_151 : i32
      %dma_start3A_153 = arith.constant 0 : i32
      %dma_start3A_154 = arith.constant 0 : i32
      %dma_start3A_155 = arith.constant 0 : i32
      %dma_start3A_156 = tpu.memref_slice %arg10[%dma_start3A_153, %dma_start3A_154, %dma_start3A_155] : memref<2x128x128xf32, #tpu.memory_space<vmem>> -> memref<1x128x128xf32, #tpu.memory_space<vmem>>
      %dma_start3A_157 = tpu.memref_squeeze %dma_start3A_156 : memref<1x128x128xf32, #tpu.memory_space<vmem>> -> memref<128x128xf32, #tpu.memory_space<vmem>>
      %dma_start3A_158 = arith.constant 0 : i32
      %dma_start3A_159 = tpu.memref_slice %arg9[%add3A_152, %dma_start3A_158] : memref<16x128xi32, #tpu.memory_space<vmem>> -> memref<1x128xi32, #tpu.memory_space<vmem>>
      %dma_start3A_160 = tpu.memref_squeeze %dma_start3A_159 : memref<1x128xi32, #tpu.memory_space<vmem>> -> memref<128xi32, #tpu.memory_space<vmem>>
      %dma_start3A_161 = arith.constant 0 : i32
      %dma_start3A_162 = arith.constant 0 : i32
      %dma_start3A_163 = tpu.memref_slice %arg12[%dma_start3A_161, %dma_start3A_162] : memref<10128x128xf32, #tpu.memory_space<vmem_shared>> -> memref<10128x128xf32, #tpu.memory_space<vmem_shared>>
      tpu.enqueue_indirect_dma source(%dma_start3A_157 : memref<128x128xf32, #tpu.memory_space<vmem>>) target(%dma_start3A_163 : memref<10128x128xf32, #tpu.memory_space<vmem_shared>>) offsets(%dma_start3A_160 : memref<128xi32, #tpu.memory_space<vmem>>) semaphore(%arg15 : memref<!tpu.dma_semaphore, #tpu.memory_space<semaphore_mem>>) {add = true}
      %add3A_164 = arith.constant 0 : i32
      %add3A_165 = arith.addi %mul3A_102, %add3A_164 : i32
      %get3A = arith.index_cast %add3A_165 : i32 to index
      %get3A_166 = arith.constant 0 : index
      %get3A_167 = tpu.vector_load %arg9[%get3A, %get3A_166] {strides = array<i32>} : memref<16x128xi32, #tpu.memory_space<vmem>>, vector<16xi32>,
      tpu.vector_store_idx %arg11[%get3A_167], %broadcast_in_dim3A_12 {add = true} : memref<10128xf32, #tpu.memory_space<vmem>>[vector<16xi32>], vector<16xf32>,
      %add3A_168 = arith.constant 0 : i32
      %add3A_169 = arith.addi %mul3A_102, %add3A_168 : i32
      %get3A_170 = arith.index_cast %add3A_169 : i32 to index
      %get3A_171 = arith.constant 16 : index
      %get3A_172 = tpu.vector_load %arg9[%get3A_170, %get3A_171] {strides = array<i32>} : memref<16x128xi32, #tpu.memory_space<vmem>>, vector<16xi32>,
      tpu.vector_store_idx %arg11[%get3A_172], %broadcast_in_dim3A_12 {add = true} : memref<10128xf32, #tpu.memory_space<vmem>>[vector<16xi32>], vector<16xf32>,
      %add3A_173 = arith.constant 0 : i32
      %add3A_174 = arith.addi %mul3A_102, %add3A_173 : i32
      %get3A_175 = arith.index_cast %add3A_174 : i32 to index
      %get3A_176 = arith.constant 32 : index
      %get3A_177 = tpu.vector_load %arg9[%get3A_175, %get3A_176] {strides = array<i32>} : memref<16x128xi32, #tpu.memory_space<vmem>>, vector<16xi32>,
      tpu.vector_store_idx %arg11[%get3A_177], %broadcast_in_dim3A_12 {add = true} : memref<10128xf32, #tpu.memory_space<vmem>>[vector<16xi32>], vector<16xf32>,
      %add3A_178 = arith.constant 0 : i32
      %add3A_179 = arith.addi %mul3A_102, %add3A_178 : i32
      %get3A_180 = arith.index_cast %add3A_179 : i32 to index
      %get3A_181 = arith.constant 48 : index
      %get3A_182 = tpu.vector_load %arg9[%get3A_180, %get3A_181] {strides = array<i32>} : memref<16x128xi32, #tpu.memory_space<vmem>>, vector<16xi32>,
      tpu.vector_store_idx %arg11[%get3A_182], %broadcast_in_dim3A_12 {add = true} : memref<10128xf32, #tpu.memory_space<vmem>>[vector<16xi32>], vector<16xf32>,
      %add3A_183 = arith.constant 0 : i32
      %add3A_184 = arith.addi %mul3A_102, %add3A_183 : i32
      %get3A_185 = arith.index_cast %add3A_184 : i32 to index
      %get3A_186 = arith.constant 64 : index
      %get3A_187 = tpu.vector_load %arg9[%get3A_185, %get3A_186] {strides = array<i32>} : memref<16x128xi32, #tpu.memory_space<vmem>>, vector<16xi32>,
      tpu.vector_store_idx %arg11[%get3A_187], %broadcast_in_dim3A_12 {add = true} : memref<10128xf32, #tpu.memory_space<vmem>>[vector<16xi32>], vector<16xf32>,
      %add3A_188 = arith.constant 0 : i32
      %add3A_189 = arith.addi %mul3A_102, %add3A_188 : i32
      %get3A_190 = arith.index_cast %add3A_189 : i32 to index
      %get3A_191 = arith.constant 80 : index
      %get3A_192 = tpu.vector_load %arg9[%get3A_190, %get3A_191] {strides = array<i32>} : memref<16x128xi32, #tpu.memory_space<vmem>>, vector<16xi32>,
      tpu.vector_store_idx %arg11[%get3A_192], %broadcast_in_dim3A_12 {add = true} : memref<10128xf32, #tpu.memory_space<vmem>>[vector<16xi32>], vector<16xf32>,
      %add3A_193 = arith.constant 0 : i32
      %add3A_194 = arith.addi %mul3A_102, %add3A_193 : i32
      %get3A_195 = arith.index_cast %add3A_194 : i32 to index
      %get3A_196 = arith.constant 96 : index
      %get3A_197 = tpu.vector_load %arg9[%get3A_195, %get3A_196] {strides = array<i32>} : memref<16x128xi32, #tpu.memory_space<vmem>>, vector<16xi32>,
      tpu.vector_store_idx %arg11[%get3A_197], %broadcast_in_dim3A_12 {add = true} : memref<10128xf32, #tpu.memory_space<vmem>>[vector<16xi32>], vector<16xf32>,
      %add3A_198 = arith.constant 0 : i32
      %add3A_199 = arith.addi %mul3A_102, %add3A_198 : i32
      %get3A_200 = arith.index_cast %add3A_199 : i32 to index
      %get3A_201 = arith.constant 112 : index
      %get3A_202 = tpu.vector_load %arg9[%get3A_200, %get3A_201] {strides = array<i32>} : memref<16x128xi32, #tpu.memory_space<vmem>>, vector<16xi32>,
      tpu.vector_store_idx %arg11[%get3A_202], %broadcast_in_dim3A_12 {add = true} : memref<10128xf32, #tpu.memory_space<vmem>>[vector<16xi32>], vector<16xf32>,
      %dma_wait3A_203 = arith.constant 1 : i32
      %dma_wait3A_204 = arith.constant 0 : i32
      %dma_wait3A_205 = arith.constant 0 : i32
      %dma_wait3A_206 = tpu.memref_slice %arg10[%dma_wait3A_203, %dma_wait3A_204, %dma_wait3A_205] : memref<2x128x128xf32, #tpu.memory_space<vmem>> -> memref<1x128x128xf32, #tpu.memory_space<vmem>>
      %dma_wait3A_207 = tpu.memref_squeeze %dma_wait3A_206 : memref<1x128x128xf32, #tpu.memory_space<vmem>> -> memref<128x128xf32, #tpu.memory_space<vmem>>
      %dma_wait3A_208 = arith.constant 0 : i32
      %dma_wait3A_209 = tpu.memref_slice %arg8[%add3A_128, %dma_wait3A_208] : memref<16x128xi32, #tpu.memory_space<vmem>> -> memref<1x128xi32, #tpu.memory_space<vmem>>
      %dma_wait3A_210 = tpu.memref_squeeze %dma_wait3A_209 : memref<1x128xi32, #tpu.memory_space<vmem>> -> memref<128xi32, #tpu.memory_space<vmem>>
      %dma_wait3A_211 = arith.constant 0 : i32
      %dma_wait3A_212 = arith.constant 0 : i32
      %dma_wait3A_213 = tpu.memref_slice %arg2[%dma_wait3A_211, %dma_wait3A_212] : memref<10000x128xf32, #tpu.memory_space<hbm>> -> memref<10000x128xf32, #tpu.memory_space<hbm>>
      tpu.wait_indirect_dma semaphore(%arg14 : memref<!tpu.dma_semaphore, #tpu.memory_space<semaphore_mem>>) src(%dma_wait3A_213 : memref<10000x128xf32, #tpu.memory_space<hbm>>) dst(%dma_wait3A_207 : memref<128x128xf32, #tpu.memory_space<vmem>>)
      %add3A_214 = arith.constant 1 : i32
      %add3A_215 = arith.addi %mul3A_102, %add3A_214 : i32
      %dma_start3A_216 = arith.constant 1 : i32
      %dma_start3A_217 = arith.constant 0 : i32
      %dma_start3A_218 = arith.constant 0 : i32
      %dma_start3A_219 = tpu.memref_slice %arg10[%dma_start3A_216, %dma_start3A_217, %dma_start3A_218] : memref<2x128x128xf32, #tpu.memory_space<vmem>> -> memref<1x128x128xf32, #tpu.memory_space<vmem>>
      %dma_start3A_220 = tpu.memref_squeeze %dma_start3A_219 : memref<1x128x128xf32, #tpu.memory_space<vmem>> -> memref<128x128xf32, #tpu.memory_space<vmem>>
      %dma_start3A_221 = arith.constant 0 : i32
      %dma_start3A_222 = tpu.memref_slice %arg9[%add3A_215, %dma_start3A_221] : memref<16x128xi32, #tpu.memory_space<vmem>> -> memref<1x128xi32, #tpu.memory_space<vmem>>
      %dma_start3A_223 = tpu.memref_squeeze %dma_start3A_222 : memref<1x128xi32, #tpu.memory_space<vmem>> -> memref<128xi32, #tpu.memory_space<vmem>>
      %dma_start3A_224 = arith.constant 0 : i32
      %dma_start3A_225 = arith.constant 0 : i32
      %dma_start3A_226 = tpu.memref_slice %arg12[%dma_start3A_224, %dma_start3A_225] : memref<10128x128xf32, #tpu.memory_space<vmem_shared>> -> memref<10128x128xf32, #tpu.memory_space<vmem_shared>>
      tpu.enqueue_indirect_dma source(%dma_start3A_220 : memref<128x128xf32, #tpu.memory_space<vmem>>) target(%dma_start3A_226 : memref<10128x128xf32, #tpu.memory_space<vmem_shared>>) offsets(%dma_start3A_223 : memref<128xi32, #tpu.memory_space<vmem>>) semaphore(%arg16 : memref<!tpu.dma_semaphore, #tpu.memory_space<semaphore_mem>>) {add = true}
      %add3A_227 = arith.constant 1 : i32
      %add3A_228 = arith.addi %mul3A_102, %add3A_227 : i32
      %get3A_229 = arith.index_cast %add3A_228 : i32 to index
      %get3A_230 = arith.constant 0 : index
      %get3A_231 = tpu.vector_load %arg9[%get3A_229, %get3A_230] {strides = array<i32>} : memref<16x128xi32, #tpu.memory_space<vmem>>, vector<16xi32>,
      tpu.vector_store_idx %arg11[%get3A_231], %broadcast_in_dim3A_12 {add = true} : memref<10128xf32, #tpu.memory_space<vmem>>[vector<16xi32>], vector<16xf32>,
      %add3A_232 = arith.constant 1 : i32
      %add3A_233 = arith.addi %mul3A_102, %add3A_232 : i32
      %get3A_234 = arith.index_cast %add3A_233 : i32 to index
      %get3A_235 = arith.constant 16 : index
      %get3A_236 = tpu.vector_load %arg9[%get3A_234, %get3A_235] {strides = array<i32>} : memref<16x128xi32, #tpu.memory_space<vmem>>, vector<16xi32>,
      tpu.vector_store_idx %arg11[%get3A_236], %broadcast_in_dim3A_12 {add = true} : memref<10128xf32, #tpu.memory_space<vmem>>[vector<16xi32>], vector<16xf32>,
      %add3A_237 = arith.constant 1 : i32
      %add3A_238 = arith.addi %mul3A_102, %add3A_237 : i32
      %get3A_239 = arith.index_cast %add3A_238 : i32 to index
      %get3A_240 = arith.constant 32 : index
      %get3A_241 = tpu.vector_load %arg9[%get3A_239, %get3A_240] {strides = array<i32>} : memref<16x128xi32, #tpu.memory_space<vmem>>, vector<16xi32>,
      tpu.vector_store_idx %arg11[%get3A_241], %broadcast_in_dim3A_12 {add = true} : memref<10128xf32, #tpu.memory_space<vmem>>[vector<16xi32>], vector<16xf32>,
      %add3A_242 = arith.constant 1 : i32
      %add3A_243 = arith.addi %mul3A_102, %add3A_242 : i32
      %get3A_244 = arith.index_cast %add3A_243 : i32 to index
      %get3A_245 = arith.constant 48 : index
      %get3A_246 = tpu.vector_load %arg9[%get3A_244, %get3A_245] {strides = array<i32>} : memref<16x128xi32, #tpu.memory_space<vmem>>, vector<16xi32>,
      tpu.vector_store_idx %arg11[%get3A_246], %broadcast_in_dim3A_12 {add = true} : memref<10128xf32, #tpu.memory_space<vmem>>[vector<16xi32>], vector<16xf32>,
      %add3A_247 = arith.constant 1 : i32
      %add3A_248 = arith.addi %mul3A_102, %add3A_247 : i32
      %get3A_249 = arith.index_cast %add3A_248 : i32 to index
      %get3A_250 = arith.constant 64 : index
      %get3A_251 = tpu.vector_load %arg9[%get3A_249, %get3A_250] {strides = array<i32>} : memref<16x128xi32, #tpu.memory_space<vmem>>, vector<16xi32>,
      tpu.vector_store_idx %arg11[%get3A_251], %broadcast_in_dim3A_12 {add = true} : memref<10128xf32, #tpu.memory_space<vmem>>[vector<16xi32>], vector<16xf32>,
      %add3A_252 = arith.constant 1 : i32
      %add3A_253 = arith.addi %mul3A_102, %add3A_252 : i32
      %get3A_254 = arith.index_cast %add3A_253 : i32 to index
      %get3A_255 = arith.constant 80 : index
      %get3A_256 = tpu.vector_load %arg9[%get3A_254, %get3A_255] {strides = array<i32>} : memref<16x128xi32, #tpu.memory_space<vmem>>, vector<16xi32>,
      tpu.vector_store_idx %arg11[%get3A_256], %broadcast_in_dim3A_12 {add = true} : memref<10128xf32, #tpu.memory_space<vmem>>[vector<16xi32>], vector<16xf32>,
      %add3A_257 = arith.constant 1 : i32
      %add3A_258 = arith.addi %mul3A_102, %add3A_257 : i32
      %get3A_259 = arith.index_cast %add3A_258 : i32 to index
      %get3A_260 = arith.constant 96 : index
      %get3A_261 = tpu.vector_load %arg9[%get3A_259, %get3A_260] {strides = array<i32>} : memref<16x128xi32, #tpu.memory_space<vmem>>, vector<16xi32>,
      tpu.vector_store_idx %arg11[%get3A_261], %broadcast_in_dim3A_12 {add = true} : memref<10128xf32, #tpu.memory_space<vmem>>[vector<16xi32>], vector<16xf32>,
      %add3A_262 = arith.constant 1 : i32
      %add3A_263 = arith.addi %mul3A_102, %add3A_262 : i32
      %get3A_264 = arith.index_cast %add3A_263 : i32 to index
      %get3A_265 = arith.constant 112 : index
      %get3A_266 = tpu.vector_load %arg9[%get3A_264, %get3A_265] {strides = array<i32>} : memref<16x128xi32, #tpu.memory_space<vmem>>, vector<16xi32>,
      tpu.vector_store_idx %arg11[%get3A_266], %broadcast_in_dim3A_12 {add = true} : memref<10128xf32, #tpu.memory_space<vmem>>[vector<16xi32>], vector<16xf32>,
    }
    %scan3A_22 = arith.constant 8 : i32
    %mul3A_23 = arith.constant 80 : i32
    %mul3A_24 = arith.muli %add3A, %mul3A_23 : i32
    %add3A_25 = arith.constant 16 : i32
    %add3A_26 = arith.addi %mul3A_24, %add3A_25 : i32
    "tpu.region"() ({
      %run_scoped3A = tpu.sem_alloc : memref<!tpu.dma_semaphore, #tpu.memory_space<semaphore_mem>>
      %dma_start3A = arith.constant 0 : i32
      %dma_start3A_100 = tpu.memref_slice %arg3[%add3A_26, %dma_start3A] : memref<2560x128xi32, #tpu.memory_space<hbm>> -> memref<16x128xi32, #tpu.memory_space<hbm>>
      %dma_start3A_101 = arith.constant 0 : i32
      %dma_start3A_102 = tpu.memref_slice %arg3[%add3A_26, %dma_start3A_101] : memref<2560x128xi32, #tpu.memory_space<hbm>> -> memref<16x128xi32, #tpu.memory_space<hbm>>
      tpu.enqueue_dma source(%dma_start3A_102 : memref<16x128xi32, #tpu.memory_space<hbm>>) target(%arg8 : memref<16x128xi32, #tpu.memory_space<vmem>>) target_semaphore(%run_scoped3A : memref<!tpu.dma_semaphore, #tpu.memory_space<semaphore_mem>>)
      %dma_wait3A_103 = arith.constant 0 : i32
      %dma_wait3A_104 = tpu.memref_slice %arg3[%add3A_26, %dma_wait3A_103] : memref<2560x128xi32, #tpu.memory_space<hbm>> -> memref<16x128xi32, #tpu.memory_space<hbm>>
      %dma_wait3A_105 = arith.constant 0 : i32
      %dma_wait3A_106 = tpu.memref_slice %arg3[%add3A_26, %dma_wait3A_105] : memref<2560x128xi32, #tpu.memory_space<hbm>> -> memref<16x128xi32, #tpu.memory_space<hbm>>
      tpu.wait_dma2 semaphore(%run_scoped3A : memref<!tpu.dma_semaphore, #tpu.memory_space<semaphore_mem>>) src(%dma_wait3A_106 : memref<16x128xi32, #tpu.memory_space<hbm>>) dst(%arg8 : memref<16x128xi32, #tpu.memory_space<vmem>>)
      tpu.yield
    }) : () -> ()
    "tpu.region"() ({
      %run_scoped3A = tpu.sem_alloc : memref<!tpu.dma_semaphore, #tpu.memory_space<semaphore_mem>>
      %dma_start3A = arith.constant 0 : i32
      %dma_start3A_100 = tpu.memref_slice %arg4[%add3A_26, %dma_start3A] : memref<2560x128xi32, #tpu.memory_space<hbm>> -> memref<16x128xi32, #tpu.memory_space<hbm>>
      %dma_start3A_101 = arith.constant 0 : i32
      %dma_start3A_102 = tpu.memref_slice %arg4[%add3A_26, %dma_start3A_101] : memref<2560x128xi32, #tpu.memory_space<hbm>> -> memref<16x128xi32, #tpu.memory_space<hbm>>
      tpu.enqueue_dma source(%dma_start3A_102 : memref<16x128xi32, #tpu.memory_space<hbm>>) target(%arg9 : memref<16x128xi32, #tpu.memory_space<vmem>>) target_semaphore(%run_scoped3A : memref<!tpu.dma_semaphore, #tpu.memory_space<semaphore_mem>>)
      %dma_wait3A_103 = arith.constant 0 : i32
      %dma_wait3A_104 = tpu.memref_slice %arg4[%add3A_26, %dma_wait3A_103] : memref<2560x128xi32, #tpu.memory_space<hbm>> -> memref<16x128xi32, #tpu.memory_space<hbm>>
      %dma_wait3A_105 = arith.constant 0 : i32
      %dma_wait3A_106 = tpu.memref_slice %arg4[%add3A_26, %dma_wait3A_105] : memref<2560x128xi32, #tpu.memory_space<hbm>> -> memref<16x128xi32, #tpu.memory_space<hbm>>
      tpu.wait_dma2 semaphore(%run_scoped3A : memref<!tpu.dma_semaphore, #tpu.memory_space<semaphore_mem>>) src(%dma_wait3A_106 : memref<16x128xi32, #tpu.memory_space<hbm>>) dst(%arg9 : memref<16x128xi32, #tpu.memory_space<vmem>>)
      tpu.yield
    }) : () -> ()
    %scan3A_27 = arith.constant 0 : i32
    %scan3A_28 = arith.constant 0 : i32
    %scan3A_29 = arith.constant 8 : i32
    %scan3A_30 = arith.addi %scan3A_28, %scan3A_29 : i32
    %scan3A_31 = arith.constant 1 : i32
    scf.for %scan3A_100 = %scan3A_28 to %scan3A_30 step %scan3A_31  : i32 {
      %mul3A_101 = arith.constant 2 : i32
      %mul3A_102 = arith.muli %scan3A_100, %mul3A_101 : i32
      %gt3A = arith.constant 0 : i32
      %gt3A_103 = arith.cmpi sgt, %scan3A_100, %gt3A : i32
      %or3A = arith.constant true
      %or3A_104 = arith.ori %gt3A_103, %or3A : i1
      %convert_element_type3A_105 = arith.extui %or3A_104 : i1 to i32
      %cond3A_106 = arith.constant 0 : i32
      %cond3A_107 = arith.cmpi ne, %convert_element_type3A_105, %cond3A_106 : i32
      scf.if %cond3A_107 {
        %dma_wait3A_267 = arith.constant 0 : i32
        %dma_wait3A_268 = arith.constant 0 : i32
        %dma_wait3A_269 = arith.constant 0 : i32
        %dma_wait3A_270 = tpu.memref_slice %arg10[%dma_wait3A_267, %dma_wait3A_268, %dma_wait3A_269] : memref<2x128x128xf32, #tpu.memory_space<vmem>> -> memref<1x128x128xf32, #tpu.memory_space<vmem>>
        %dma_wait3A_271 = tpu.memref_squeeze %dma_wait3A_270 : memref<1x128x128xf32, #tpu.memory_space<vmem>> -> memref<128x128xf32, #tpu.memory_space<vmem>>
        %dma_wait3A_272 = arith.constant 0 : i32
        %dma_wait3A_273 = arith.constant 0 : i32
        %dma_wait3A_274 = tpu.memref_slice %arg2[%dma_wait3A_272, %dma_wait3A_273] : memref<10000x128xf32, #tpu.memory_space<hbm>> -> memref<128x128xf32, #tpu.memory_space<hbm>>
        %dma_wait3A_275 = arith.constant 0 : i32
        %dma_wait3A_276 = arith.constant 0 : i32
        %dma_wait3A_277 = tpu.memref_slice %arg10[%dma_wait3A_267, %dma_wait3A_275, %dma_wait3A_276] : memref<2x128x128xf32, #tpu.memory_space<vmem>> -> memref<1x128x128xf32, #tpu.memory_space<vmem>>
        %dma_wait3A_278 = tpu.memref_squeeze %dma_wait3A_277 : memref<1x128x128xf32, #tpu.memory_space<vmem>> -> memref<128x128xf32, #tpu.memory_space<vmem>>
        %dma_wait3A_279 = arith.constant 0 : i32
        %dma_wait3A_280 = arith.constant 0 : i32
        %dma_wait3A_281 = tpu.memref_slice %arg2[%dma_wait3A_279, %dma_wait3A_280] : memref<10000x128xf32, #tpu.memory_space<hbm>> -> memref<128x128xf32, #tpu.memory_space<hbm>>
        tpu.wait_dma2 semaphore(%arg15 : memref<!tpu.dma_semaphore, #tpu.memory_space<semaphore_mem>>) src(%dma_wait3A_281 : memref<128x128xf32, #tpu.memory_space<hbm>>) dst(%dma_wait3A_278 : memref<128x128xf32, #tpu.memory_space<vmem>>)
      } else {
      }
      %add3A_108 = arith.constant 0 : i32
      %add3A_109 = arith.addi %mul3A_102, %add3A_108 : i32
      %dma_start3A = arith.constant 0 : i32
      %dma_start3A_110 = arith.constant 0 : i32
      %dma_start3A_111 = arith.constant 0 : i32
      %dma_start3A_112 = tpu.memref_slice %arg10[%dma_start3A, %dma_start3A_110, %dma_start3A_111] : memref<2x128x128xf32, #tpu.memory_space<vmem>> -> memref<1x128x128xf32, #tpu.memory_space<vmem>>
      %dma_start3A_113 = tpu.memref_squeeze %dma_start3A_112 : memref<1x128x128xf32, #tpu.memory_space<vmem>> -> memref<128x128xf32, #tpu.memory_space<vmem>>
      %dma_start3A_114 = arith.constant 0 : i32
      %dma_start3A_115 = tpu.memref_slice %arg8[%add3A_109, %dma_start3A_114] : memref<16x128xi32, #tpu.memory_space<vmem>> -> memref<1x128xi32, #tpu.memory_space<vmem>>
      %dma_start3A_116 = tpu.memref_squeeze %dma_start3A_115 : memref<1x128xi32, #tpu.memory_space<vmem>> -> memref<128xi32, #tpu.memory_space<vmem>>
      %dma_start3A_117 = arith.constant 0 : i32
      %dma_start3A_118 = arith.constant 0 : i32
      %dma_start3A_119 = tpu.memref_slice %arg2[%dma_start3A_117, %dma_start3A_118] : memref<10000x128xf32, #tpu.memory_space<hbm>> -> memref<10000x128xf32, #tpu.memory_space<hbm>>
      tpu.enqueue_indirect_dma source(%dma_start3A_119 : memref<10000x128xf32, #tpu.memory_space<hbm>>) target(%dma_start3A_113 : memref<128x128xf32, #tpu.memory_space<vmem>>) offsets(%dma_start3A_116 : memref<128xi32, #tpu.memory_space<vmem>>) semaphore(%arg13 : memref<!tpu.dma_semaphore, #tpu.memory_space<semaphore_mem>>)
      %gt3A_120 = arith.constant 0 : i32
      %gt3A_121 = arith.cmpi sgt, %scan3A_100, %gt3A_120 : i32
      %or3A_122 = arith.constant true
      %or3A_123 = arith.ori %gt3A_121, %or3A_122 : i1
      %convert_element_type3A_124 = arith.extui %or3A_123 : i1 to i32
      %cond3A_125 = arith.constant 0 : i32
      %cond3A_126 = arith.cmpi ne, %convert_element_type3A_124, %cond3A_125 : i32
      scf.if %cond3A_126 {
        %dma_wait3A_267 = arith.constant 1 : i32
        %dma_wait3A_268 = arith.constant 0 : i32
        %dma_wait3A_269 = arith.constant 0 : i32
        %dma_wait3A_270 = tpu.memref_slice %arg10[%dma_wait3A_267, %dma_wait3A_268, %dma_wait3A_269] : memref<2x128x128xf32, #tpu.memory_space<vmem>> -> memref<1x128x128xf32, #tpu.memory_space<vmem>>
        %dma_wait3A_271 = tpu.memref_squeeze %dma_wait3A_270 : memref<1x128x128xf32, #tpu.memory_space<vmem>> -> memref<128x128xf32, #tpu.memory_space<vmem>>
        %dma_wait3A_272 = arith.constant 0 : i32
        %dma_wait3A_273 = arith.constant 0 : i32
        %dma_wait3A_274 = tpu.memref_slice %arg2[%dma_wait3A_272, %dma_wait3A_273] : memref<10000x128xf32, #tpu.memory_space<hbm>> -> memref<128x128xf32, #tpu.memory_space<hbm>>
        %dma_wait3A_275 = arith.constant 0 : i32
        %dma_wait3A_276 = arith.constant 0 : i32
        %dma_wait3A_277 = tpu.memref_slice %arg10[%dma_wait3A_267, %dma_wait3A_275, %dma_wait3A_276] : memref<2x128x128xf32, #tpu.memory_space<vmem>> -> memref<1x128x128xf32, #tpu.memory_space<vmem>>
        %dma_wait3A_278 = tpu.memref_squeeze %dma_wait3A_277 : memref<1x128x128xf32, #tpu.memory_space<vmem>> -> memref<128x128xf32, #tpu.memory_space<vmem>>
        %dma_wait3A_279 = arith.constant 0 : i32
        %dma_wait3A_280 = arith.constant 0 : i32
        %dma_wait3A_281 = tpu.memref_slice %arg2[%dma_wait3A_279, %dma_wait3A_280] : memref<10000x128xf32, #tpu.memory_space<hbm>> -> memref<128x128xf32, #tpu.memory_space<hbm>>
        tpu.wait_dma2 semaphore(%arg16 : memref<!tpu.dma_semaphore, #tpu.memory_space<semaphore_mem>>) src(%dma_wait3A_281 : memref<128x128xf32, #tpu.memory_space<hbm>>) dst(%dma_wait3A_278 : memref<128x128xf32, #tpu.memory_space<vmem>>)
      } else {
      }
      %add3A_127 = arith.constant 1 : i32
      %add3A_128 = arith.addi %mul3A_102, %add3A_127 : i32
      %dma_start3A_129 = arith.constant 1 : i32
      %dma_start3A_130 = arith.constant 0 : i32
      %dma_start3A_131 = arith.constant 0 : i32
      %dma_start3A_132 = tpu.memref_slice %arg10[%dma_start3A_129, %dma_start3A_130, %dma_start3A_131] : memref<2x128x128xf32, #tpu.memory_space<vmem>> -> memref<1x128x128xf32, #tpu.memory_space<vmem>>
      %dma_start3A_133 = tpu.memref_squeeze %dma_start3A_132 : memref<1x128x128xf32, #tpu.memory_space<vmem>> -> memref<128x128xf32, #tpu.memory_space<vmem>>
      %dma_start3A_134 = arith.constant 0 : i32
      %dma_start3A_135 = tpu.memref_slice %arg8[%add3A_128, %dma_start3A_134] : memref<16x128xi32, #tpu.memory_space<vmem>> -> memref<1x128xi32, #tpu.memory_space<vmem>>
      %dma_start3A_136 = tpu.memref_squeeze %dma_start3A_135 : memref<1x128xi32, #tpu.memory_space<vmem>> -> memref<128xi32, #tpu.memory_space<vmem>>
      %dma_start3A_137 = arith.constant 0 : i32
      %dma_start3A_138 = arith.constant 0 : i32
      %dma_start3A_139 = tpu.memref_slice %arg2[%dma_start3A_137, %dma_start3A_138] : memref<10000x128xf32, #tpu.memory_space<hbm>> -> memref<10000x128xf32, #tpu.memory_space<hbm>>
      tpu.enqueue_indirect_dma source(%dma_start3A_139 : memref<10000x128xf32, #tpu.memory_space<hbm>>) target(%dma_start3A_133 : memref<128x128xf32, #tpu.memory_space<vmem>>) offsets(%dma_start3A_136 : memref<128xi32, #tpu.memory_space<vmem>>) semaphore(%arg14 : memref<!tpu.dma_semaphore, #tpu.memory_space<semaphore_mem>>)
      %dma_wait3A_140 = arith.constant 0 : i32
      %dma_wait3A_141 = arith.constant 0 : i32
      %dma_wait3A_142 = arith.constant 0 : i32
      %dma_wait3A_143 = tpu.memref_slice %arg10[%dma_wait3A_140, %dma_wait3A_141, %dma_wait3A_142] : memref<2x128x128xf32, #tpu.memory_space<vmem>> -> memref<1x128x128xf32, #tpu.memory_space<vmem>>
      %dma_wait3A_144 = tpu.memref_squeeze %dma_wait3A_143 : memref<1x128x128xf32, #tpu.memory_space<vmem>> -> memref<128x128xf32, #tpu.memory_space<vmem>>
      %dma_wait3A_145 = arith.constant 0 : i32
      %dma_wait3A_146 = tpu.memref_slice %arg8[%add3A_109, %dma_wait3A_145] : memref<16x128xi32, #tpu.memory_space<vmem>> -> memref<1x128xi32, #tpu.memory_space<vmem>>
      %dma_wait3A_147 = tpu.memref_squeeze %dma_wait3A_146 : memref<1x128xi32, #tpu.memory_space<vmem>> -> memref<128xi32, #tpu.memory_space<vmem>>
      %dma_wait3A_148 = arith.constant 0 : i32
      %dma_wait3A_149 = arith.constant 0 : i32
      %dma_wait3A_150 = tpu.memref_slice %arg2[%dma_wait3A_148, %dma_wait3A_149] : memref<10000x128xf32, #tpu.memory_space<hbm>> -> memref<10000x128xf32, #tpu.memory_space<hbm>>
      tpu.wait_indirect_dma semaphore(%arg13 : memref<!tpu.dma_semaphore, #tpu.memory_space<semaphore_mem>>) src(%dma_wait3A_150 : memref<10000x128xf32, #tpu.memory_space<hbm>>) dst(%dma_wait3A_144 : memref<128x128xf32, #tpu.memory_space<vmem>>)
      %add3A_151 = arith.constant 0 : i32
      %add3A_152 = arith.addi %mul3A_102, %add3A_151 : i32
      %dma_start3A_153 = arith.constant 0 : i32
      %dma_start3A_154 = arith.constant 0 : i32
      %dma_start3A_155 = arith.constant 0 : i32
      %dma_start3A_156 = tpu.memref_slice %arg10[%dma_start3A_153, %dma_start3A_154, %dma_start3A_155] : memref<2x128x128xf32, #tpu.memory_space<vmem>> -> memref<1x128x128xf32, #tpu.memory_space<vmem>>
      %dma_start3A_157 = tpu.memref_squeeze %dma_start3A_156 : memref<1x128x128xf32, #tpu.memory_space<vmem>> -> memref<128x128xf32, #tpu.memory_space<vmem>>
      %dma_start3A_158 = arith.constant 0 : i32
      %dma_start3A_159 = tpu.memref_slice %arg9[%add3A_152, %dma_start3A_158] : memref<16x128xi32, #tpu.memory_space<vmem>> -> memref<1x128xi32, #tpu.memory_space<vmem>>
      %dma_start3A_160 = tpu.memref_squeeze %dma_start3A_159 : memref<1x128xi32, #tpu.memory_space<vmem>> -> memref<128xi32, #tpu.memory_space<vmem>>
      %dma_start3A_161 = arith.constant 0 : i32
      %dma_start3A_162 = arith.constant 0 : i32
      %dma_start3A_163 = tpu.memref_slice %arg12[%dma_start3A_161, %dma_start3A_162] : memref<10128x128xf32, #tpu.memory_space<vmem_shared>> -> memref<10128x128xf32, #tpu.memory_space<vmem_shared>>
      tpu.enqueue_indirect_dma source(%dma_start3A_157 : memref<128x128xf32, #tpu.memory_space<vmem>>) target(%dma_start3A_163 : memref<10128x128xf32, #tpu.memory_space<vmem_shared>>) offsets(%dma_start3A_160 : memref<128xi32, #tpu.memory_space<vmem>>) semaphore(%arg15 : memref<!tpu.dma_semaphore, #tpu.memory_space<semaphore_mem>>) {add = true}
      %add3A_164 = arith.constant 0 : i32
      %add3A_165 = arith.addi %mul3A_102, %add3A_164 : i32
      %get3A = arith.index_cast %add3A_165 : i32 to index
      %get3A_166 = arith.constant 0 : index
      %get3A_167 = tpu.vector_load %arg9[%get3A, %get3A_166] {strides = array<i32>} : memref<16x128xi32, #tpu.memory_space<vmem>>, vector<16xi32>,
      tpu.vector_store_idx %arg11[%get3A_167], %broadcast_in_dim3A_12 {add = true} : memref<10128xf32, #tpu.memory_space<vmem>>[vector<16xi32>], vector<16xf32>,
      %add3A_168 = arith.constant 0 : i32
      %add3A_169 = arith.addi %mul3A_102, %add3A_168 : i32
      %get3A_170 = arith.index_cast %add3A_169 : i32 to index
      %get3A_171 = arith.constant 16 : index
      %get3A_172 = tpu.vector_load %arg9[%get3A_170, %get3A_171] {strides = array<i32>} : memref<16x128xi32, #tpu.memory_space<vmem>>, vector<16xi32>,
      tpu.vector_store_idx %arg11[%get3A_172], %broadcast_in_dim3A_12 {add = true} : memref<10128xf32, #tpu.memory_space<vmem>>[vector<16xi32>], vector<16xf32>,
      %add3A_173 = arith.constant 0 : i32
      %add3A_174 = arith.addi %mul3A_102, %add3A_173 : i32
      %get3A_175 = arith.index_cast %add3A_174 : i32 to index
      %get3A_176 = arith.constant 32 : index
      %get3A_177 = tpu.vector_load %arg9[%get3A_175, %get3A_176] {strides = array<i32>} : memref<16x128xi32, #tpu.memory_space<vmem>>, vector<16xi32>,
      tpu.vector_store_idx %arg11[%get3A_177], %broadcast_in_dim3A_12 {add = true} : memref<10128xf32, #tpu.memory_space<vmem>>[vector<16xi32>], vector<16xf32>,
      %add3A_178 = arith.constant 0 : i32
      %add3A_179 = arith.addi %mul3A_102, %add3A_178 : i32
      %get3A_180 = arith.index_cast %add3A_179 : i32 to index
      %get3A_181 = arith.constant 48 : index
      %get3A_182 = tpu.vector_load %arg9[%get3A_180, %get3A_181] {strides = array<i32>} : memref<16x128xi32, #tpu.memory_space<vmem>>, vector<16xi32>,
      tpu.vector_store_idx %arg11[%get3A_182], %broadcast_in_dim3A_12 {add = true} : memref<10128xf32, #tpu.memory_space<vmem>>[vector<16xi32>], vector<16xf32>,
      %add3A_183 = arith.constant 0 : i32
      %add3A_184 = arith.addi %mul3A_102, %add3A_183 : i32
      %get3A_185 = arith.index_cast %add3A_184 : i32 to index
      %get3A_186 = arith.constant 64 : index
      %get3A_187 = tpu.vector_load %arg9[%get3A_185, %get3A_186] {strides = array<i32>} : memref<16x128xi32, #tpu.memory_space<vmem>>, vector<16xi32>,
      tpu.vector_store_idx %arg11[%get3A_187], %broadcast_in_dim3A_12 {add = true} : memref<10128xf32, #tpu.memory_space<vmem>>[vector<16xi32>], vector<16xf32>,
      %add3A_188 = arith.constant 0 : i32
      %add3A_189 = arith.addi %mul3A_102, %add3A_188 : i32
      %get3A_190 = arith.index_cast %add3A_189 : i32 to index
      %get3A_191 = arith.constant 80 : index
      %get3A_192 = tpu.vector_load %arg9[%get3A_190, %get3A_191] {strides = array<i32>} : memref<16x128xi32, #tpu.memory_space<vmem>>, vector<16xi32>,
      tpu.vector_store_idx %arg11[%get3A_192], %broadcast_in_dim3A_12 {add = true} : memref<10128xf32, #tpu.memory_space<vmem>>[vector<16xi32>], vector<16xf32>,
      %add3A_193 = arith.constant 0 : i32
      %add3A_194 = arith.addi %mul3A_102, %add3A_193 : i32
      %get3A_195 = arith.index_cast %add3A_194 : i32 to index
      %get3A_196 = arith.constant 96 : index
      %get3A_197 = tpu.vector_load %arg9[%get3A_195, %get3A_196] {strides = array<i32>} : memref<16x128xi32, #tpu.memory_space<vmem>>, vector<16xi32>,
      tpu.vector_store_idx %arg11[%get3A_197], %broadcast_in_dim3A_12 {add = true} : memref<10128xf32, #tpu.memory_space<vmem>>[vector<16xi32>], vector<16xf32>,
      %add3A_198 = arith.constant 0 : i32
      %add3A_199 = arith.addi %mul3A_102, %add3A_198 : i32
      %get3A_200 = arith.index_cast %add3A_199 : i32 to index
      %get3A_201 = arith.constant 112 : index
      %get3A_202 = tpu.vector_load %arg9[%get3A_200, %get3A_201] {strides = array<i32>} : memref<16x128xi32, #tpu.memory_space<vmem>>, vector<16xi32>,
      tpu.vector_store_idx %arg11[%get3A_202], %broadcast_in_dim3A_12 {add = true} : memref<10128xf32, #tpu.memory_space<vmem>>[vector<16xi32>], vector<16xf32>,
      %dma_wait3A_203 = arith.constant 1 : i32
      %dma_wait3A_204 = arith.constant 0 : i32
      %dma_wait3A_205 = arith.constant 0 : i32
      %dma_wait3A_206 = tpu.memref_slice %arg10[%dma_wait3A_203, %dma_wait3A_204, %dma_wait3A_205] : memref<2x128x128xf32, #tpu.memory_space<vmem>> -> memref<1x128x128xf32, #tpu.memory_space<vmem>>
      %dma_wait3A_207 = tpu.memref_squeeze %dma_wait3A_206 : memref<1x128x128xf32, #tpu.memory_space<vmem>> -> memref<128x128xf32, #tpu.memory_space<vmem>>
      %dma_wait3A_208 = arith.constant 0 : i32
      %dma_wait3A_209 = tpu.memref_slice %arg8[%add3A_128, %dma_wait3A_208] : memref<16x128xi32, #tpu.memory_space<vmem>> -> memref<1x128xi32, #tpu.memory_space<vmem>>
      %dma_wait3A_210 = tpu.memref_squeeze %dma_wait3A_209 : memref<1x128xi32, #tpu.memory_space<vmem>> -> memref<128xi32, #tpu.memory_space<vmem>>
      %dma_wait3A_211 = arith.constant 0 : i32
      %dma_wait3A_212 = arith.constant 0 : i32
      %dma_wait3A_213 = tpu.memref_slice %arg2[%dma_wait3A_211, %dma_wait3A_212] : memref<10000x128xf32, #tpu.memory_space<hbm>> -> memref<10000x128xf32, #tpu.memory_space<hbm>>
      tpu.wait_indirect_dma semaphore(%arg14 : memref<!tpu.dma_semaphore, #tpu.memory_space<semaphore_mem>>) src(%dma_wait3A_213 : memref<10000x128xf32, #tpu.memory_space<hbm>>) dst(%dma_wait3A_207 : memref<128x128xf32, #tpu.memory_space<vmem>>)
      %add3A_214 = arith.constant 1 : i32
      %add3A_215 = arith.addi %mul3A_102, %add3A_214 : i32
      %dma_start3A_216 = arith.constant 1 : i32
      %dma_start3A_217 = arith.constant 0 : i32
      %dma_start3A_218 = arith.constant 0 : i32
      %dma_start3A_219 = tpu.memref_slice %arg10[%dma_start3A_216, %dma_start3A_217, %dma_start3A_218] : memref<2x128x128xf32, #tpu.memory_space<vmem>> -> memref<1x128x128xf32, #tpu.memory_space<vmem>>
      %dma_start3A_220 = tpu.memref_squeeze %dma_start3A_219 : memref<1x128x128xf32, #tpu.memory_space<vmem>> -> memref<128x128xf32, #tpu.memory_space<vmem>>
      %dma_start3A_221 = arith.constant 0 : i32
      %dma_start3A_222 = tpu.memref_slice %arg9[%add3A_215, %dma_start3A_221] : memref<16x128xi32, #tpu.memory_space<vmem>> -> memref<1x128xi32, #tpu.memory_space<vmem>>
      %dma_start3A_223 = tpu.memref_squeeze %dma_start3A_222 : memref<1x128xi32, #tpu.memory_space<vmem>> -> memref<128xi32, #tpu.memory_space<vmem>>
      %dma_start3A_224 = arith.constant 0 : i32
      %dma_start3A_225 = arith.constant 0 : i32
      %dma_start3A_226 = tpu.memref_slice %arg12[%dma_start3A_224, %dma_start3A_225] : memref<10128x128xf32, #tpu.memory_space<vmem_shared>> -> memref<10128x128xf32, #tpu.memory_space<vmem_shared>>
      tpu.enqueue_indirect_dma source(%dma_start3A_220 : memref<128x128xf32, #tpu.memory_space<vmem>>) target(%dma_start3A_226 : memref<10128x128xf32, #tpu.memory_space<vmem_shared>>) offsets(%dma_start3A_223 : memref<128xi32, #tpu.memory_space<vmem>>) semaphore(%arg16 : memref<!tpu.dma_semaphore, #tpu.memory_space<semaphore_mem>>) {add = true}
      %add3A_227 = arith.constant 1 : i32
      %add3A_228 = arith.addi %mul3A_102, %add3A_227 : i32
      %get3A_229 = arith.index_cast %add3A_228 : i32 to index
      %get3A_230 = arith.constant 0 : index
      %get3A_231 = tpu.vector_load %arg9[%get3A_229, %get3A_230] {strides = array<i32>} : memref<16x128xi32, #tpu.memory_space<vmem>>, vector<16xi32>,
      tpu.vector_store_idx %arg11[%get3A_231], %broadcast_in_dim3A_12 {add = true} : memref<10128xf32, #tpu.memory_space<vmem>>[vector<16xi32>], vector<16xf32>,
      %add3A_232 = arith.constant 1 : i32
      %add3A_233 = arith.addi %mul3A_102, %add3A_232 : i32
      %get3A_234 = arith.index_cast %add3A_233 : i32 to index
      %get3A_235 = arith.constant 16 : index
      %get3A_236 = tpu.vector_load %arg9[%get3A_234, %get3A_235] {strides = array<i32>} : memref<16x128xi32, #tpu.memory_space<vmem>>, vector<16xi32>,
      tpu.vector_store_idx %arg11[%get3A_236], %broadcast_in_dim3A_12 {add = true} : memref<10128xf32, #tpu.memory_space<vmem>>[vector<16xi32>], vector<16xf32>,
      %add3A_237 = arith.constant 1 : i32
      %add3A_238 = arith.addi %mul3A_102, %add3A_237 : i32
      %get3A_239 = arith.index_cast %add3A_238 : i32 to index
      %get3A_240 = arith.constant 32 : index
      %get3A_241 = tpu.vector_load %arg9[%get3A_239, %get3A_240] {strides = array<i32>} : memref<16x128xi32, #tpu.memory_space<vmem>>, vector<16xi32>,
      tpu.vector_store_idx %arg11[%get3A_241], %broadcast_in_dim3A_12 {add = true} : memref<10128xf32, #tpu.memory_space<vmem>>[vector<16xi32>], vector<16xf32>,
      %add3A_242 = arith.constant 1 : i32
      %add3A_243 = arith.addi %mul3A_102, %add3A_242 : i32
      %get3A_244 = arith.index_cast %add3A_243 : i32 to index
      %get3A_245 = arith.constant 48 : index
      %get3A_246 = tpu.vector_load %arg9[%get3A_244, %get3A_245] {strides = array<i32>} : memref<16x128xi32, #tpu.memory_space<vmem>>, vector<16xi32>,
      tpu.vector_store_idx %arg11[%get3A_246], %broadcast_in_dim3A_12 {add = true} : memref<10128xf32, #tpu.memory_space<vmem>>[vector<16xi32>], vector<16xf32>,
      %add3A_247 = arith.constant 1 : i32
      %add3A_248 = arith.addi %mul3A_102, %add3A_247 : i32
      %get3A_249 = arith.index_cast %add3A_248 : i32 to index
      %get3A_250 = arith.constant 64 : index
      %get3A_251 = tpu.vector_load %arg9[%get3A_249, %get3A_250] {strides = array<i32>} : memref<16x128xi32, #tpu.memory_space<vmem>>, vector<16xi32>,
      tpu.vector_store_idx %arg11[%get3A_251], %broadcast_in_dim3A_12 {add = true} : memref<10128xf32, #tpu.memory_space<vmem>>[vector<16xi32>], vector<16xf32>,
      %add3A_252 = arith.constant 1 : i32
      %add3A_253 = arith.addi %mul3A_102, %add3A_252 : i32
      %get3A_254 = arith.index_cast %add3A_253 : i32 to index
      %get3A_255 = arith.constant 80 : index
      %get3A_256 = tpu.vector_load %arg9[%get3A_254, %get3A_255] {strides = array<i32>} : memref<16x128xi32, #tpu.memory_space<vmem>>, vector<16xi32>,
      tpu.vector_store_idx %arg11[%get3A_256], %broadcast_in_dim3A_12 {add = true} : memref<10128xf32, #tpu.memory_space<vmem>>[vector<16xi32>], vector<16xf32>,
      %add3A_257 = arith.constant 1 : i32
      %add3A_258 = arith.addi %mul3A_102, %add3A_257 : i32
      %get3A_259 = arith.index_cast %add3A_258 : i32 to index
      %get3A_260 = arith.constant 96 : index
      %get3A_261 = tpu.vector_load %arg9[%get3A_259, %get3A_260] {strides = array<i32>} : memref<16x128xi32, #tpu.memory_space<vmem>>, vector<16xi32>,
      tpu.vector_store_idx %arg11[%get3A_261], %broadcast_in_dim3A_12 {add = true} : memref<10128xf32, #tpu.memory_space<vmem>>[vector<16xi32>], vector<16xf32>,
      %add3A_262 = arith.constant 1 : i32
      %add3A_263 = arith.addi %mul3A_102, %add3A_262 : i32
      %get3A_264 = arith.index_cast %add3A_263 : i32 to index
      %get3A_265 = arith.constant 112 : index
      %get3A_266 = tpu.vector_load %arg9[%get3A_264, %get3A_265] {strides = array<i32>} : memref<16x128xi32, #tpu.memory_space<vmem>>, vector<16xi32>,
      tpu.vector_store_idx %arg11[%get3A_266], %broadcast_in_dim3A_12 {add = true} : memref<10128xf32, #tpu.memory_space<vmem>>[vector<16xi32>], vector<16xf32>,
    }
    %scan3A_32 = arith.constant 8 : i32
    %mul3A_33 = arith.constant 80 : i32
    %mul3A_34 = arith.muli %add3A, %mul3A_33 : i32
    %add3A_35 = arith.constant 32 : i32
    %add3A_36 = arith.addi %mul3A_34, %add3A_35 : i32
    "tpu.region"() ({
      %run_scoped3A = tpu.sem_alloc : memref<!tpu.dma_semaphore, #tpu.memory_space<semaphore_mem>>
      %dma_start3A = arith.constant 0 : i32
      %dma_start3A_100 = tpu.memref_slice %arg3[%add3A_36, %dma_start3A] : memref<2560x128xi32, #tpu.memory_space<hbm>> -> memref<16x128xi32, #tpu.memory_space<hbm>>
      %dma_start3A_101 = arith.constant 0 : i32
      %dma_start3A_102 = tpu.memref_slice %arg3[%add3A_36, %dma_start3A_101] : memref<2560x128xi32, #tpu.memory_space<hbm>> -> memref<16x128xi32, #tpu.memory_space<hbm>>
      tpu.enqueue_dma source(%dma_start3A_102 : memref<16x128xi32, #tpu.memory_space<hbm>>) target(%arg8 : memref<16x128xi32, #tpu.memory_space<vmem>>) target_semaphore(%run_scoped3A : memref<!tpu.dma_semaphore, #tpu.memory_space<semaphore_mem>>)
      %dma_wait3A_103 = arith.constant 0 : i32
      %dma_wait3A_104 = tpu.memref_slice %arg3[%add3A_36, %dma_wait3A_103] : memref<2560x128xi32, #tpu.memory_space<hbm>> -> memref<16x128xi32, #tpu.memory_space<hbm>>
      %dma_wait3A_105 = arith.constant 0 : i32
      %dma_wait3A_106 = tpu.memref_slice %arg3[%add3A_36, %dma_wait3A_105] : memref<2560x128xi32, #tpu.memory_space<hbm>> -> memref<16x128xi32, #tpu.memory_space<hbm>>
      tpu.wait_dma2 semaphore(%run_scoped3A : memref<!tpu.dma_semaphore, #tpu.memory_space<semaphore_mem>>) src(%dma_wait3A_106 : memref<16x128xi32, #tpu.memory_space<hbm>>) dst(%arg8 : memref<16x128xi32, #tpu.memory_space<vmem>>)
      tpu.yield
    }) : () -> ()
    "tpu.region"() ({
      %run_scoped3A = tpu.sem_alloc : memref<!tpu.dma_semaphore, #tpu.memory_space<semaphore_mem>>
      %dma_start3A = arith.constant 0 : i32
      %dma_start3A_100 = tpu.memref_slice %arg4[%add3A_36, %dma_start3A] : memref<2560x128xi32, #tpu.memory_space<hbm>> -> memref<16x128xi32, #tpu.memory_space<hbm>>
      %dma_start3A_101 = arith.constant 0 : i32
      %dma_start3A_102 = tpu.memref_slice %arg4[%add3A_36, %dma_start3A_101] : memref<2560x128xi32, #tpu.memory_space<hbm>> -> memref<16x128xi32, #tpu.memory_space<hbm>>
      tpu.enqueue_dma source(%dma_start3A_102 : memref<16x128xi32, #tpu.memory_space<hbm>>) target(%arg9 : memref<16x128xi32, #tpu.memory_space<vmem>>) target_semaphore(%run_scoped3A : memref<!tpu.dma_semaphore, #tpu.memory_space<semaphore_mem>>)
      %dma_wait3A_103 = arith.constant 0 : i32
      %dma_wait3A_104 = tpu.memref_slice %arg4[%add3A_36, %dma_wait3A_103] : memref<2560x128xi32, #tpu.memory_space<hbm>> -> memref<16x128xi32, #tpu.memory_space<hbm>>
      %dma_wait3A_105 = arith.constant 0 : i32
      %dma_wait3A_106 = tpu.memref_slice %arg4[%add3A_36, %dma_wait3A_105] : memref<2560x128xi32, #tpu.memory_space<hbm>> -> memref<16x128xi32, #tpu.memory_space<hbm>>
      tpu.wait_dma2 semaphore(%run_scoped3A : memref<!tpu.dma_semaphore, #tpu.memory_space<semaphore_mem>>) src(%dma_wait3A_106 : memref<16x128xi32, #tpu.memory_space<hbm>>) dst(%arg9 : memref<16x128xi32, #tpu.memory_space<vmem>>)
      tpu.yield
    }) : () -> ()
    %scan3A_37 = arith.constant 0 : i32
    %scan3A_38 = arith.constant 0 : i32
    %scan3A_39 = arith.constant 8 : i32
    %scan3A_40 = arith.addi %scan3A_38, %scan3A_39 : i32
    %scan3A_41 = arith.constant 1 : i32
    scf.for %scan3A_100 = %scan3A_38 to %scan3A_40 step %scan3A_41  : i32 {
      %mul3A_101 = arith.constant 2 : i32
      %mul3A_102 = arith.muli %scan3A_100, %mul3A_101 : i32
      %gt3A = arith.constant 0 : i32
      %gt3A_103 = arith.cmpi sgt, %scan3A_100, %gt3A : i32
      %or3A = arith.constant true
      %or3A_104 = arith.ori %gt3A_103, %or3A : i1
      %convert_element_type3A_105 = arith.extui %or3A_104 : i1 to i32
      %cond3A_106 = arith.constant 0 : i32
      %cond3A_107 = arith.cmpi ne, %convert_element_type3A_105, %cond3A_106 : i32
      scf.if %cond3A_107 {
        %dma_wait3A_267 = arith.constant 0 : i32
        %dma_wait3A_268 = arith.constant 0 : i32
        %dma_wait3A_269 = arith.constant 0 : i32
        %dma_wait3A_270 = tpu.memref_slice %arg10[%dma_wait3A_267, %dma_wait3A_268, %dma_wait3A_269] : memref<2x128x128xf32, #tpu.memory_space<vmem>> -> memref<1x128x128xf32, #tpu.memory_space<vmem>>
        %dma_wait3A_271 = tpu.memref_squeeze %dma_wait3A_270 : memref<1x128x128xf32, #tpu.memory_space<vmem>> -> memref<128x128xf32, #tpu.memory_space<vmem>>
        %dma_wait3A_272 = arith.constant 0 : i32
        %dma_wait3A_273 = arith.constant 0 : i32
        %dma_wait3A_274 = tpu.memref_slice %arg2[%dma_wait3A_272, %dma_wait3A_273] : memref<10000x128xf32, #tpu.memory_space<hbm>> -> memref<128x128xf32, #tpu.memory_space<hbm>>
        %dma_wait3A_275 = arith.constant 0 : i32
        %dma_wait3A_276 = arith.constant 0 : i32
        %dma_wait3A_277 = tpu.memref_slice %arg10[%dma_wait3A_267, %dma_wait3A_275, %dma_wait3A_276] : memref<2x128x128xf32, #tpu.memory_space<vmem>> -> memref<1x128x128xf32, #tpu.memory_space<vmem>>
        %dma_wait3A_278 = tpu.memref_squeeze %dma_wait3A_277 : memref<1x128x128xf32, #tpu.memory_space<vmem>> -> memref<128x128xf32, #tpu.memory_space<vmem>>
        %dma_wait3A_279 = arith.constant 0 : i32
        %dma_wait3A_280 = arith.constant 0 : i32
        %dma_wait3A_281 = tpu.memref_slice %arg2[%dma_wait3A_279, %dma_wait3A_280] : memref<10000x128xf32, #tpu.memory_space<hbm>> -> memref<128x128xf32, #tpu.memory_space<hbm>>
        tpu.wait_dma2 semaphore(%arg15 : memref<!tpu.dma_semaphore, #tpu.memory_space<semaphore_mem>>) src(%dma_wait3A_281 : memref<128x128xf32, #tpu.memory_space<hbm>>) dst(%dma_wait3A_278 : memref<128x128xf32, #tpu.memory_space<vmem>>)
      } else {
      }
      %add3A_108 = arith.constant 0 : i32
      %add3A_109 = arith.addi %mul3A_102, %add3A_108 : i32
      %dma_start3A = arith.constant 0 : i32
      %dma_start3A_110 = arith.constant 0 : i32
      %dma_start3A_111 = arith.constant 0 : i32
      %dma_start3A_112 = tpu.memref_slice %arg10[%dma_start3A, %dma_start3A_110, %dma_start3A_111] : memref<2x128x128xf32, #tpu.memory_space<vmem>> -> memref<1x128x128xf32, #tpu.memory_space<vmem>>
      %dma_start3A_113 = tpu.memref_squeeze %dma_start3A_112 : memref<1x128x128xf32, #tpu.memory_space<vmem>> -> memref<128x128xf32, #tpu.memory_space<vmem>>
      %dma_start3A_114 = arith.constant 0 : i32
      %dma_start3A_115 = tpu.memref_slice %arg8[%add3A_109, %dma_start3A_114] : memref<16x128xi32, #tpu.memory_space<vmem>> -> memref<1x128xi32, #tpu.memory_space<vmem>>
      %dma_start3A_116 = tpu.memref_squeeze %dma_start3A_115 : memref<1x128xi32, #tpu.memory_space<vmem>> -> memref<128xi32, #tpu.memory_space<vmem>>
      %dma_start3A_117 = arith.constant 0 : i32
      %dma_start3A_118 = arith.constant 0 : i32
      %dma_start3A_119 = tpu.memref_slice %arg2[%dma_start3A_117, %dma_start3A_118] : memref<10000x128xf32, #tpu.memory_space<hbm>> -> memref<10000x128xf32, #tpu.memory_space<hbm>>
      tpu.enqueue_indirect_dma source(%dma_start3A_119 : memref<10000x128xf32, #tpu.memory_space<hbm>>) target(%dma_start3A_113 : memref<128x128xf32, #tpu.memory_space<vmem>>) offsets(%dma_start3A_116 : memref<128xi32, #tpu.memory_space<vmem>>) semaphore(%arg13 : memref<!tpu.dma_semaphore, #tpu.memory_space<semaphore_mem>>)
      %gt3A_120 = arith.constant 0 : i32
      %gt3A_121 = arith.cmpi sgt, %scan3A_100, %gt3A_120 : i32
      %or3A_122 = arith.constant true
      %or3A_123 = arith.ori %gt3A_121, %or3A_122 : i1
      %convert_element_type3A_124 = arith.extui %or3A_123 : i1 to i32
      %cond3A_125 = arith.constant 0 : i32
      %cond3A_126 = arith.cmpi ne, %convert_element_type3A_124, %cond3A_125 : i32
      scf.if %cond3A_126 {
        %dma_wait3A_267 = arith.constant 1 : i32
        %dma_wait3A_268 = arith.constant 0 : i32
        %dma_wait3A_269 = arith.constant 0 : i32
        %dma_wait3A_270 = tpu.memref_slice %arg10[%dma_wait3A_267, %dma_wait3A_268, %dma_wait3A_269] : memref<2x128x128xf32, #tpu.memory_space<vmem>> -> memref<1x128x128xf32, #tpu.memory_space<vmem>>
        %dma_wait3A_271 = tpu.memref_squeeze %dma_wait3A_270 : memref<1x128x128xf32, #tpu.memory_space<vmem>> -> memref<128x128xf32, #tpu.memory_space<vmem>>
        %dma_wait3A_272 = arith.constant 0 : i32
        %dma_wait3A_273 = arith.constant 0 : i32
        %dma_wait3A_274 = tpu.memref_slice %arg2[%dma_wait3A_272, %dma_wait3A_273] : memref<10000x128xf32, #tpu.memory_space<hbm>> -> memref<128x128xf32, #tpu.memory_space<hbm>>
        %dma_wait3A_275 = arith.constant 0 : i32
        %dma_wait3A_276 = arith.constant 0 : i32
        %dma_wait3A_277 = tpu.memref_slice %arg10[%dma_wait3A_267, %dma_wait3A_275, %dma_wait3A_276] : memref<2x128x128xf32, #tpu.memory_space<vmem>> -> memref<1x128x128xf32, #tpu.memory_space<vmem>>
        %dma_wait3A_278 = tpu.memref_squeeze %dma_wait3A_277 : memref<1x128x128xf32, #tpu.memory_space<vmem>> -> memref<128x128xf32, #tpu.memory_space<vmem>>
        %dma_wait3A_279 = arith.constant 0 : i32
        %dma_wait3A_280 = arith.constant 0 : i32
        %dma_wait3A_281 = tpu.memref_slice %arg2[%dma_wait3A_279, %dma_wait3A_280] : memref<10000x128xf32, #tpu.memory_space<hbm>> -> memref<128x128xf32, #tpu.memory_space<hbm>>
        tpu.wait_dma2 semaphore(%arg16 : memref<!tpu.dma_semaphore, #tpu.memory_space<semaphore_mem>>) src(%dma_wait3A_281 : memref<128x128xf32, #tpu.memory_space<hbm>>) dst(%dma_wait3A_278 : memref<128x128xf32, #tpu.memory_space<vmem>>)
      } else {
      }
      %add3A_127 = arith.constant 1 : i32
      %add3A_128 = arith.addi %mul3A_102, %add3A_127 : i32
      %dma_start3A_129 = arith.constant 1 : i32
      %dma_start3A_130 = arith.constant 0 : i32
      %dma_start3A_131 = arith.constant 0 : i32
      %dma_start3A_132 = tpu.memref_slice %arg10[%dma_start3A_129, %dma_start3A_130, %dma_start3A_131] : memref<2x128x128xf32, #tpu.memory_space<vmem>> -> memref<1x128x128xf32, #tpu.memory_space<vmem>>
      %dma_start3A_133 = tpu.memref_squeeze %dma_start3A_132 : memref<1x128x128xf32, #tpu.memory_space<vmem>> -> memref<128x128xf32, #tpu.memory_space<vmem>>
      %dma_start3A_134 = arith.constant 0 : i32
      %dma_start3A_135 = tpu.memref_slice %arg8[%add3A_128, %dma_start3A_134] : memref<16x128xi32, #tpu.memory_space<vmem>> -> memref<1x128xi32, #tpu.memory_space<vmem>>
      %dma_start3A_136 = tpu.memref_squeeze %dma_start3A_135 : memref<1x128xi32, #tpu.memory_space<vmem>> -> memref<128xi32, #tpu.memory_space<vmem>>
      %dma_start3A_137 = arith.constant 0 : i32
      %dma_start3A_138 = arith.constant 0 : i32
      %dma_start3A_139 = tpu.memref_slice %arg2[%dma_start3A_137, %dma_start3A_138] : memref<10000x128xf32, #tpu.memory_space<hbm>> -> memref<10000x128xf32, #tpu.memory_space<hbm>>
      tpu.enqueue_indirect_dma source(%dma_start3A_139 : memref<10000x128xf32, #tpu.memory_space<hbm>>) target(%dma_start3A_133 : memref<128x128xf32, #tpu.memory_space<vmem>>) offsets(%dma_start3A_136 : memref<128xi32, #tpu.memory_space<vmem>>) semaphore(%arg14 : memref<!tpu.dma_semaphore, #tpu.memory_space<semaphore_mem>>)
      %dma_wait3A_140 = arith.constant 0 : i32
      %dma_wait3A_141 = arith.constant 0 : i32
      %dma_wait3A_142 = arith.constant 0 : i32
      %dma_wait3A_143 = tpu.memref_slice %arg10[%dma_wait3A_140, %dma_wait3A_141, %dma_wait3A_142] : memref<2x128x128xf32, #tpu.memory_space<vmem>> -> memref<1x128x128xf32, #tpu.memory_space<vmem>>
      %dma_wait3A_144 = tpu.memref_squeeze %dma_wait3A_143 : memref<1x128x128xf32, #tpu.memory_space<vmem>> -> memref<128x128xf32, #tpu.memory_space<vmem>>
      %dma_wait3A_145 = arith.constant 0 : i32
      %dma_wait3A_146 = tpu.memref_slice %arg8[%add3A_109, %dma_wait3A_145] : memref<16x128xi32, #tpu.memory_space<vmem>> -> memref<1x128xi32, #tpu.memory_space<vmem>>
      %dma_wait3A_147 = tpu.memref_squeeze %dma_wait3A_146 : memref<1x128xi32, #tpu.memory_space<vmem>> -> memref<128xi32, #tpu.memory_space<vmem>>
      %dma_wait3A_148 = arith.constant 0 : i32
      %dma_wait3A_149 = arith.constant 0 : i32
      %dma_wait3A_150 = tpu.memref_slice %arg2[%dma_wait3A_148, %dma_wait3A_149] : memref<10000x128xf32, #tpu.memory_space<hbm>> -> memref<10000x128xf32, #tpu.memory_space<hbm>>
      tpu.wait_indirect_dma semaphore(%arg13 : memref<!tpu.dma_semaphore, #tpu.memory_space<semaphore_mem>>) src(%dma_wait3A_150 : memref<10000x128xf32, #tpu.memory_space<hbm>>) dst(%dma_wait3A_144 : memref<128x128xf32, #tpu.memory_space<vmem>>)
      %add3A_151 = arith.constant 0 : i32
      %add3A_152 = arith.addi %mul3A_102, %add3A_151 : i32
      %dma_start3A_153 = arith.constant 0 : i32
      %dma_start3A_154 = arith.constant 0 : i32
      %dma_start3A_155 = arith.constant 0 : i32
      %dma_start3A_156 = tpu.memref_slice %arg10[%dma_start3A_153, %dma_start3A_154, %dma_start3A_155] : memref<2x128x128xf32, #tpu.memory_space<vmem>> -> memref<1x128x128xf32, #tpu.memory_space<vmem>>
      %dma_start3A_157 = tpu.memref_squeeze %dma_start3A_156 : memref<1x128x128xf32, #tpu.memory_space<vmem>> -> memref<128x128xf32, #tpu.memory_space<vmem>>
      %dma_start3A_158 = arith.constant 0 : i32
      %dma_start3A_159 = tpu.memref_slice %arg9[%add3A_152, %dma_start3A_158] : memref<16x128xi32, #tpu.memory_space<vmem>> -> memref<1x128xi32, #tpu.memory_space<vmem>>
      %dma_start3A_160 = tpu.memref_squeeze %dma_start3A_159 : memref<1x128xi32, #tpu.memory_space<vmem>> -> memref<128xi32, #tpu.memory_space<vmem>>
      %dma_start3A_161 = arith.constant 0 : i32
      %dma_start3A_162 = arith.constant 0 : i32
      %dma_start3A_163 = tpu.memref_slice %arg12[%dma_start3A_161, %dma_start3A_162] : memref<10128x128xf32, #tpu.memory_space<vmem_shared>> -> memref<10128x128xf32, #tpu.memory_space<vmem_shared>>
      tpu.enqueue_indirect_dma source(%dma_start3A_157 : memref<128x128xf32, #tpu.memory_space<vmem>>) target(%dma_start3A_163 : memref<10128x128xf32, #tpu.memory_space<vmem_shared>>) offsets(%dma_start3A_160 : memref<128xi32, #tpu.memory_space<vmem>>) semaphore(%arg15 : memref<!tpu.dma_semaphore, #tpu.memory_space<semaphore_mem>>) {add = true}
      %add3A_164 = arith.constant 0 : i32
      %add3A_165 = arith.addi %mul3A_102, %add3A_164 : i32
      %get3A = arith.index_cast %add3A_165 : i32 to index
      %get3A_166 = arith.constant 0 : index
      %get3A_167 = tpu.vector_load %arg9[%get3A, %get3A_166] {strides = array<i32>} : memref<16x128xi32, #tpu.memory_space<vmem>>, vector<16xi32>,
      tpu.vector_store_idx %arg11[%get3A_167], %broadcast_in_dim3A_12 {add = true} : memref<10128xf32, #tpu.memory_space<vmem>>[vector<16xi32>], vector<16xf32>,
      %add3A_168 = arith.constant 0 : i32
      %add3A_169 = arith.addi %mul3A_102, %add3A_168 : i32
      %get3A_170 = arith.index_cast %add3A_169 : i32 to index
      %get3A_171 = arith.constant 16 : index
      %get3A_172 = tpu.vector_load %arg9[%get3A_170, %get3A_171] {strides = array<i32>} : memref<16x128xi32, #tpu.memory_space<vmem>>, vector<16xi32>,
      tpu.vector_store_idx %arg11[%get3A_172], %broadcast_in_dim3A_12 {add = true} : memref<10128xf32, #tpu.memory_space<vmem>>[vector<16xi32>], vector<16xf32>,
      %add3A_173 = arith.constant 0 : i32
      %add3A_174 = arith.addi %mul3A_102, %add3A_173 : i32
      %get3A_175 = arith.index_cast %add3A_174 : i32 to index
      %get3A_176 = arith.constant 32 : index
      %get3A_177 = tpu.vector_load %arg9[%get3A_175, %get3A_176] {strides = array<i32>} : memref<16x128xi32, #tpu.memory_space<vmem>>, vector<16xi32>,
      tpu.vector_store_idx %arg11[%get3A_177], %broadcast_in_dim3A_12 {add = true} : memref<10128xf32, #tpu.memory_space<vmem>>[vector<16xi32>], vector<16xf32>,
      %add3A_178 = arith.constant 0 : i32
      %add3A_179 = arith.addi %mul3A_102, %add3A_178 : i32
      %get3A_180 = arith.index_cast %add3A_179 : i32 to index
      %get3A_181 = arith.constant 48 : index
      %get3A_182 = tpu.vector_load %arg9[%get3A_180, %get3A_181] {strides = array<i32>} : memref<16x128xi32, #tpu.memory_space<vmem>>, vector<16xi32>,
      tpu.vector_store_idx %arg11[%get3A_182], %broadcast_in_dim3A_12 {add = true} : memref<10128xf32, #tpu.memory_space<vmem>>[vector<16xi32>], vector<16xf32>,
      %add3A_183 = arith.constant 0 : i32
      %add3A_184 = arith.addi %mul3A_102, %add3A_183 : i32
      %get3A_185 = arith.index_cast %add3A_184 : i32 to index
      %get3A_186 = arith.constant 64 : index
      %get3A_187 = tpu.vector_load %arg9[%get3A_185, %get3A_186] {strides = array<i32>} : memref<16x128xi32, #tpu.memory_space<vmem>>, vector<16xi32>,
      tpu.vector_store_idx %arg11[%get3A_187], %broadcast_in_dim3A_12 {add = true} : memref<10128xf32, #tpu.memory_space<vmem>>[vector<16xi32>], vector<16xf32>,
      %add3A_188 = arith.constant 0 : i32
      %add3A_189 = arith.addi %mul3A_102, %add3A_188 : i32
      %get3A_190 = arith.index_cast %add3A_189 : i32 to index
      %get3A_191 = arith.constant 80 : index
      %get3A_192 = tpu.vector_load %arg9[%get3A_190, %get3A_191] {strides = array<i32>} : memref<16x128xi32, #tpu.memory_space<vmem>>, vector<16xi32>,
      tpu.vector_store_idx %arg11[%get3A_192], %broadcast_in_dim3A_12 {add = true} : memref<10128xf32, #tpu.memory_space<vmem>>[vector<16xi32>], vector<16xf32>,
      %add3A_193 = arith.constant 0 : i32
      %add3A_194 = arith.addi %mul3A_102, %add3A_193 : i32
      %get3A_195 = arith.index_cast %add3A_194 : i32 to index
      %get3A_196 = arith.constant 96 : index
      %get3A_197 = tpu.vector_load %arg9[%get3A_195, %get3A_196] {strides = array<i32>} : memref<16x128xi32, #tpu.memory_space<vmem>>, vector<16xi32>,
      tpu.vector_store_idx %arg11[%get3A_197], %broadcast_in_dim3A_12 {add = true} : memref<10128xf32, #tpu.memory_space<vmem>>[vector<16xi32>], vector<16xf32>,
      %add3A_198 = arith.constant 0 : i32
      %add3A_199 = arith.addi %mul3A_102, %add3A_198 : i32
      %get3A_200 = arith.index_cast %add3A_199 : i32 to index
      %get3A_201 = arith.constant 112 : index
      %get3A_202 = tpu.vector_load %arg9[%get3A_200, %get3A_201] {strides = array<i32>} : memref<16x128xi32, #tpu.memory_space<vmem>>, vector<16xi32>,
      tpu.vector_store_idx %arg11[%get3A_202], %broadcast_in_dim3A_12 {add = true} : memref<10128xf32, #tpu.memory_space<vmem>>[vector<16xi32>], vector<16xf32>,
      %dma_wait3A_203 = arith.constant 1 : i32
      %dma_wait3A_204 = arith.constant 0 : i32
      %dma_wait3A_205 = arith.constant 0 : i32
      %dma_wait3A_206 = tpu.memref_slice %arg10[%dma_wait3A_203, %dma_wait3A_204, %dma_wait3A_205] : memref<2x128x128xf32, #tpu.memory_space<vmem>> -> memref<1x128x128xf32, #tpu.memory_space<vmem>>
      %dma_wait3A_207 = tpu.memref_squeeze %dma_wait3A_206 : memref<1x128x128xf32, #tpu.memory_space<vmem>> -> memref<128x128xf32, #tpu.memory_space<vmem>>
      %dma_wait3A_208 = arith.constant 0 : i32
      %dma_wait3A_209 = tpu.memref_slice %arg8[%add3A_128, %dma_wait3A_208] : memref<16x128xi32, #tpu.memory_space<vmem>> -> memref<1x128xi32, #tpu.memory_space<vmem>>
      %dma_wait3A_210 = tpu.memref_squeeze %dma_wait3A_209 : memref<1x128xi32, #tpu.memory_space<vmem>> -> memref<128xi32, #tpu.memory_space<vmem>>
      %dma_wait3A_211 = arith.constant 0 : i32
      %dma_wait3A_212 = arith.constant 0 : i32
      %dma_wait3A_213 = tpu.memref_slice %arg2[%dma_wait3A_211, %dma_wait3A_212] : memref<10000x128xf32, #tpu.memory_space<hbm>> -> memref<10000x128xf32, #tpu.memory_space<hbm>>
      tpu.wait_indirect_dma semaphore(%arg14 : memref<!tpu.dma_semaphore, #tpu.memory_space<semaphore_mem>>) src(%dma_wait3A_213 : memref<10000x128xf32, #tpu.memory_space<hbm>>) dst(%dma_wait3A_207 : memref<128x128xf32, #tpu.memory_space<vmem>>)
      %add3A_214 = arith.constant 1 : i32
      %add3A_215 = arith.addi %mul3A_102, %add3A_214 : i32
      %dma_start3A_216 = arith.constant 1 : i32
      %dma_start3A_217 = arith.constant 0 : i32
      %dma_start3A_218 = arith.constant 0 : i32
      %dma_start3A_219 = tpu.memref_slice %arg10[%dma_start3A_216, %dma_start3A_217, %dma_start3A_218] : memref<2x128x128xf32, #tpu.memory_space<vmem>> -> memref<1x128x128xf32, #tpu.memory_space<vmem>>
      %dma_start3A_220 = tpu.memref_squeeze %dma_start3A_219 : memref<1x128x128xf32, #tpu.memory_space<vmem>> -> memref<128x128xf32, #tpu.memory_space<vmem>>
      %dma_start3A_221 = arith.constant 0 : i32
      %dma_start3A_222 = tpu.memref_slice %arg9[%add3A_215, %dma_start3A_221] : memref<16x128xi32, #tpu.memory_space<vmem>> -> memref<1x128xi32, #tpu.memory_space<vmem>>
      %dma_start3A_223 = tpu.memref_squeeze %dma_start3A_222 : memref<1x128xi32, #tpu.memory_space<vmem>> -> memref<128xi32, #tpu.memory_space<vmem>>
      %dma_start3A_224 = arith.constant 0 : i32
      %dma_start3A_225 = arith.constant 0 : i32
      %dma_start3A_226 = tpu.memref_slice %arg12[%dma_start3A_224, %dma_start3A_225] : memref<10128x128xf32, #tpu.memory_space<vmem_shared>> -> memref<10128x128xf32, #tpu.memory_space<vmem_shared>>
      tpu.enqueue_indirect_dma source(%dma_start3A_220 : memref<128x128xf32, #tpu.memory_space<vmem>>) target(%dma_start3A_226 : memref<10128x128xf32, #tpu.memory_space<vmem_shared>>) offsets(%dma_start3A_223 : memref<128xi32, #tpu.memory_space<vmem>>) semaphore(%arg16 : memref<!tpu.dma_semaphore, #tpu.memory_space<semaphore_mem>>) {add = true}
      %add3A_227 = arith.constant 1 : i32
      %add3A_228 = arith.addi %mul3A_102, %add3A_227 : i32
      %get3A_229 = arith.index_cast %add3A_228 : i32 to index
      %get3A_230 = arith.constant 0 : index
      %get3A_231 = tpu.vector_load %arg9[%get3A_229, %get3A_230] {strides = array<i32>} : memref<16x128xi32, #tpu.memory_space<vmem>>, vector<16xi32>,
      tpu.vector_store_idx %arg11[%get3A_231], %broadcast_in_dim3A_12 {add = true} : memref<10128xf32, #tpu.memory_space<vmem>>[vector<16xi32>], vector<16xf32>,
      %add3A_232 = arith.constant 1 : i32
      %add3A_233 = arith.addi %mul3A_102, %add3A_232 : i32
      %get3A_234 = arith.index_cast %add3A_233 : i32 to index
      %get3A_235 = arith.constant 16 : index
      %get3A_236 = tpu.vector_load %arg9[%get3A_234, %get3A_235] {strides = array<i32>} : memref<16x128xi32, #tpu.memory_space<vmem>>, vector<16xi32>,
      tpu.vector_store_idx %arg11[%get3A_236], %broadcast_in_dim3A_12 {add = true} : memref<10128xf32, #tpu.memory_space<vmem>>[vector<16xi32>], vector<16xf32>,
      %add3A_237 = arith.constant 1 : i32
      %add3A_238 = arith.addi %mul3A_102, %add3A_237 : i32
      %get3A_239 = arith.index_cast %add3A_238 : i32 to index
      %get3A_240 = arith.constant 32 : index
      %get3A_241 = tpu.vector_load %arg9[%get3A_239, %get3A_240] {strides = array<i32>} : memref<16x128xi32, #tpu.memory_space<vmem>>, vector<16xi32>,
      tpu.vector_store_idx %arg11[%get3A_241], %broadcast_in_dim3A_12 {add = true} : memref<10128xf32, #tpu.memory_space<vmem>>[vector<16xi32>], vector<16xf32>,
      %add3A_242 = arith.constant 1 : i32
      %add3A_243 = arith.addi %mul3A_102, %add3A_242 : i32
      %get3A_244 = arith.index_cast %add3A_243 : i32 to index
      %get3A_245 = arith.constant 48 : index
      %get3A_246 = tpu.vector_load %arg9[%get3A_244, %get3A_245] {strides = array<i32>} : memref<16x128xi32, #tpu.memory_space<vmem>>, vector<16xi32>,
      tpu.vector_store_idx %arg11[%get3A_246], %broadcast_in_dim3A_12 {add = true} : memref<10128xf32, #tpu.memory_space<vmem>>[vector<16xi32>], vector<16xf32>,
      %add3A_247 = arith.constant 1 : i32
      %add3A_248 = arith.addi %mul3A_102, %add3A_247 : i32
      %get3A_249 = arith.index_cast %add3A_248 : i32 to index
      %get3A_250 = arith.constant 64 : index
      %get3A_251 = tpu.vector_load %arg9[%get3A_249, %get3A_250] {strides = array<i32>} : memref<16x128xi32, #tpu.memory_space<vmem>>, vector<16xi32>,
      tpu.vector_store_idx %arg11[%get3A_251], %broadcast_in_dim3A_12 {add = true} : memref<10128xf32, #tpu.memory_space<vmem>>[vector<16xi32>], vector<16xf32>,
      %add3A_252 = arith.constant 1 : i32
      %add3A_253 = arith.addi %mul3A_102, %add3A_252 : i32
      %get3A_254 = arith.index_cast %add3A_253 : i32 to index
      %get3A_255 = arith.constant 80 : index
      %get3A_256 = tpu.vector_load %arg9[%get3A_254, %get3A_255] {strides = array<i32>} : memref<16x128xi32, #tpu.memory_space<vmem>>, vector<16xi32>,
      tpu.vector_store_idx %arg11[%get3A_256], %broadcast_in_dim3A_12 {add = true} : memref<10128xf32, #tpu.memory_space<vmem>>[vector<16xi32>], vector<16xf32>,
      %add3A_257 = arith.constant 1 : i32
      %add3A_258 = arith.addi %mul3A_102, %add3A_257 : i32
      %get3A_259 = arith.index_cast %add3A_258 : i32 to index
      %get3A_260 = arith.constant 96 : index
      %get3A_261 = tpu.vector_load %arg9[%get3A_259, %get3A_260] {strides = array<i32>} : memref<16x128xi32, #tpu.memory_space<vmem>>, vector<16xi32>,
      tpu.vector_store_idx %arg11[%get3A_261], %broadcast_in_dim3A_12 {add = true} : memref<10128xf32, #tpu.memory_space<vmem>>[vector<16xi32>], vector<16xf32>,
      %add3A_262 = arith.constant 1 : i32
      %add3A_263 = arith.addi %mul3A_102, %add3A_262 : i32
      %get3A_264 = arith.index_cast %add3A_263 : i32 to index
      %get3A_265 = arith.constant 112 : index
      %get3A_266 = tpu.vector_load %arg9[%get3A_264, %get3A_265] {strides = array<i32>} : memref<16x128xi32, #tpu.memory_space<vmem>>, vector<16xi32>,
      tpu.vector_store_idx %arg11[%get3A_266], %broadcast_in_dim3A_12 {add = true} : memref<10128xf32, #tpu.memory_space<vmem>>[vector<16xi32>], vector<16xf32>,
    }
    %scan3A_42 = arith.constant 8 : i32
    %mul3A_43 = arith.constant 80 : i32
    %mul3A_44 = arith.muli %add3A, %mul3A_43 : i32
    %add3A_45 = arith.constant 48 : i32
    %add3A_46 = arith.addi %mul3A_44, %add3A_45 : i32
    "tpu.region"() ({
      %run_scoped3A = tpu.sem_alloc : memref<!tpu.dma_semaphore, #tpu.memory_space<semaphore_mem>>
      %dma_start3A = arith.constant 0 : i32
      %dma_start3A_100 = tpu.memref_slice %arg3[%add3A_46, %dma_start3A] : memref<2560x128xi32, #tpu.memory_space<hbm>> -> memref<16x128xi32, #tpu.memory_space<hbm>>
      %dma_start3A_101 = arith.constant 0 : i32
      %dma_start3A_102 = tpu.memref_slice %arg3[%add3A_46, %dma_start3A_101] : memref<2560x128xi32, #tpu.memory_space<hbm>> -> memref<16x128xi32, #tpu.memory_space<hbm>>
      tpu.enqueue_dma source(%dma_start3A_102 : memref<16x128xi32, #tpu.memory_space<hbm>>) target(%arg8 : memref<16x128xi32, #tpu.memory_space<vmem>>) target_semaphore(%run_scoped3A : memref<!tpu.dma_semaphore, #tpu.memory_space<semaphore_mem>>)
      %dma_wait3A_103 = arith.constant 0 : i32
      %dma_wait3A_104 = tpu.memref_slice %arg3[%add3A_46, %dma_wait3A_103] : memref<2560x128xi32, #tpu.memory_space<hbm>> -> memref<16x128xi32, #tpu.memory_space<hbm>>
      %dma_wait3A_105 = arith.constant 0 : i32
      %dma_wait3A_106 = tpu.memref_slice %arg3[%add3A_46, %dma_wait3A_105] : memref<2560x128xi32, #tpu.memory_space<hbm>> -> memref<16x128xi32, #tpu.memory_space<hbm>>
      tpu.wait_dma2 semaphore(%run_scoped3A : memref<!tpu.dma_semaphore, #tpu.memory_space<semaphore_mem>>) src(%dma_wait3A_106 : memref<16x128xi32, #tpu.memory_space<hbm>>) dst(%arg8 : memref<16x128xi32, #tpu.memory_space<vmem>>)
      tpu.yield
    }) : () -> ()
    "tpu.region"() ({
      %run_scoped3A = tpu.sem_alloc : memref<!tpu.dma_semaphore, #tpu.memory_space<semaphore_mem>>
      %dma_start3A = arith.constant 0 : i32
      %dma_start3A_100 = tpu.memref_slice %arg4[%add3A_46, %dma_start3A] : memref<2560x128xi32, #tpu.memory_space<hbm>> -> memref<16x128xi32, #tpu.memory_space<hbm>>
      %dma_start3A_101 = arith.constant 0 : i32
      %dma_start3A_102 = tpu.memref_slice %arg4[%add3A_46, %dma_start3A_101] : memref<2560x128xi32, #tpu.memory_space<hbm>> -> memref<16x128xi32, #tpu.memory_space<hbm>>
      tpu.enqueue_dma source(%dma_start3A_102 : memref<16x128xi32, #tpu.memory_space<hbm>>) target(%arg9 : memref<16x128xi32, #tpu.memory_space<vmem>>) target_semaphore(%run_scoped3A : memref<!tpu.dma_semaphore, #tpu.memory_space<semaphore_mem>>)
      %dma_wait3A_103 = arith.constant 0 : i32
      %dma_wait3A_104 = tpu.memref_slice %arg4[%add3A_46, %dma_wait3A_103] : memref<2560x128xi32, #tpu.memory_space<hbm>> -> memref<16x128xi32, #tpu.memory_space<hbm>>
      %dma_wait3A_105 = arith.constant 0 : i32
      %dma_wait3A_106 = tpu.memref_slice %arg4[%add3A_46, %dma_wait3A_105] : memref<2560x128xi32, #tpu.memory_space<hbm>> -> memref<16x128xi32, #tpu.memory_space<hbm>>
      tpu.wait_dma2 semaphore(%run_scoped3A : memref<!tpu.dma_semaphore, #tpu.memory_space<semaphore_mem>>) src(%dma_wait3A_106 : memref<16x128xi32, #tpu.memory_space<hbm>>) dst(%arg9 : memref<16x128xi32, #tpu.memory_space<vmem>>)
      tpu.yield
    }) : () -> ()
    %scan3A_47 = arith.constant 0 : i32
    %scan3A_48 = arith.constant 0 : i32
    %scan3A_49 = arith.constant 8 : i32
    %scan3A_50 = arith.addi %scan3A_48, %scan3A_49 : i32
    %scan3A_51 = arith.constant 1 : i32
    scf.for %scan3A_100 = %scan3A_48 to %scan3A_50 step %scan3A_51  : i32 {
      %mul3A_101 = arith.constant 2 : i32
      %mul3A_102 = arith.muli %scan3A_100, %mul3A_101 : i32
      %gt3A = arith.constant 0 : i32
      %gt3A_103 = arith.cmpi sgt, %scan3A_100, %gt3A : i32
      %or3A = arith.constant true
      %or3A_104 = arith.ori %gt3A_103, %or3A : i1
      %convert_element_type3A_105 = arith.extui %or3A_104 : i1 to i32
      %cond3A_106 = arith.constant 0 : i32
      %cond3A_107 = arith.cmpi ne, %convert_element_type3A_105, %cond3A_106 : i32
      scf.if %cond3A_107 {
        %dma_wait3A_267 = arith.constant 0 : i32
        %dma_wait3A_268 = arith.constant 0 : i32
        %dma_wait3A_269 = arith.constant 0 : i32
        %dma_wait3A_270 = tpu.memref_slice %arg10[%dma_wait3A_267, %dma_wait3A_268, %dma_wait3A_269] : memref<2x128x128xf32, #tpu.memory_space<vmem>> -> memref<1x128x128xf32, #tpu.memory_space<vmem>>
        %dma_wait3A_271 = tpu.memref_squeeze %dma_wait3A_270 : memref<1x128x128xf32, #tpu.memory_space<vmem>> -> memref<128x128xf32, #tpu.memory_space<vmem>>
        %dma_wait3A_272 = arith.constant 0 : i32
        %dma_wait3A_273 = arith.constant 0 : i32
        %dma_wait3A_274 = tpu.memref_slice %arg2[%dma_wait3A_272, %dma_wait3A_273] : memref<10000x128xf32, #tpu.memory_space<hbm>> -> memref<128x128xf32, #tpu.memory_space<hbm>>
        %dma_wait3A_275 = arith.constant 0 : i32
        %dma_wait3A_276 = arith.constant 0 : i32
        %dma_wait3A_277 = tpu.memref_slice %arg10[%dma_wait3A_267, %dma_wait3A_275, %dma_wait3A_276] : memref<2x128x128xf32, #tpu.memory_space<vmem>> -> memref<1x128x128xf32, #tpu.memory_space<vmem>>
        %dma_wait3A_278 = tpu.memref_squeeze %dma_wait3A_277 : memref<1x128x128xf32, #tpu.memory_space<vmem>> -> memref<128x128xf32, #tpu.memory_space<vmem>>
        %dma_wait3A_279 = arith.constant 0 : i32
        %dma_wait3A_280 = arith.constant 0 : i32
        %dma_wait3A_281 = tpu.memref_slice %arg2[%dma_wait3A_279, %dma_wait3A_280] : memref<10000x128xf32, #tpu.memory_space<hbm>> -> memref<128x128xf32, #tpu.memory_space<hbm>>
        tpu.wait_dma2 semaphore(%arg15 : memref<!tpu.dma_semaphore, #tpu.memory_space<semaphore_mem>>) src(%dma_wait3A_281 : memref<128x128xf32, #tpu.memory_space<hbm>>) dst(%dma_wait3A_278 : memref<128x128xf32, #tpu.memory_space<vmem>>)
      } else {
      }
      %add3A_108 = arith.constant 0 : i32
      %add3A_109 = arith.addi %mul3A_102, %add3A_108 : i32
      %dma_start3A = arith.constant 0 : i32
      %dma_start3A_110 = arith.constant 0 : i32
      %dma_start3A_111 = arith.constant 0 : i32
      %dma_start3A_112 = tpu.memref_slice %arg10[%dma_start3A, %dma_start3A_110, %dma_start3A_111] : memref<2x128x128xf32, #tpu.memory_space<vmem>> -> memref<1x128x128xf32, #tpu.memory_space<vmem>>
      %dma_start3A_113 = tpu.memref_squeeze %dma_start3A_112 : memref<1x128x128xf32, #tpu.memory_space<vmem>> -> memref<128x128xf32, #tpu.memory_space<vmem>>
      %dma_start3A_114 = arith.constant 0 : i32
      %dma_start3A_115 = tpu.memref_slice %arg8[%add3A_109, %dma_start3A_114] : memref<16x128xi32, #tpu.memory_space<vmem>> -> memref<1x128xi32, #tpu.memory_space<vmem>>
      %dma_start3A_116 = tpu.memref_squeeze %dma_start3A_115 : memref<1x128xi32, #tpu.memory_space<vmem>> -> memref<128xi32, #tpu.memory_space<vmem>>
      %dma_start3A_117 = arith.constant 0 : i32
      %dma_start3A_118 = arith.constant 0 : i32
      %dma_start3A_119 = tpu.memref_slice %arg2[%dma_start3A_117, %dma_start3A_118] : memref<10000x128xf32, #tpu.memory_space<hbm>> -> memref<10000x128xf32, #tpu.memory_space<hbm>>
      tpu.enqueue_indirect_dma source(%dma_start3A_119 : memref<10000x128xf32, #tpu.memory_space<hbm>>) target(%dma_start3A_113 : memref<128x128xf32, #tpu.memory_space<vmem>>) offsets(%dma_start3A_116 : memref<128xi32, #tpu.memory_space<vmem>>) semaphore(%arg13 : memref<!tpu.dma_semaphore, #tpu.memory_space<semaphore_mem>>)
      %gt3A_120 = arith.constant 0 : i32
      %gt3A_121 = arith.cmpi sgt, %scan3A_100, %gt3A_120 : i32
      %or3A_122 = arith.constant true
      %or3A_123 = arith.ori %gt3A_121, %or3A_122 : i1
      %convert_element_type3A_124 = arith.extui %or3A_123 : i1 to i32
      %cond3A_125 = arith.constant 0 : i32
      %cond3A_126 = arith.cmpi ne, %convert_element_type3A_124, %cond3A_125 : i32
      scf.if %cond3A_126 {
        %dma_wait3A_267 = arith.constant 1 : i32
        %dma_wait3A_268 = arith.constant 0 : i32
        %dma_wait3A_269 = arith.constant 0 : i32
        %dma_wait3A_270 = tpu.memref_slice %arg10[%dma_wait3A_267, %dma_wait3A_268, %dma_wait3A_269] : memref<2x128x128xf32, #tpu.memory_space<vmem>> -> memref<1x128x128xf32, #tpu.memory_space<vmem>>
        %dma_wait3A_271 = tpu.memref_squeeze %dma_wait3A_270 : memref<1x128x128xf32, #tpu.memory_space<vmem>> -> memref<128x128xf32, #tpu.memory_space<vmem>>
        %dma_wait3A_272 = arith.constant 0 : i32
        %dma_wait3A_273 = arith.constant 0 : i32
        %dma_wait3A_274 = tpu.memref_slice %arg2[%dma_wait3A_272, %dma_wait3A_273] : memref<10000x128xf32, #tpu.memory_space<hbm>> -> memref<128x128xf32, #tpu.memory_space<hbm>>
        %dma_wait3A_275 = arith.constant 0 : i32
        %dma_wait3A_276 = arith.constant 0 : i32
        %dma_wait3A_277 = tpu.memref_slice %arg10[%dma_wait3A_267, %dma_wait3A_275, %dma_wait3A_276] : memref<2x128x128xf32, #tpu.memory_space<vmem>> -> memref<1x128x128xf32, #tpu.memory_space<vmem>>
        %dma_wait3A_278 = tpu.memref_squeeze %dma_wait3A_277 : memref<1x128x128xf32, #tpu.memory_space<vmem>> -> memref<128x128xf32, #tpu.memory_space<vmem>>
        %dma_wait3A_279 = arith.constant 0 : i32
        %dma_wait3A_280 = arith.constant 0 : i32
        %dma_wait3A_281 = tpu.memref_slice %arg2[%dma_wait3A_279, %dma_wait3A_280] : memref<10000x128xf32, #tpu.memory_space<hbm>> -> memref<128x128xf32, #tpu.memory_space<hbm>>
        tpu.wait_dma2 semaphore(%arg16 : memref<!tpu.dma_semaphore, #tpu.memory_space<semaphore_mem>>) src(%dma_wait3A_281 : memref<128x128xf32, #tpu.memory_space<hbm>>) dst(%dma_wait3A_278 : memref<128x128xf32, #tpu.memory_space<vmem>>)
      } else {
      }
      %add3A_127 = arith.constant 1 : i32
      %add3A_128 = arith.addi %mul3A_102, %add3A_127 : i32
      %dma_start3A_129 = arith.constant 1 : i32
      %dma_start3A_130 = arith.constant 0 : i32
      %dma_start3A_131 = arith.constant 0 : i32
      %dma_start3A_132 = tpu.memref_slice %arg10[%dma_start3A_129, %dma_start3A_130, %dma_start3A_131] : memref<2x128x128xf32, #tpu.memory_space<vmem>> -> memref<1x128x128xf32, #tpu.memory_space<vmem>>
      %dma_start3A_133 = tpu.memref_squeeze %dma_start3A_132 : memref<1x128x128xf32, #tpu.memory_space<vmem>> -> memref<128x128xf32, #tpu.memory_space<vmem>>
      %dma_start3A_134 = arith.constant 0 : i32
      %dma_start3A_135 = tpu.memref_slice %arg8[%add3A_128, %dma_start3A_134] : memref<16x128xi32, #tpu.memory_space<vmem>> -> memref<1x128xi32, #tpu.memory_space<vmem>>
      %dma_start3A_136 = tpu.memref_squeeze %dma_start3A_135 : memref<1x128xi32, #tpu.memory_space<vmem>> -> memref<128xi32, #tpu.memory_space<vmem>>
      %dma_start3A_137 = arith.constant 0 : i32
      %dma_start3A_138 = arith.constant 0 : i32
      %dma_start3A_139 = tpu.memref_slice %arg2[%dma_start3A_137, %dma_start3A_138] : memref<10000x128xf32, #tpu.memory_space<hbm>> -> memref<10000x128xf32, #tpu.memory_space<hbm>>
      tpu.enqueue_indirect_dma source(%dma_start3A_139 : memref<10000x128xf32, #tpu.memory_space<hbm>>) target(%dma_start3A_133 : memref<128x128xf32, #tpu.memory_space<vmem>>) offsets(%dma_start3A_136 : memref<128xi32, #tpu.memory_space<vmem>>) semaphore(%arg14 : memref<!tpu.dma_semaphore, #tpu.memory_space<semaphore_mem>>)
      %dma_wait3A_140 = arith.constant 0 : i32
      %dma_wait3A_141 = arith.constant 0 : i32
      %dma_wait3A_142 = arith.constant 0 : i32
      %dma_wait3A_143 = tpu.memref_slice %arg10[%dma_wait3A_140, %dma_wait3A_141, %dma_wait3A_142] : memref<2x128x128xf32, #tpu.memory_space<vmem>> -> memref<1x128x128xf32, #tpu.memory_space<vmem>>
      %dma_wait3A_144 = tpu.memref_squeeze %dma_wait3A_143 : memref<1x128x128xf32, #tpu.memory_space<vmem>> -> memref<128x128xf32, #tpu.memory_space<vmem>>
      %dma_wait3A_145 = arith.constant 0 : i32
      %dma_wait3A_146 = tpu.memref_slice %arg8[%add3A_109, %dma_wait3A_145] : memref<16x128xi32, #tpu.memory_space<vmem>> -> memref<1x128xi32, #tpu.memory_space<vmem>>
      %dma_wait3A_147 = tpu.memref_squeeze %dma_wait3A_146 : memref<1x128xi32, #tpu.memory_space<vmem>> -> memref<128xi32, #tpu.memory_space<vmem>>
      %dma_wait3A_148 = arith.constant 0 : i32
      %dma_wait3A_149 = arith.constant 0 : i32
      %dma_wait3A_150 = tpu.memref_slice %arg2[%dma_wait3A_148, %dma_wait3A_149] : memref<10000x128xf32, #tpu.memory_space<hbm>> -> memref<10000x128xf32, #tpu.memory_space<hbm>>
      tpu.wait_indirect_dma semaphore(%arg13 : memref<!tpu.dma_semaphore, #tpu.memory_space<semaphore_mem>>) src(%dma_wait3A_150 : memref<10000x128xf32, #tpu.memory_space<hbm>>) dst(%dma_wait3A_144 : memref<128x128xf32, #tpu.memory_space<vmem>>)
      %add3A_151 = arith.constant 0 : i32
      %add3A_152 = arith.addi %mul3A_102, %add3A_151 : i32
      %dma_start3A_153 = arith.constant 0 : i32
      %dma_start3A_154 = arith.constant 0 : i32
      %dma_start3A_155 = arith.constant 0 : i32
      %dma_start3A_156 = tpu.memref_slice %arg10[%dma_start3A_153, %dma_start3A_154, %dma_start3A_155] : memref<2x128x128xf32, #tpu.memory_space<vmem>> -> memref<1x128x128xf32, #tpu.memory_space<vmem>>
      %dma_start3A_157 = tpu.memref_squeeze %dma_start3A_156 : memref<1x128x128xf32, #tpu.memory_space<vmem>> -> memref<128x128xf32, #tpu.memory_space<vmem>>
      %dma_start3A_158 = arith.constant 0 : i32
      %dma_start3A_159 = tpu.memref_slice %arg9[%add3A_152, %dma_start3A_158] : memref<16x128xi32, #tpu.memory_space<vmem>> -> memref<1x128xi32, #tpu.memory_space<vmem>>
      %dma_start3A_160 = tpu.memref_squeeze %dma_start3A_159 : memref<1x128xi32, #tpu.memory_space<vmem>> -> memref<128xi32, #tpu.memory_space<vmem>>
      %dma_start3A_161 = arith.constant 0 : i32
      %dma_start3A_162 = arith.constant 0 : i32
      %dma_start3A_163 = tpu.memref_slice %arg12[%dma_start3A_161, %dma_start3A_162] : memref<10128x128xf32, #tpu.memory_space<vmem_shared>> -> memref<10128x128xf32, #tpu.memory_space<vmem_shared>>
      tpu.enqueue_indirect_dma source(%dma_start3A_157 : memref<128x128xf32, #tpu.memory_space<vmem>>) target(%dma_start3A_163 : memref<10128x128xf32, #tpu.memory_space<vmem_shared>>) offsets(%dma_start3A_160 : memref<128xi32, #tpu.memory_space<vmem>>) semaphore(%arg15 : memref<!tpu.dma_semaphore, #tpu.memory_space<semaphore_mem>>) {add = true}
      %add3A_164 = arith.constant 0 : i32
      %add3A_165 = arith.addi %mul3A_102, %add3A_164 : i32
      %get3A = arith.index_cast %add3A_165 : i32 to index
      %get3A_166 = arith.constant 0 : index
      %get3A_167 = tpu.vector_load %arg9[%get3A, %get3A_166] {strides = array<i32>} : memref<16x128xi32, #tpu.memory_space<vmem>>, vector<16xi32>,
      tpu.vector_store_idx %arg11[%get3A_167], %broadcast_in_dim3A_12 {add = true} : memref<10128xf32, #tpu.memory_space<vmem>>[vector<16xi32>], vector<16xf32>,
      %add3A_168 = arith.constant 0 : i32
      %add3A_169 = arith.addi %mul3A_102, %add3A_168 : i32
      %get3A_170 = arith.index_cast %add3A_169 : i32 to index
      %get3A_171 = arith.constant 16 : index
      %get3A_172 = tpu.vector_load %arg9[%get3A_170, %get3A_171] {strides = array<i32>} : memref<16x128xi32, #tpu.memory_space<vmem>>, vector<16xi32>,
      tpu.vector_store_idx %arg11[%get3A_172], %broadcast_in_dim3A_12 {add = true} : memref<10128xf32, #tpu.memory_space<vmem>>[vector<16xi32>], vector<16xf32>,
      %add3A_173 = arith.constant 0 : i32
      %add3A_174 = arith.addi %mul3A_102, %add3A_173 : i32
      %get3A_175 = arith.index_cast %add3A_174 : i32 to index
      %get3A_176 = arith.constant 32 : index
      %get3A_177 = tpu.vector_load %arg9[%get3A_175, %get3A_176] {strides = array<i32>} : memref<16x128xi32, #tpu.memory_space<vmem>>, vector<16xi32>,
      tpu.vector_store_idx %arg11[%get3A_177], %broadcast_in_dim3A_12 {add = true} : memref<10128xf32, #tpu.memory_space<vmem>>[vector<16xi32>], vector<16xf32>,
      %add3A_178 = arith.constant 0 : i32
      %add3A_179 = arith.addi %mul3A_102, %add3A_178 : i32
      %get3A_180 = arith.index_cast %add3A_179 : i32 to index
      %get3A_181 = arith.constant 48 : index
      %get3A_182 = tpu.vector_load %arg9[%get3A_180, %get3A_181] {strides = array<i32>} : memref<16x128xi32, #tpu.memory_space<vmem>>, vector<16xi32>,
      tpu.vector_store_idx %arg11[%get3A_182], %broadcast_in_dim3A_12 {add = true} : memref<10128xf32, #tpu.memory_space<vmem>>[vector<16xi32>], vector<16xf32>,
      %add3A_183 = arith.constant 0 : i32
      %add3A_184 = arith.addi %mul3A_102, %add3A_183 : i32
      %get3A_185 = arith.index_cast %add3A_184 : i32 to index
      %get3A_186 = arith.constant 64 : index
      %get3A_187 = tpu.vector_load %arg9[%get3A_185, %get3A_186] {strides = array<i32>} : memref<16x128xi32, #tpu.memory_space<vmem>>, vector<16xi32>,
      tpu.vector_store_idx %arg11[%get3A_187], %broadcast_in_dim3A_12 {add = true} : memref<10128xf32, #tpu.memory_space<vmem>>[vector<16xi32>], vector<16xf32>,
      %add3A_188 = arith.constant 0 : i32
      %add3A_189 = arith.addi %mul3A_102, %add3A_188 : i32
      %get3A_190 = arith.index_cast %add3A_189 : i32 to index
      %get3A_191 = arith.constant 80 : index
      %get3A_192 = tpu.vector_load %arg9[%get3A_190, %get3A_191] {strides = array<i32>} : memref<16x128xi32, #tpu.memory_space<vmem>>, vector<16xi32>,
      tpu.vector_store_idx %arg11[%get3A_192], %broadcast_in_dim3A_12 {add = true} : memref<10128xf32, #tpu.memory_space<vmem>>[vector<16xi32>], vector<16xf32>,
      %add3A_193 = arith.constant 0 : i32
      %add3A_194 = arith.addi %mul3A_102, %add3A_193 : i32
      %get3A_195 = arith.index_cast %add3A_194 : i32 to index
      %get3A_196 = arith.constant 96 : index
      %get3A_197 = tpu.vector_load %arg9[%get3A_195, %get3A_196] {strides = array<i32>} : memref<16x128xi32, #tpu.memory_space<vmem>>, vector<16xi32>,
      tpu.vector_store_idx %arg11[%get3A_197], %broadcast_in_dim3A_12 {add = true} : memref<10128xf32, #tpu.memory_space<vmem>>[vector<16xi32>], vector<16xf32>,
      %add3A_198 = arith.constant 0 : i32
      %add3A_199 = arith.addi %mul3A_102, %add3A_198 : i32
      %get3A_200 = arith.index_cast %add3A_199 : i32 to index
      %get3A_201 = arith.constant 112 : index
      %get3A_202 = tpu.vector_load %arg9[%get3A_200, %get3A_201] {strides = array<i32>} : memref<16x128xi32, #tpu.memory_space<vmem>>, vector<16xi32>,
      tpu.vector_store_idx %arg11[%get3A_202], %broadcast_in_dim3A_12 {add = true} : memref<10128xf32, #tpu.memory_space<vmem>>[vector<16xi32>], vector<16xf32>,
      %dma_wait3A_203 = arith.constant 1 : i32
      %dma_wait3A_204 = arith.constant 0 : i32
      %dma_wait3A_205 = arith.constant 0 : i32
      %dma_wait3A_206 = tpu.memref_slice %arg10[%dma_wait3A_203, %dma_wait3A_204, %dma_wait3A_205] : memref<2x128x128xf32, #tpu.memory_space<vmem>> -> memref<1x128x128xf32, #tpu.memory_space<vmem>>
      %dma_wait3A_207 = tpu.memref_squeeze %dma_wait3A_206 : memref<1x128x128xf32, #tpu.memory_space<vmem>> -> memref<128x128xf32, #tpu.memory_space<vmem>>
      %dma_wait3A_208 = arith.constant 0 : i32
      %dma_wait3A_209 = tpu.memref_slice %arg8[%add3A_128, %dma_wait3A_208] : memref<16x128xi32, #tpu.memory_space<vmem>> -> memref<1x128xi32, #tpu.memory_space<vmem>>
      %dma_wait3A_210 = tpu.memref_squeeze %dma_wait3A_209 : memref<1x128xi32, #tpu.memory_space<vmem>> -> memref<128xi32, #tpu.memory_space<vmem>>
      %dma_wait3A_211 = arith.constant 0 : i32
      %dma_wait3A_212 = arith.constant 0 : i32
      %dma_wait3A_213 = tpu.memref_slice %arg2[%dma_wait3A_211, %dma_wait3A_212] : memref<10000x128xf32, #tpu.memory_space<hbm>> -> memref<10000x128xf32, #tpu.memory_space<hbm>>
      tpu.wait_indirect_dma semaphore(%arg14 : memref<!tpu.dma_semaphore, #tpu.memory_space<semaphore_mem>>) src(%dma_wait3A_213 : memref<10000x128xf32, #tpu.memory_space<hbm>>) dst(%dma_wait3A_207 : memref<128x128xf32, #tpu.memory_space<vmem>>)
      %add3A_214 = arith.constant 1 : i32
      %add3A_215 = arith.addi %mul3A_102, %add3A_214 : i32
      %dma_start3A_216 = arith.constant 1 : i32
      %dma_start3A_217 = arith.constant 0 : i32
      %dma_start3A_218 = arith.constant 0 : i32
      %dma_start3A_219 = tpu.memref_slice %arg10[%dma_start3A_216, %dma_start3A_217, %dma_start3A_218] : memref<2x128x128xf32, #tpu.memory_space<vmem>> -> memref<1x128x128xf32, #tpu.memory_space<vmem>>
      %dma_start3A_220 = tpu.memref_squeeze %dma_start3A_219 : memref<1x128x128xf32, #tpu.memory_space<vmem>> -> memref<128x128xf32, #tpu.memory_space<vmem>>
      %dma_start3A_221 = arith.constant 0 : i32
      %dma_start3A_222 = tpu.memref_slice %arg9[%add3A_215, %dma_start3A_221] : memref<16x128xi32, #tpu.memory_space<vmem>> -> memref<1x128xi32, #tpu.memory_space<vmem>>
      %dma_start3A_223 = tpu.memref_squeeze %dma_start3A_222 : memref<1x128xi32, #tpu.memory_space<vmem>> -> memref<128xi32, #tpu.memory_space<vmem>>
      %dma_start3A_224 = arith.constant 0 : i32
      %dma_start3A_225 = arith.constant 0 : i32
      %dma_start3A_226 = tpu.memref_slice %arg12[%dma_start3A_224, %dma_start3A_225] : memref<10128x128xf32, #tpu.memory_space<vmem_shared>> -> memref<10128x128xf32, #tpu.memory_space<vmem_shared>>
      tpu.enqueue_indirect_dma source(%dma_start3A_220 : memref<128x128xf32, #tpu.memory_space<vmem>>) target(%dma_start3A_226 : memref<10128x128xf32, #tpu.memory_space<vmem_shared>>) offsets(%dma_start3A_223 : memref<128xi32, #tpu.memory_space<vmem>>) semaphore(%arg16 : memref<!tpu.dma_semaphore, #tpu.memory_space<semaphore_mem>>) {add = true}
      %add3A_227 = arith.constant 1 : i32
      %add3A_228 = arith.addi %mul3A_102, %add3A_227 : i32
      %get3A_229 = arith.index_cast %add3A_228 : i32 to index
      %get3A_230 = arith.constant 0 : index
      %get3A_231 = tpu.vector_load %arg9[%get3A_229, %get3A_230] {strides = array<i32>} : memref<16x128xi32, #tpu.memory_space<vmem>>, vector<16xi32>,
      tpu.vector_store_idx %arg11[%get3A_231], %broadcast_in_dim3A_12 {add = true} : memref<10128xf32, #tpu.memory_space<vmem>>[vector<16xi32>], vector<16xf32>,
      %add3A_232 = arith.constant 1 : i32
      %add3A_233 = arith.addi %mul3A_102, %add3A_232 : i32
      %get3A_234 = arith.index_cast %add3A_233 : i32 to index
      %get3A_235 = arith.constant 16 : index
      %get3A_236 = tpu.vector_load %arg9[%get3A_234, %get3A_235] {strides = array<i32>} : memref<16x128xi32, #tpu.memory_space<vmem>>, vector<16xi32>,
      tpu.vector_store_idx %arg11[%get3A_236], %broadcast_in_dim3A_12 {add = true} : memref<10128xf32, #tpu.memory_space<vmem>>[vector<16xi32>], vector<16xf32>,
      %add3A_237 = arith.constant 1 : i32
      %add3A_238 = arith.addi %mul3A_102, %add3A_237 : i32
      %get3A_239 = arith.index_cast %add3A_238 : i32 to index
      %get3A_240 = arith.constant 32 : index
      %get3A_241 = tpu.vector_load %arg9[%get3A_239, %get3A_240] {strides = array<i32>} : memref<16x128xi32, #tpu.memory_space<vmem>>, vector<16xi32>,
      tpu.vector_store_idx %arg11[%get3A_241], %broadcast_in_dim3A_12 {add = true} : memref<10128xf32, #tpu.memory_space<vmem>>[vector<16xi32>], vector<16xf32>,
      %add3A_242 = arith.constant 1 : i32
      %add3A_243 = arith.addi %mul3A_102, %add3A_242 : i32
      %get3A_244 = arith.index_cast %add3A_243 : i32 to index
      %get3A_245 = arith.constant 48 : index
      %get3A_246 = tpu.vector_load %arg9[%get3A_244, %get3A_245] {strides = array<i32>} : memref<16x128xi32, #tpu.memory_space<vmem>>, vector<16xi32>,
      tpu.vector_store_idx %arg11[%get3A_246], %broadcast_in_dim3A_12 {add = true} : memref<10128xf32, #tpu.memory_space<vmem>>[vector<16xi32>], vector<16xf32>,
      %add3A_247 = arith.constant 1 : i32
      %add3A_248 = arith.addi %mul3A_102, %add3A_247 : i32
      %get3A_249 = arith.index_cast %add3A_248 : i32 to index
      %get3A_250 = arith.constant 64 : index
      %get3A_251 = tpu.vector_load %arg9[%get3A_249, %get3A_250] {strides = array<i32>} : memref<16x128xi32, #tpu.memory_space<vmem>>, vector<16xi32>,
      tpu.vector_store_idx %arg11[%get3A_251], %broadcast_in_dim3A_12 {add = true} : memref<10128xf32, #tpu.memory_space<vmem>>[vector<16xi32>], vector<16xf32>,
      %add3A_252 = arith.constant 1 : i32
      %add3A_253 = arith.addi %mul3A_102, %add3A_252 : i32
      %get3A_254 = arith.index_cast %add3A_253 : i32 to index
      %get3A_255 = arith.constant 80 : index
      %get3A_256 = tpu.vector_load %arg9[%get3A_254, %get3A_255] {strides = array<i32>} : memref<16x128xi32, #tpu.memory_space<vmem>>, vector<16xi32>,
      tpu.vector_store_idx %arg11[%get3A_256], %broadcast_in_dim3A_12 {add = true} : memref<10128xf32, #tpu.memory_space<vmem>>[vector<16xi32>], vector<16xf32>,
      %add3A_257 = arith.constant 1 : i32
      %add3A_258 = arith.addi %mul3A_102, %add3A_257 : i32
      %get3A_259 = arith.index_cast %add3A_258 : i32 to index
      %get3A_260 = arith.constant 96 : index
      %get3A_261 = tpu.vector_load %arg9[%get3A_259, %get3A_260] {strides = array<i32>} : memref<16x128xi32, #tpu.memory_space<vmem>>, vector<16xi32>,
      tpu.vector_store_idx %arg11[%get3A_261], %broadcast_in_dim3A_12 {add = true} : memref<10128xf32, #tpu.memory_space<vmem>>[vector<16xi32>], vector<16xf32>,
      %add3A_262 = arith.constant 1 : i32
      %add3A_263 = arith.addi %mul3A_102, %add3A_262 : i32
      %get3A_264 = arith.index_cast %add3A_263 : i32 to index
      %get3A_265 = arith.constant 112 : index
      %get3A_266 = tpu.vector_load %arg9[%get3A_264, %get3A_265] {strides = array<i32>} : memref<16x128xi32, #tpu.memory_space<vmem>>, vector<16xi32>,
      tpu.vector_store_idx %arg11[%get3A_266], %broadcast_in_dim3A_12 {add = true} : memref<10128xf32, #tpu.memory_space<vmem>>[vector<16xi32>], vector<16xf32>,
    }
    %scan3A_52 = arith.constant 8 : i32
    %mul3A_53 = arith.constant 80 : i32
    %mul3A_54 = arith.muli %add3A, %mul3A_53 : i32
    %add3A_55 = arith.constant 64 : i32
    %add3A_56 = arith.addi %mul3A_54, %add3A_55 : i32
    "tpu.region"() ({
      %run_scoped3A = tpu.sem_alloc : memref<!tpu.dma_semaphore, #tpu.memory_space<semaphore_mem>>
      %dma_start3A = arith.constant 0 : i32
      %dma_start3A_100 = tpu.memref_slice %arg3[%add3A_56, %dma_start3A] : memref<2560x128xi32, #tpu.memory_space<hbm>> -> memref<16x128xi32, #tpu.memory_space<hbm>>
      %dma_start3A_101 = arith.constant 0 : i32
      %dma_start3A_102 = tpu.memref_slice %arg3[%add3A_56, %dma_start3A_101] : memref<2560x128xi32, #tpu.memory_space<hbm>> -> memref<16x128xi32, #tpu.memory_space<hbm>>
      tpu.enqueue_dma source(%dma_start3A_102 : memref<16x128xi32, #tpu.memory_space<hbm>>) target(%arg8 : memref<16x128xi32, #tpu.memory_space<vmem>>) target_semaphore(%run_scoped3A : memref<!tpu.dma_semaphore, #tpu.memory_space<semaphore_mem>>)
      %dma_wait3A_103 = arith.constant 0 : i32
      %dma_wait3A_104 = tpu.memref_slice %arg3[%add3A_56, %dma_wait3A_103] : memref<2560x128xi32, #tpu.memory_space<hbm>> -> memref<16x128xi32, #tpu.memory_space<hbm>>
      %dma_wait3A_105 = arith.constant 0 : i32
      %dma_wait3A_106 = tpu.memref_slice %arg3[%add3A_56, %dma_wait3A_105] : memref<2560x128xi32, #tpu.memory_space<hbm>> -> memref<16x128xi32, #tpu.memory_space<hbm>>
      tpu.wait_dma2 semaphore(%run_scoped3A : memref<!tpu.dma_semaphore, #tpu.memory_space<semaphore_mem>>) src(%dma_wait3A_106 : memref<16x128xi32, #tpu.memory_space<hbm>>) dst(%arg8 : memref<16x128xi32, #tpu.memory_space<vmem>>)
      tpu.yield
    }) : () -> ()
    "tpu.region"() ({
      %run_scoped3A = tpu.sem_alloc : memref<!tpu.dma_semaphore, #tpu.memory_space<semaphore_mem>>
      %dma_start3A = arith.constant 0 : i32
      %dma_start3A_100 = tpu.memref_slice %arg4[%add3A_56, %dma_start3A] : memref<2560x128xi32, #tpu.memory_space<hbm>> -> memref<16x128xi32, #tpu.memory_space<hbm>>
      %dma_start3A_101 = arith.constant 0 : i32
      %dma_start3A_102 = tpu.memref_slice %arg4[%add3A_56, %dma_start3A_101] : memref<2560x128xi32, #tpu.memory_space<hbm>> -> memref<16x128xi32, #tpu.memory_space<hbm>>
      tpu.enqueue_dma source(%dma_start3A_102 : memref<16x128xi32, #tpu.memory_space<hbm>>) target(%arg9 : memref<16x128xi32, #tpu.memory_space<vmem>>) target_semaphore(%run_scoped3A : memref<!tpu.dma_semaphore, #tpu.memory_space<semaphore_mem>>)
      %dma_wait3A_103 = arith.constant 0 : i32
      %dma_wait3A_104 = tpu.memref_slice %arg4[%add3A_56, %dma_wait3A_103] : memref<2560x128xi32, #tpu.memory_space<hbm>> -> memref<16x128xi32, #tpu.memory_space<hbm>>
      %dma_wait3A_105 = arith.constant 0 : i32
      %dma_wait3A_106 = tpu.memref_slice %arg4[%add3A_56, %dma_wait3A_105] : memref<2560x128xi32, #tpu.memory_space<hbm>> -> memref<16x128xi32, #tpu.memory_space<hbm>>
      tpu.wait_dma2 semaphore(%run_scoped3A : memref<!tpu.dma_semaphore, #tpu.memory_space<semaphore_mem>>) src(%dma_wait3A_106 : memref<16x128xi32, #tpu.memory_space<hbm>>) dst(%arg9 : memref<16x128xi32, #tpu.memory_space<vmem>>)
      tpu.yield
    }) : () -> ()
    %scan3A_57 = arith.constant 0 : i32
    %scan3A_58 = arith.constant 0 : i32
    %scan3A_59 = arith.constant 8 : i32
    %scan3A_60 = arith.addi %scan3A_58, %scan3A_59 : i32
    %scan3A_61 = arith.constant 1 : i32
    scf.for %scan3A_100 = %scan3A_58 to %scan3A_60 step %scan3A_61  : i32 {
      %mul3A_101 = arith.constant 2 : i32
      %mul3A_102 = arith.muli %scan3A_100, %mul3A_101 : i32
      %gt3A = arith.constant 0 : i32
      %gt3A_103 = arith.cmpi sgt, %scan3A_100, %gt3A : i32
      %or3A = arith.constant true
      %or3A_104 = arith.ori %gt3A_103, %or3A : i1
      %convert_element_type3A_105 = arith.extui %or3A_104 : i1 to i32
      %cond3A_106 = arith.constant 0 : i32
      %cond3A_107 = arith.cmpi ne, %convert_element_type3A_105, %cond3A_106 : i32
      scf.if %cond3A_107 {
        %dma_wait3A_267 = arith.constant 0 : i32
        %dma_wait3A_268 = arith.constant 0 : i32
        %dma_wait3A_269 = arith.constant 0 : i32
        %dma_wait3A_270 = tpu.memref_slice %arg10[%dma_wait3A_267, %dma_wait3A_268, %dma_wait3A_269] : memref<2x128x128xf32, #tpu.memory_space<vmem>> -> memref<1x128x128xf32, #tpu.memory_space<vmem>>
        %dma_wait3A_271 = tpu.memref_squeeze %dma_wait3A_270 : memref<1x128x128xf32, #tpu.memory_space<vmem>> -> memref<128x128xf32, #tpu.memory_space<vmem>>
        %dma_wait3A_272 = arith.constant 0 : i32
        %dma_wait3A_273 = arith.constant 0 : i32
        %dma_wait3A_274 = tpu.memref_slice %arg2[%dma_wait3A_272, %dma_wait3A_273] : memref<10000x128xf32, #tpu.memory_space<hbm>> -> memref<128x128xf32, #tpu.memory_space<hbm>>
        %dma_wait3A_275 = arith.constant 0 : i32
        %dma_wait3A_276 = arith.constant 0 : i32
        %dma_wait3A_277 = tpu.memref_slice %arg10[%dma_wait3A_267, %dma_wait3A_275, %dma_wait3A_276] : memref<2x128x128xf32, #tpu.memory_space<vmem>> -> memref<1x128x128xf32, #tpu.memory_space<vmem>>
        %dma_wait3A_278 = tpu.memref_squeeze %dma_wait3A_277 : memref<1x128x128xf32, #tpu.memory_space<vmem>> -> memref<128x128xf32, #tpu.memory_space<vmem>>
        %dma_wait3A_279 = arith.constant 0 : i32
        %dma_wait3A_280 = arith.constant 0 : i32
        %dma_wait3A_281 = tpu.memref_slice %arg2[%dma_wait3A_279, %dma_wait3A_280] : memref<10000x128xf32, #tpu.memory_space<hbm>> -> memref<128x128xf32, #tpu.memory_space<hbm>>
        tpu.wait_dma2 semaphore(%arg15 : memref<!tpu.dma_semaphore, #tpu.memory_space<semaphore_mem>>) src(%dma_wait3A_281 : memref<128x128xf32, #tpu.memory_space<hbm>>) dst(%dma_wait3A_278 : memref<128x128xf32, #tpu.memory_space<vmem>>)
      } else {
      }
      %add3A_108 = arith.constant 0 : i32
      %add3A_109 = arith.addi %mul3A_102, %add3A_108 : i32
      %dma_start3A = arith.constant 0 : i32
      %dma_start3A_110 = arith.constant 0 : i32
      %dma_start3A_111 = arith.constant 0 : i32
      %dma_start3A_112 = tpu.memref_slice %arg10[%dma_start3A, %dma_start3A_110, %dma_start3A_111] : memref<2x128x128xf32, #tpu.memory_space<vmem>> -> memref<1x128x128xf32, #tpu.memory_space<vmem>>
      %dma_start3A_113 = tpu.memref_squeeze %dma_start3A_112 : memref<1x128x128xf32, #tpu.memory_space<vmem>> -> memref<128x128xf32, #tpu.memory_space<vmem>>
      %dma_start3A_114 = arith.constant 0 : i32
      %dma_start3A_115 = tpu.memref_slice %arg8[%add3A_109, %dma_start3A_114] : memref<16x128xi32, #tpu.memory_space<vmem>> -> memref<1x128xi32, #tpu.memory_space<vmem>>
      %dma_start3A_116 = tpu.memref_squeeze %dma_start3A_115 : memref<1x128xi32, #tpu.memory_space<vmem>> -> memref<128xi32, #tpu.memory_space<vmem>>
      %dma_start3A_117 = arith.constant 0 : i32
      %dma_start3A_118 = arith.constant 0 : i32
      %dma_start3A_119 = tpu.memref_slice %arg2[%dma_start3A_117, %dma_start3A_118] : memref<10000x128xf32, #tpu.memory_space<hbm>> -> memref<10000x128xf32, #tpu.memory_space<hbm>>
      tpu.enqueue_indirect_dma source(%dma_start3A_119 : memref<10000x128xf32, #tpu.memory_space<hbm>>) target(%dma_start3A_113 : memref<128x128xf32, #tpu.memory_space<vmem>>) offsets(%dma_start3A_116 : memref<128xi32, #tpu.memory_space<vmem>>) semaphore(%arg13 : memref<!tpu.dma_semaphore, #tpu.memory_space<semaphore_mem>>)
      %gt3A_120 = arith.constant 0 : i32
      %gt3A_121 = arith.cmpi sgt, %scan3A_100, %gt3A_120 : i32
      %or3A_122 = arith.constant true
      %or3A_123 = arith.ori %gt3A_121, %or3A_122 : i1
      %convert_element_type3A_124 = arith.extui %or3A_123 : i1 to i32
      %cond3A_125 = arith.constant 0 : i32
      %cond3A_126 = arith.cmpi ne, %convert_element_type3A_124, %cond3A_125 : i32
      scf.if %cond3A_126 {
        %dma_wait3A_267 = arith.constant 1 : i32
        %dma_wait3A_268 = arith.constant 0 : i32
        %dma_wait3A_269 = arith.constant 0 : i32
        %dma_wait3A_270 = tpu.memref_slice %arg10[%dma_wait3A_267, %dma_wait3A_268, %dma_wait3A_269] : memref<2x128x128xf32, #tpu.memory_space<vmem>> -> memref<1x128x128xf32, #tpu.memory_space<vmem>>
        %dma_wait3A_271 = tpu.memref_squeeze %dma_wait3A_270 : memref<1x128x128xf32, #tpu.memory_space<vmem>> -> memref<128x128xf32, #tpu.memory_space<vmem>>
        %dma_wait3A_272 = arith.constant 0 : i32
        %dma_wait3A_273 = arith.constant 0 : i32
        %dma_wait3A_274 = tpu.memref_slice %arg2[%dma_wait3A_272, %dma_wait3A_273] : memref<10000x128xf32, #tpu.memory_space<hbm>> -> memref<128x128xf32, #tpu.memory_space<hbm>>
        %dma_wait3A_275 = arith.constant 0 : i32
        %dma_wait3A_276 = arith.constant 0 : i32
        %dma_wait3A_277 = tpu.memref_slice %arg10[%dma_wait3A_267, %dma_wait3A_275, %dma_wait3A_276] : memref<2x128x128xf32, #tpu.memory_space<vmem>> -> memref<1x128x128xf32, #tpu.memory_space<vmem>>
        %dma_wait3A_278 = tpu.memref_squeeze %dma_wait3A_277 : memref<1x128x128xf32, #tpu.memory_space<vmem>> -> memref<128x128xf32, #tpu.memory_space<vmem>>
        %dma_wait3A_279 = arith.constant 0 : i32
        %dma_wait3A_280 = arith.constant 0 : i32
        %dma_wait3A_281 = tpu.memref_slice %arg2[%dma_wait3A_279, %dma_wait3A_280] : memref<10000x128xf32, #tpu.memory_space<hbm>> -> memref<128x128xf32, #tpu.memory_space<hbm>>
        tpu.wait_dma2 semaphore(%arg16 : memref<!tpu.dma_semaphore, #tpu.memory_space<semaphore_mem>>) src(%dma_wait3A_281 : memref<128x128xf32, #tpu.memory_space<hbm>>) dst(%dma_wait3A_278 : memref<128x128xf32, #tpu.memory_space<vmem>>)
      } else {
      }
      %add3A_127 = arith.constant 1 : i32
      %add3A_128 = arith.addi %mul3A_102, %add3A_127 : i32
      %dma_start3A_129 = arith.constant 1 : i32
      %dma_start3A_130 = arith.constant 0 : i32
      %dma_start3A_131 = arith.constant 0 : i32
      %dma_start3A_132 = tpu.memref_slice %arg10[%dma_start3A_129, %dma_start3A_130, %dma_start3A_131] : memref<2x128x128xf32, #tpu.memory_space<vmem>> -> memref<1x128x128xf32, #tpu.memory_space<vmem>>
      %dma_start3A_133 = tpu.memref_squeeze %dma_start3A_132 : memref<1x128x128xf32, #tpu.memory_space<vmem>> -> memref<128x128xf32, #tpu.memory_space<vmem>>
      %dma_start3A_134 = arith.constant 0 : i32
      %dma_start3A_135 = tpu.memref_slice %arg8[%add3A_128, %dma_start3A_134] : memref<16x128xi32, #tpu.memory_space<vmem>> -> memref<1x128xi32, #tpu.memory_space<vmem>>
      %dma_start3A_136 = tpu.memref_squeeze %dma_start3A_135 : memref<1x128xi32, #tpu.memory_space<vmem>> -> memref<128xi32, #tpu.memory_space<vmem>>
      %dma_start3A_137 = arith.constant 0 : i32
      %dma_start3A_138 = arith.constant 0 : i32
      %dma_start3A_139 = tpu.memref_slice %arg2[%dma_start3A_137, %dma_start3A_138] : memref<10000x128xf32, #tpu.memory_space<hbm>> -> memref<10000x128xf32, #tpu.memory_space<hbm>>
      tpu.enqueue_indirect_dma source(%dma_start3A_139 : memref<10000x128xf32, #tpu.memory_space<hbm>>) target(%dma_start3A_133 : memref<128x128xf32, #tpu.memory_space<vmem>>) offsets(%dma_start3A_136 : memref<128xi32, #tpu.memory_space<vmem>>) semaphore(%arg14 : memref<!tpu.dma_semaphore, #tpu.memory_space<semaphore_mem>>)
      %dma_wait3A_140 = arith.constant 0 : i32
      %dma_wait3A_141 = arith.constant 0 : i32
      %dma_wait3A_142 = arith.constant 0 : i32
      %dma_wait3A_143 = tpu.memref_slice %arg10[%dma_wait3A_140, %dma_wait3A_141, %dma_wait3A_142] : memref<2x128x128xf32, #tpu.memory_space<vmem>> -> memref<1x128x128xf32, #tpu.memory_space<vmem>>
      %dma_wait3A_144 = tpu.memref_squeeze %dma_wait3A_143 : memref<1x128x128xf32, #tpu.memory_space<vmem>> -> memref<128x128xf32, #tpu.memory_space<vmem>>
      %dma_wait3A_145 = arith.constant 0 : i32
      %dma_wait3A_146 = tpu.memref_slice %arg8[%add3A_109, %dma_wait3A_145] : memref<16x128xi32, #tpu.memory_space<vmem>> -> memref<1x128xi32, #tpu.memory_space<vmem>>
      %dma_wait3A_147 = tpu.memref_squeeze %dma_wait3A_146 : memref<1x128xi32, #tpu.memory_space<vmem>> -> memref<128xi32, #tpu.memory_space<vmem>>
      %dma_wait3A_148 = arith.constant 0 : i32
      %dma_wait3A_149 = arith.constant 0 : i32
      %dma_wait3A_150 = tpu.memref_slice %arg2[%dma_wait3A_148, %dma_wait3A_149] : memref<10000x128xf32, #tpu.memory_space<hbm>> -> memref<10000x128xf32, #tpu.memory_space<hbm>>
      tpu.wait_indirect_dma semaphore(%arg13 : memref<!tpu.dma_semaphore, #tpu.memory_space<semaphore_mem>>) src(%dma_wait3A_150 : memref<10000x128xf32, #tpu.memory_space<hbm>>) dst(%dma_wait3A_144 : memref<128x128xf32, #tpu.memory_space<vmem>>)
      %add3A_151 = arith.constant 0 : i32
      %add3A_152 = arith.addi %mul3A_102, %add3A_151 : i32
      %dma_start3A_153 = arith.constant 0 : i32
      %dma_start3A_154 = arith.constant 0 : i32
      %dma_start3A_155 = arith.constant 0 : i32
      %dma_start3A_156 = tpu.memref_slice %arg10[%dma_start3A_153, %dma_start3A_154, %dma_start3A_155] : memref<2x128x128xf32, #tpu.memory_space<vmem>> -> memref<1x128x128xf32, #tpu.memory_space<vmem>>
      %dma_start3A_157 = tpu.memref_squeeze %dma_start3A_156 : memref<1x128x128xf32, #tpu.memory_space<vmem>> -> memref<128x128xf32, #tpu.memory_space<vmem>>
      %dma_start3A_158 = arith.constant 0 : i32
      %dma_start3A_159 = tpu.memref_slice %arg9[%add3A_152, %dma_start3A_158] : memref<16x128xi32, #tpu.memory_space<vmem>> -> memref<1x128xi32, #tpu.memory_space<vmem>>
      %dma_start3A_160 = tpu.memref_squeeze %dma_start3A_159 : memref<1x128xi32, #tpu.memory_space<vmem>> -> memref<128xi32, #tpu.memory_space<vmem>>
      %dma_start3A_161 = arith.constant 0 : i32
      %dma_start3A_162 = arith.constant 0 : i32
      %dma_start3A_163 = tpu.memref_slice %arg12[%dma_start3A_161, %dma_start3A_162] : memref<10128x128xf32, #tpu.memory_space<vmem_shared>> -> memref<10128x128xf32, #tpu.memory_space<vmem_shared>>
      tpu.enqueue_indirect_dma source(%dma_start3A_157 : memref<128x128xf32, #tpu.memory_space<vmem>>) target(%dma_start3A_163 : memref<10128x128xf32, #tpu.memory_space<vmem_shared>>) offsets(%dma_start3A_160 : memref<128xi32, #tpu.memory_space<vmem>>) semaphore(%arg15 : memref<!tpu.dma_semaphore, #tpu.memory_space<semaphore_mem>>) {add = true}
      %add3A_164 = arith.constant 0 : i32
      %add3A_165 = arith.addi %mul3A_102, %add3A_164 : i32
      %get3A = arith.index_cast %add3A_165 : i32 to index
      %get3A_166 = arith.constant 0 : index
      %get3A_167 = tpu.vector_load %arg9[%get3A, %get3A_166] {strides = array<i32>} : memref<16x128xi32, #tpu.memory_space<vmem>>, vector<16xi32>,
      tpu.vector_store_idx %arg11[%get3A_167], %broadcast_in_dim3A_12 {add = true} : memref<10128xf32, #tpu.memory_space<vmem>>[vector<16xi32>], vector<16xf32>,
      %add3A_168 = arith.constant 0 : i32
      %add3A_169 = arith.addi %mul3A_102, %add3A_168 : i32
      %get3A_170 = arith.index_cast %add3A_169 : i32 to index
      %get3A_171 = arith.constant 16 : index
      %get3A_172 = tpu.vector_load %arg9[%get3A_170, %get3A_171] {strides = array<i32>} : memref<16x128xi32, #tpu.memory_space<vmem>>, vector<16xi32>,
      tpu.vector_store_idx %arg11[%get3A_172], %broadcast_in_dim3A_12 {add = true} : memref<10128xf32, #tpu.memory_space<vmem>>[vector<16xi32>], vector<16xf32>,
      %add3A_173 = arith.constant 0 : i32
      %add3A_174 = arith.addi %mul3A_102, %add3A_173 : i32
      %get3A_175 = arith.index_cast %add3A_174 : i32 to index
      %get3A_176 = arith.constant 32 : index
      %get3A_177 = tpu.vector_load %arg9[%get3A_175, %get3A_176] {strides = array<i32>} : memref<16x128xi32, #tpu.memory_space<vmem>>, vector<16xi32>,
      tpu.vector_store_idx %arg11[%get3A_177], %broadcast_in_dim3A_12 {add = true} : memref<10128xf32, #tpu.memory_space<vmem>>[vector<16xi32>], vector<16xf32>,
      %add3A_178 = arith.constant 0 : i32
      %add3A_179 = arith.addi %mul3A_102, %add3A_178 : i32
      %get3A_180 = arith.index_cast %add3A_179 : i32 to index
      %get3A_181 = arith.constant 48 : index
      %get3A_182 = tpu.vector_load %arg9[%get3A_180, %get3A_181] {strides = array<i32>} : memref<16x128xi32, #tpu.memory_space<vmem>>, vector<16xi32>,
      tpu.vector_store_idx %arg11[%get3A_182], %broadcast_in_dim3A_12 {add = true} : memref<10128xf32, #tpu.memory_space<vmem>>[vector<16xi32>], vector<16xf32>,
      %add3A_183 = arith.constant 0 : i32
      %add3A_184 = arith.addi %mul3A_102, %add3A_183 : i32
      %get3A_185 = arith.index_cast %add3A_184 : i32 to index
      %get3A_186 = arith.constant 64 : index
      %get3A_187 = tpu.vector_load %arg9[%get3A_185, %get3A_186] {strides = array<i32>} : memref<16x128xi32, #tpu.memory_space<vmem>>, vector<16xi32>,
      tpu.vector_store_idx %arg11[%get3A_187], %broadcast_in_dim3A_12 {add = true} : memref<10128xf32, #tpu.memory_space<vmem>>[vector<16xi32>], vector<16xf32>,
      %add3A_188 = arith.constant 0 : i32
      %add3A_189 = arith.addi %mul3A_102, %add3A_188 : i32
      %get3A_190 = arith.index_cast %add3A_189 : i32 to index
      %get3A_191 = arith.constant 80 : index
      %get3A_192 = tpu.vector_load %arg9[%get3A_190, %get3A_191] {strides = array<i32>} : memref<16x128xi32, #tpu.memory_space<vmem>>, vector<16xi32>,
      tpu.vector_store_idx %arg11[%get3A_192], %broadcast_in_dim3A_12 {add = true} : memref<10128xf32, #tpu.memory_space<vmem>>[vector<16xi32>], vector<16xf32>,
      %add3A_193 = arith.constant 0 : i32
      %add3A_194 = arith.addi %mul3A_102, %add3A_193 : i32
      %get3A_195 = arith.index_cast %add3A_194 : i32 to index
      %get3A_196 = arith.constant 96 : index
      %get3A_197 = tpu.vector_load %arg9[%get3A_195, %get3A_196] {strides = array<i32>} : memref<16x128xi32, #tpu.memory_space<vmem>>, vector<16xi32>,
      tpu.vector_store_idx %arg11[%get3A_197], %broadcast_in_dim3A_12 {add = true} : memref<10128xf32, #tpu.memory_space<vmem>>[vector<16xi32>], vector<16xf32>,
      %add3A_198 = arith.constant 0 : i32
      %add3A_199 = arith.addi %mul3A_102, %add3A_198 : i32
      %get3A_200 = arith.index_cast %add3A_199 : i32 to index
      %get3A_201 = arith.constant 112 : index
      %get3A_202 = tpu.vector_load %arg9[%get3A_200, %get3A_201] {strides = array<i32>} : memref<16x128xi32, #tpu.memory_space<vmem>>, vector<16xi32>,
      tpu.vector_store_idx %arg11[%get3A_202], %broadcast_in_dim3A_12 {add = true} : memref<10128xf32, #tpu.memory_space<vmem>>[vector<16xi32>], vector<16xf32>,
      %dma_wait3A_203 = arith.constant 1 : i32
      %dma_wait3A_204 = arith.constant 0 : i32
      %dma_wait3A_205 = arith.constant 0 : i32
      %dma_wait3A_206 = tpu.memref_slice %arg10[%dma_wait3A_203, %dma_wait3A_204, %dma_wait3A_205] : memref<2x128x128xf32, #tpu.memory_space<vmem>> -> memref<1x128x128xf32, #tpu.memory_space<vmem>>
      %dma_wait3A_207 = tpu.memref_squeeze %dma_wait3A_206 : memref<1x128x128xf32, #tpu.memory_space<vmem>> -> memref<128x128xf32, #tpu.memory_space<vmem>>
      %dma_wait3A_208 = arith.constant 0 : i32
      %dma_wait3A_209 = tpu.memref_slice %arg8[%add3A_128, %dma_wait3A_208] : memref<16x128xi32, #tpu.memory_space<vmem>> -> memref<1x128xi32, #tpu.memory_space<vmem>>
      %dma_wait3A_210 = tpu.memref_squeeze %dma_wait3A_209 : memref<1x128xi32, #tpu.memory_space<vmem>> -> memref<128xi32, #tpu.memory_space<vmem>>
      %dma_wait3A_211 = arith.constant 0 : i32
      %dma_wait3A_212 = arith.constant 0 : i32
      %dma_wait3A_213 = tpu.memref_slice %arg2[%dma_wait3A_211, %dma_wait3A_212] : memref<10000x128xf32, #tpu.memory_space<hbm>> -> memref<10000x128xf32, #tpu.memory_space<hbm>>
      tpu.wait_indirect_dma semaphore(%arg14 : memref<!tpu.dma_semaphore, #tpu.memory_space<semaphore_mem>>) src(%dma_wait3A_213 : memref<10000x128xf32, #tpu.memory_space<hbm>>) dst(%dma_wait3A_207 : memref<128x128xf32, #tpu.memory_space<vmem>>)
      %add3A_214 = arith.constant 1 : i32
      %add3A_215 = arith.addi %mul3A_102, %add3A_214 : i32
      %dma_start3A_216 = arith.constant 1 : i32
      %dma_start3A_217 = arith.constant 0 : i32
      %dma_start3A_218 = arith.constant 0 : i32
      %dma_start3A_219 = tpu.memref_slice %arg10[%dma_start3A_216, %dma_start3A_217, %dma_start3A_218] : memref<2x128x128xf32, #tpu.memory_space<vmem>> -> memref<1x128x128xf32, #tpu.memory_space<vmem>>
      %dma_start3A_220 = tpu.memref_squeeze %dma_start3A_219 : memref<1x128x128xf32, #tpu.memory_space<vmem>> -> memref<128x128xf32, #tpu.memory_space<vmem>>
      %dma_start3A_221 = arith.constant 0 : i32
      %dma_start3A_222 = tpu.memref_slice %arg9[%add3A_215, %dma_start3A_221] : memref<16x128xi32, #tpu.memory_space<vmem>> -> memref<1x128xi32, #tpu.memory_space<vmem>>
      %dma_start3A_223 = tpu.memref_squeeze %dma_start3A_222 : memref<1x128xi32, #tpu.memory_space<vmem>> -> memref<128xi32, #tpu.memory_space<vmem>>
      %dma_start3A_224 = arith.constant 0 : i32
      %dma_start3A_225 = arith.constant 0 : i32
      %dma_start3A_226 = tpu.memref_slice %arg12[%dma_start3A_224, %dma_start3A_225] : memref<10128x128xf32, #tpu.memory_space<vmem_shared>> -> memref<10128x128xf32, #tpu.memory_space<vmem_shared>>
      tpu.enqueue_indirect_dma source(%dma_start3A_220 : memref<128x128xf32, #tpu.memory_space<vmem>>) target(%dma_start3A_226 : memref<10128x128xf32, #tpu.memory_space<vmem_shared>>) offsets(%dma_start3A_223 : memref<128xi32, #tpu.memory_space<vmem>>) semaphore(%arg16 : memref<!tpu.dma_semaphore, #tpu.memory_space<semaphore_mem>>) {add = true}
      %add3A_227 = arith.constant 1 : i32
      %add3A_228 = arith.addi %mul3A_102, %add3A_227 : i32
      %get3A_229 = arith.index_cast %add3A_228 : i32 to index
      %get3A_230 = arith.constant 0 : index
      %get3A_231 = tpu.vector_load %arg9[%get3A_229, %get3A_230] {strides = array<i32>} : memref<16x128xi32, #tpu.memory_space<vmem>>, vector<16xi32>,
      tpu.vector_store_idx %arg11[%get3A_231], %broadcast_in_dim3A_12 {add = true} : memref<10128xf32, #tpu.memory_space<vmem>>[vector<16xi32>], vector<16xf32>,
      %add3A_232 = arith.constant 1 : i32
      %add3A_233 = arith.addi %mul3A_102, %add3A_232 : i32
      %get3A_234 = arith.index_cast %add3A_233 : i32 to index
      %get3A_235 = arith.constant 16 : index
      %get3A_236 = tpu.vector_load %arg9[%get3A_234, %get3A_235] {strides = array<i32>} : memref<16x128xi32, #tpu.memory_space<vmem>>, vector<16xi32>,
      tpu.vector_store_idx %arg11[%get3A_236], %broadcast_in_dim3A_12 {add = true} : memref<10128xf32, #tpu.memory_space<vmem>>[vector<16xi32>], vector<16xf32>,
      %add3A_237 = arith.constant 1 : i32
      %add3A_238 = arith.addi %mul3A_102, %add3A_237 : i32
      %get3A_239 = arith.index_cast %add3A_238 : i32 to index
      %get3A_240 = arith.constant 32 : index
      %get3A_241 = tpu.vector_load %arg9[%get3A_239, %get3A_240] {strides = array<i32>} : memref<16x128xi32, #tpu.memory_space<vmem>>, vector<16xi32>,
      tpu.vector_store_idx %arg11[%get3A_241], %broadcast_in_dim3A_12 {add = true} : memref<10128xf32, #tpu.memory_space<vmem>>[vector<16xi32>], vector<16xf32>,
      %add3A_242 = arith.constant 1 : i32
      %add3A_243 = arith.addi %mul3A_102, %add3A_242 : i32
      %get3A_244 = arith.index_cast %add3A_243 : i32 to index
      %get3A_245 = arith.constant 48 : index
      %get3A_246 = tpu.vector_load %arg9[%get3A_244, %get3A_245] {strides = array<i32>} : memref<16x128xi32, #tpu.memory_space<vmem>>, vector<16xi32>,
      tpu.vector_store_idx %arg11[%get3A_246], %broadcast_in_dim3A_12 {add = true} : memref<10128xf32, #tpu.memory_space<vmem>>[vector<16xi32>], vector<16xf32>,
      %add3A_247 = arith.constant 1 : i32
      %add3A_248 = arith.addi %mul3A_102, %add3A_247 : i32
      %get3A_249 = arith.index_cast %add3A_248 : i32 to index
      %get3A_250 = arith.constant 64 : index
      %get3A_251 = tpu.vector_load %arg9[%get3A_249, %get3A_250] {strides = array<i32>} : memref<16x128xi32, #tpu.memory_space<vmem>>, vector<16xi32>,
      tpu.vector_store_idx %arg11[%get3A_251], %broadcast_in_dim3A_12 {add = true} : memref<10128xf32, #tpu.memory_space<vmem>>[vector<16xi32>], vector<16xf32>,
      %add3A_252 = arith.constant 1 : i32
      %add3A_253 = arith.addi %mul3A_102, %add3A_252 : i32
      %get3A_254 = arith.index_cast %add3A_253 : i32 to index
      %get3A_255 = arith.constant 80 : index
      %get3A_256 = tpu.vector_load %arg9[%get3A_254, %get3A_255] {strides = array<i32>} : memref<16x128xi32, #tpu.memory_space<vmem>>, vector<16xi32>,
      tpu.vector_store_idx %arg11[%get3A_256], %broadcast_in_dim3A_12 {add = true} : memref<10128xf32, #tpu.memory_space<vmem>>[vector<16xi32>], vector<16xf32>,
      %add3A_257 = arith.constant 1 : i32
      %add3A_258 = arith.addi %mul3A_102, %add3A_257 : i32
      %get3A_259 = arith.index_cast %add3A_258 : i32 to index
      %get3A_260 = arith.constant 96 : index
      %get3A_261 = tpu.vector_load %arg9[%get3A_259, %get3A_260] {strides = array<i32>} : memref<16x128xi32, #tpu.memory_space<vmem>>, vector<16xi32>,
      tpu.vector_store_idx %arg11[%get3A_261], %broadcast_in_dim3A_12 {add = true} : memref<10128xf32, #tpu.memory_space<vmem>>[vector<16xi32>], vector<16xf32>,
      %add3A_262 = arith.constant 1 : i32
      %add3A_263 = arith.addi %mul3A_102, %add3A_262 : i32
      %get3A_264 = arith.index_cast %add3A_263 : i32 to index
      %get3A_265 = arith.constant 112 : index
      %get3A_266 = tpu.vector_load %arg9[%get3A_264, %get3A_265] {strides = array<i32>} : memref<16x128xi32, #tpu.memory_space<vmem>>, vector<16xi32>,
      tpu.vector_store_idx %arg11[%get3A_266], %broadcast_in_dim3A_12 {add = true} : memref<10128xf32, #tpu.memory_space<vmem>>[vector<16xi32>], vector<16xf32>,
    }
    %scan3A_62 = arith.constant 8 : i32
    %dma_wait3A = arith.constant 0 : i32
    %dma_wait3A_63 = arith.constant 0 : i32
    %dma_wait3A_64 = arith.constant 0 : i32
    %dma_wait3A_65 = tpu.memref_slice %arg10[%dma_wait3A, %dma_wait3A_63, %dma_wait3A_64] : memref<2x128x128xf32, #tpu.memory_space<vmem>> -> memref<1x128x128xf32, #tpu.memory_space<vmem>>
    %dma_wait3A_66 = tpu.memref_squeeze %dma_wait3A_65 : memref<1x128x128xf32, #tpu.memory_space<vmem>> -> memref<128x128xf32, #tpu.memory_space<vmem>>
    %dma_wait3A_67 = arith.constant 0 : i32
    %dma_wait3A_68 = arith.constant 0 : i32
    %dma_wait3A_69 = tpu.memref_slice %arg2[%dma_wait3A_67, %dma_wait3A_68] : memref<10000x128xf32, #tpu.memory_space<hbm>> -> memref<128x128xf32, #tpu.memory_space<hbm>>
    %dma_wait3A_70 = arith.constant 0 : i32
    %dma_wait3A_71 = arith.constant 0 : i32
    %dma_wait3A_72 = tpu.memref_slice %arg10[%dma_wait3A, %dma_wait3A_70, %dma_wait3A_71] : memref<2x128x128xf32, #tpu.memory_space<vmem>> -> memref<1x128x128xf32, #tpu.memory_space<vmem>>
    %dma_wait3A_73 = tpu.memref_squeeze %dma_wait3A_72 : memref<1x128x128xf32, #tpu.memory_space<vmem>> -> memref<128x128xf32, #tpu.memory_space<vmem>>
    %dma_wait3A_74 = arith.constant 0 : i32
    %dma_wait3A_75 = arith.constant 0 : i32
    %dma_wait3A_76 = tpu.memref_slice %arg2[%dma_wait3A_74, %dma_wait3A_75] : memref<10000x128xf32, #tpu.memory_space<hbm>> -> memref<128x128xf32, #tpu.memory_space<hbm>>
    tpu.wait_dma2 semaphore(%arg15 : memref<!tpu.dma_semaphore, #tpu.memory_space<semaphore_mem>>) src(%dma_wait3A_76 : memref<128x128xf32, #tpu.memory_space<hbm>>) dst(%dma_wait3A_73 : memref<128x128xf32, #tpu.memory_space<vmem>>)
    %dma_wait3A_77 = arith.constant 1 : i32
    %dma_wait3A_78 = arith.constant 0 : i32
    %dma_wait3A_79 = arith.constant 0 : i32
    %dma_wait3A_80 = tpu.memref_slice %arg10[%dma_wait3A_77, %dma_wait3A_78, %dma_wait3A_79] : memref<2x128x128xf32, #tpu.memory_space<vmem>> -> memref<1x128x128xf32, #tpu.memory_space<vmem>>
    %dma_wait3A_81 = tpu.memref_squeeze %dma_wait3A_80 : memref<1x128x128xf32, #tpu.memory_space<vmem>> -> memref<128x128xf32, #tpu.memory_space<vmem>>
    %dma_wait3A_82 = arith.constant 0 : i32
    %dma_wait3A_83 = arith.constant 0 : i32
    %dma_wait3A_84 = tpu.memref_slice %arg2[%dma_wait3A_82, %dma_wait3A_83] : memref<10000x128xf32, #tpu.memory_space<hbm>> -> memref<128x128xf32, #tpu.memory_space<hbm>>
    %dma_wait3A_85 = arith.constant 0 : i32
    %dma_wait3A_86 = arith.constant 0 : i32
    %dma_wait3A_87 = tpu.memref_slice %arg10[%dma_wait3A_77, %dma_wait3A_85, %dma_wait3A_86] : memref<2x128x128xf32, #tpu.memory_space<vmem>> -> memref<1x128x128xf32, #tpu.memory_space<vmem>>
    %dma_wait3A_88 = tpu.memref_squeeze %dma_wait3A_87 : memref<1x128x128xf32, #tpu.memory_space<vmem>> -> memref<128x128xf32, #tpu.memory_space<vmem>>
    %dma_wait3A_89 = arith.constant 0 : i32
    %dma_wait3A_90 = arith.constant 0 : i32
    %dma_wait3A_91 = tpu.memref_slice %arg2[%dma_wait3A_89, %dma_wait3A_90] : memref<10000x128xf32, #tpu.memory_space<hbm>> -> memref<128x128xf32, #tpu.memory_space<hbm>>
    tpu.wait_dma2 semaphore(%arg16 : memref<!tpu.dma_semaphore, #tpu.memory_space<semaphore_mem>>) src(%dma_wait3A_91 : memref<128x128xf32, #tpu.memory_space<hbm>>) dst(%dma_wait3A_88 : memref<128x128xf32, #tpu.memory_space<vmem>>)
    %barrier3A_92 = arith.constant 0 : index
    tpu.barrier barrier_id(%barrier3A_92)
    "tpu.region"() ({
      %run_scoped3A = tpu.sem_alloc : memref<!tpu.dma_semaphore, #tpu.memory_space<semaphore_mem>>
      %dma_start3A = arith.constant 0 : i32
      %dma_start3A_100 = tpu.memref_slice %arg6[%arg0, %mul3A_2, %dma_start3A] : memref<2x10000x128xf32, #tpu.memory_space<hbm>> -> memref<1x624x128xf32, #tpu.memory_space<hbm>>
      %dma_start3A_101 = tpu.memref_squeeze %dma_start3A_100 : memref<1x624x128xf32, #tpu.memory_space<hbm>> -> memref<624x128xf32, #tpu.memory_space<hbm>>
      %dma_start3A_102 = arith.constant 0 : i32
      %dma_start3A_103 = tpu.memref_slice %arg12[%mul3A_2, %dma_start3A_102] : memref<10128x128xf32, #tpu.memory_space<vmem_shared>> -> memref<624x128xf32, #tpu.memory_space<vmem_shared>>
      tpu.enqueue_dma source(%dma_start3A_103 : memref<624x128xf32, #tpu.memory_space<vmem_shared>>) target(%dma_start3A_101 : memref<624x128xf32, #tpu.memory_space<hbm>>) target_semaphore(%run_scoped3A : memref<!tpu.dma_semaphore, #tpu.memory_space<semaphore_mem>>)
      %dma_wait3A_104 = arith.constant 0 : i32
      %dma_wait3A_105 = tpu.memref_slice %arg6[%arg0, %mul3A_2, %dma_wait3A_104] : memref<2x10000x128xf32, #tpu.memory_space<hbm>> -> memref<1x624x128xf32, #tpu.memory_space<hbm>>
      %dma_wait3A_106 = tpu.memref_squeeze %dma_wait3A_105 : memref<1x624x128xf32, #tpu.memory_space<hbm>> -> memref<624x128xf32, #tpu.memory_space<hbm>>
      %dma_wait3A_107 = arith.constant 0 : i32
      %dma_wait3A_108 = tpu.memref_slice %arg12[%mul3A_2, %dma_wait3A_107] : memref<10128x128xf32, #tpu.memory_space<vmem_shared>> -> memref<624x128xf32, #tpu.memory_space<vmem_shared>>
      tpu.wait_dma2 semaphore(%run_scoped3A : memref<!tpu.dma_semaphore, #tpu.memory_space<semaphore_mem>>) src(%dma_wait3A_108 : memref<624x128xf32, #tpu.memory_space<vmem_shared>>) dst(%dma_wait3A_106 : memref<624x128xf32, #tpu.memory_space<hbm>>)
      tpu.yield
    }) : () -> ()
    %mul3A_93 = arith.constant 10000 : i32
    %mul3A_94 = arith.muli %add3A, %mul3A_93 : i32
    "tpu.region"() ({
      %run_scoped3A = tpu.sem_alloc : memref<!tpu.dma_semaphore, #tpu.memory_space<semaphore_mem>>
      %dma_start3A = arith.constant 0 : i32
      %dma_start3A_100 = tpu.memref_slice %arg11[%dma_start3A] : memref<10128xf32, #tpu.memory_space<vmem>> -> memref<10000xf32, #tpu.memory_space<vmem>>
      %dma_start3A_101 = tpu.memref_slice %arg7[%mul3A_94] : memref<320000xf32, #tpu.memory_space<hbm>> -> memref<10000xf32, #tpu.memory_space<hbm>>
      %dma_start3A_102 = tpu.memref_slice %arg7[%mul3A_94] : memref<320000xf32, #tpu.memory_space<hbm>> -> memref<10000xf32, #tpu.memory_space<hbm>>
      %dma_start3A_103 = arith.constant 0 : i32
      %dma_start3A_104 = tpu.memref_slice %arg11[%dma_start3A_103] : memref<10128xf32, #tpu.memory_space<vmem>> -> memref<10000xf32, #tpu.memory_space<vmem>>
      tpu.enqueue_dma source(%dma_start3A_104 : memref<10000xf32, #tpu.memory_space<vmem>>) target(%dma_start3A_102 : memref<10000xf32, #tpu.memory_space<hbm>>) target_semaphore(%run_scoped3A : memref<!tpu.dma_semaphore, #tpu.memory_space<semaphore_mem>>)
      %dma_wait3A_105 = arith.constant 0 : i32
      %dma_wait3A_106 = tpu.memref_slice %arg11[%dma_wait3A_105] : memref<10128xf32, #tpu.memory_space<vmem>> -> memref<10000xf32, #tpu.memory_space<vmem>>
      %dma_wait3A_107 = tpu.memref_slice %arg7[%mul3A_94] : memref<320000xf32, #tpu.memory_space<hbm>> -> memref<10000xf32, #tpu.memory_space<hbm>>
      %dma_wait3A_108 = tpu.memref_slice %arg7[%mul3A_94] : memref<320000xf32, #tpu.memory_space<hbm>> -> memref<10000xf32, #tpu.memory_space<hbm>>
      %dma_wait3A_109 = arith.constant 0 : i32
      %dma_wait3A_110 = tpu.memref_slice %arg11[%dma_wait3A_109] : memref<10128xf32, #tpu.memory_space<vmem>> -> memref<10000xf32, #tpu.memory_space<vmem>>
      tpu.wait_dma2 semaphore(%run_scoped3A : memref<!tpu.dma_semaphore, #tpu.memory_space<semaphore_mem>>) src(%dma_wait3A_110 : memref<10000xf32, #tpu.memory_space<vmem>>) dst(%dma_wait3A_108 : memref<10000xf32, #tpu.memory_space<hbm>>)
      tpu.yield
    }) : () -> ()
    %eq3A_95 = arith.constant 0 : i32
    %eq3A_96 = arith.cmpi eq, %arg1, %eq3A_95 : i32
    %convert_element_type3A_97 = arith.extui %eq3A_96 : i1 to i32
    %cond3A_98 = arith.constant 0 : i32
    %cond3A_99 = arith.cmpi ne, %convert_element_type3A_97, %cond3A_98 : i32
    scf.if %cond3A_99 {
      "tpu.region"() ({
        %run_scoped3A = tpu.sem_alloc : memref<!tpu.dma_semaphore, #tpu.memory_space<semaphore_mem>>
        %dma_start3A = arith.constant 9984 : i32
        %dma_start3A_100 = arith.constant 0 : i32
        %dma_start3A_101 = tpu.memref_slice %arg6[%arg0, %dma_start3A, %dma_start3A_100] : memref<2x10000x128xf32, #tpu.memory_space<hbm>> -> memref<1x16x128xf32, #tpu.memory_space<hbm>>
        %dma_start3A_102 = tpu.memref_squeeze %dma_start3A_101 : memref<1x16x128xf32, #tpu.memory_space<hbm>> -> memref<16x128xf32, #tpu.memory_space<hbm>>
        %dma_start3A_103 = arith.constant 9984 : i32
        %dma_start3A_104 = arith.constant 0 : i32
        %dma_start3A_105 = tpu.memref_slice %arg12[%dma_start3A_103, %dma_start3A_104] : memref<10128x128xf32, #tpu.memory_space<vmem_shared>> -> memref<16x128xf32, #tpu.memory_space<vmem_shared>>
        tpu.enqueue_dma source(%dma_start3A_105 : memref<16x128xf32, #tpu.memory_space<vmem_shared>>) target(%dma_start3A_102 : memref<16x128xf32, #tpu.memory_space<hbm>>) target_semaphore(%run_scoped3A : memref<!tpu.dma_semaphore, #tpu.memory_space<semaphore_mem>>)
        %dma_wait3A_106 = arith.constant 9984 : i32
        %dma_wait3A_107 = arith.constant 0 : i32
        %dma_wait3A_108 = tpu.memref_slice %arg6[%arg0, %dma_wait3A_106, %dma_wait3A_107] : memref<2x10000x128xf32, #tpu.memory_space<hbm>> -> memref<1x16x128xf32, #tpu.memory_space<hbm>>
        %dma_wait3A_109 = tpu.memref_squeeze %dma_wait3A_108 : memref<1x16x128xf32, #tpu.memory_space<hbm>> -> memref<16x128xf32, #tpu.memory_space<hbm>>
        %dma_wait3A_110 = arith.constant 9984 : i32
        %dma_wait3A_111 = arith.constant 0 : i32
        %dma_wait3A_112 = tpu.memref_slice %arg12[%dma_wait3A_110, %dma_wait3A_111] : memref<10128x128xf32, #tpu.memory_space<vmem_shared>> -> memref<16x128xf32, #tpu.memory_space<vmem_shared>>
        tpu.wait_dma2 semaphore(%run_scoped3A : memref<!tpu.dma_semaphore, #tpu.memory_space<semaphore_mem>>) src(%dma_wait3A_112 : memref<16x128xf32, #tpu.memory_space<vmem_shared>>) dst(%dma_wait3A_109 : memref<16x128xf32, #tpu.memory_space<hbm>>)
        tpu.yield
      }) : () -> ()
    } else {
    }
    return
  }
}

module attributes {stable_mosaic.version = 14 : i64} {
  func.func @_tc_body(%arg0: i32, %arg1: memref<1000x128xf32, #tpu.memory_space<vmem>>, %arg2: memref<2x1000x128xf32, #tpu.memory_space<vmem>>, %arg3: memref<1000x32xf32, #tpu.memory_space<vmem>>, %arg4: memref<1x1x1000xi32, #tpu.memory_space<vmem>>, %arg5: memref<512x1xf32, #tpu.memory_space<vmem>>, %arg6: memref<1x1x512xi32, #tpu.memory_space<vmem>>, %arg7: memref<128x128xf32, #tpu.memory_space<vmem>>, %arg8: memref<128x128xf32, #tpu.memory_space<vmem>>, %arg9: memref<1x128xf32, #tpu.memory_space<vmem>>, %arg10: memref<128x128xf32, #tpu.memory_space<vmem>>, %arg11: memref<1x128xf32, #tpu.memory_space<vmem>>, %arg12: memref<128x1xf32, #tpu.memory_space<vmem>>, %arg13: memref<1x1xf32, #tpu.memory_space<vmem>>, %arg14: memref<8x1xf32, #tpu.memory_space<vmem>>, %arg15: memref<512x128xf32, #tpu.memory_space<vmem>>, %arg16: memref<512x128xf32, #tpu.memory_space<vmem>>) attributes {dimension_semantics = [#tpu.dimension_semantics<arbitrary>], iteration_bounds = array<i64: 10>, scalar_prefetch = 0 : i64, scratch_operands = 2 : i64, tpu.core_type = #tpu.core_type<tc>, window_params = [{transform_indices = @transform_0, window_bounds = array<i64: 1000, 128>}, {transform_indices = @transform_1, window_bounds = array<i64: 2, 1000, 128>}, {transform_indices = @transform_2, window_bounds = array<i64: 1000, 32>}, {transform_indices = @transform_3, window_bounds = array<i64: 1, 1, 1000>}, {pipeline_mode = #tpu.pipeline_mode<synchronous>, transform_indices = @transform_4, window_bounds = array<i64: 512, 1>}, {pipeline_mode = #tpu.pipeline_mode<synchronous>, transform_indices = @transform_5, window_bounds = array<i64: 1, 1, 512>}, {pipeline_mode = #tpu.pipeline_mode<synchronous>, transform_indices = @transform_6, window_bounds = array<i64: 128, 128>}, {pipeline_mode = #tpu.pipeline_mode<synchronous>, transform_indices = @transform_7, window_bounds = array<i64: 128, 128>}, {pipeline_mode = #tpu.pipeline_mode<synchronous>, transform_indices = @transform_8, window_bounds = array<i64: 1, 128>}, {pipeline_mode = #tpu.pipeline_mode<synchronous>, transform_indices = @transform_9, window_bounds = array<i64: 128, 128>}, {pipeline_mode = #tpu.pipeline_mode<synchronous>, transform_indices = @transform_10, window_bounds = array<i64: 1, 128>}, {pipeline_mode = #tpu.pipeline_mode<synchronous>, transform_indices = @transform_11, window_bounds = array<i64: 128, 1>}, {pipeline_mode = #tpu.pipeline_mode<synchronous>, transform_indices = @transform_12, window_bounds = array<i64: 1, 1>}, {pipeline_mode = #tpu.pipeline_mode<synchronous>, transform_indices = @transform_13, window_bounds = array<i64: 8, 1>}]} {
    %eq3A = arith.constant 0 : i32
    %eq3A_0 = arith.cmpi eq, %arg0, %eq3A : i32
    %convert_element_type3A = arith.extui %eq3A_0 : i1 to i32
    %cond3A = arith.constant 0 : i32
    %cond3A_1 = arith.cmpi ne, %convert_element_type3A, %cond3A : i32
    scf.if %cond3A_1 {
      %broadcast_in_dim3A_73 = arith.constant 0.000000e+00 : f32
      %broadcast_in_dim3A_74 = vector.broadcast %broadcast_in_dim3A_73 : f32 to vector<512x128xf32>
      %swap3A_75 = arith.constant 0 : index
      %swap3A_76 = arith.constant 0 : index
      %swap3A_77 = vector.load %arg15[%swap3A_75, %swap3A_76] : memref<512x128xf32, #tpu.memory_space<vmem>>, vector<512x128xf32>
      tpu.vector_store %arg15[%swap3A_75, %swap3A_76], %broadcast_in_dim3A_74 {strides = array<i32>} : memref<512x128xf32, #tpu.memory_space<vmem>>, vector<512x128xf32>,
      %broadcast_in_dim3A_78 = arith.constant 0.000000e+00 : f32
      %broadcast_in_dim3A_79 = vector.broadcast %broadcast_in_dim3A_78 : f32 to vector<512x128xf32>
      %swap3A_80 = arith.constant 0 : index
      %swap3A_81 = arith.constant 0 : index
      %swap3A_82 = vector.load %arg16[%swap3A_80, %swap3A_81] : memref<512x128xf32, #tpu.memory_space<vmem>>, vector<512x128xf32>
      tpu.vector_store %arg16[%swap3A_80, %swap3A_81], %broadcast_in_dim3A_79 {strides = array<i32>} : memref<512x128xf32, #tpu.memory_space<vmem>>, vector<512x128xf32>,
    } else {
    }
    %get3A = arith.constant 0 : index
    %get3A_2 = arith.constant 0 : index
    %get3A_3 = vector.load %arg1[%get3A, %get3A_2] : memref<1000x128xf32, #tpu.memory_space<vmem>>, vector<1000x128xf32>
    %get3A_4 = arith.constant 0 : index
    %get3A_5 = arith.constant 0 : index
    %get3A_6 = arith.constant 0 : index
    %get3A_7 = vector.load %arg2[%get3A_4, %get3A_5, %get3A_6] : memref<2x1000x128xf32, #tpu.memory_space<vmem>>, vector<1x1000x128xf32>
    %get3A_8 = vector.shape_cast %get3A_7 : vector<1x1000x128xf32> to vector<1000x128xf32>
    %get3A_9 = arith.constant 1 : index
    %get3A_10 = arith.constant 0 : index
    %get3A_11 = arith.constant 0 : index
    %get3A_12 = vector.load %arg2[%get3A_9, %get3A_10, %get3A_11] : memref<2x1000x128xf32, #tpu.memory_space<vmem>>, vector<1x1000x128xf32>
    %get3A_13 = vector.shape_cast %get3A_12 : vector<1x1000x128xf32> to vector<1000x128xf32>
    %add3A = arith.addf %get3A_8, %get3A_13 : vector<1000x128xf32>
    %get3A_14 = arith.constant 0 : index
    %get3A_15 = arith.constant 0 : index
    %get3A_16 = vector.load %arg3[%get3A_14, %get3A_15] : memref<1000x32xf32, #tpu.memory_space<vmem>>, vector<1000x32xf32>
    %reduce_sum3A = arith.constant dense<0.000000e+00> : vector<1000xf32>
    %reduce_sum3A_17 = vector.multi_reduction <add>, %get3A_16, %reduce_sum3A [1] : vector<1000x32xf32> to vector<1000xf32>
    %broadcast_in_dim3A = vector.shape_cast %reduce_sum3A_17 : vector<1000xf32> to vector<1000x1xf32>
    %max3A = arith.constant 1.000000e+00 : f32
    %max3A_18 = vector.broadcast %max3A : f32 to vector<1000x1xf32>
    %max3A_19 = arith.maximumf %broadcast_in_dim3A, %max3A_18 : vector<1000x1xf32>
    %div3A = vector.broadcast %max3A_19 : vector<1000x1xf32> to vector<1000x128xf32>
    %div3A_20 = arith.divf %add3A, %div3A : vector<1000x128xf32>
    %get3A_21 = arith.constant 0 : index
    %get3A_22 = arith.constant 0 : index
    %get3A_23 = vector.load %arg7[%get3A_21, %get3A_22] : memref<128x128xf32, #tpu.memory_space<vmem>>, vector<128x128xf32>
    %dot_general3A = arith.constant dense<0.000000e+00> : vector<1000x128xf32>
    %dot_general3A_24 = tpu.matmul %get3A_3, %get3A_23, %dot_general3A {dimension_numbers = #tpu.dot_dimension_numbers<[1], [0], [0], [1], [0, 0, 1, 1], [], []>, precision = #tpu.contract_precision<fp32>, transpose_lhs_hint = false} : vector<1000x128xf32>, vector<128x128xf32>, vector<1000x128xf32> -> vector<1000x128xf32>
    %get3A_25 = arith.constant 0 : index
    %get3A_26 = arith.constant 0 : index
    %get3A_27 = vector.load %arg8[%get3A_25, %get3A_26] : memref<128x128xf32, #tpu.memory_space<vmem>>, vector<128x128xf32>
    %dot_general3A_28 = arith.constant dense<0.000000e+00> : vector<1000x128xf32>
    %dot_general3A_29 = tpu.matmul %div3A_20, %get3A_27, %dot_general3A_28 {dimension_numbers = #tpu.dot_dimension_numbers<[1], [0], [0], [1], [0, 0, 1, 1], [], []>, precision = #tpu.contract_precision<fp32>, transpose_lhs_hint = false} : vector<1000x128xf32>, vector<128x128xf32>, vector<1000x128xf32> -> vector<1000x128xf32>
    %add3A_30 = arith.addf %dot_general3A_24, %dot_general3A_29 : vector<1000x128xf32>
    %get3A_31 = arith.constant 0 : index
    %get3A_32 = arith.constant 0 : index
    %get3A_33 = vector.load %arg9[%get3A_31, %get3A_32] : memref<1x128xf32, #tpu.memory_space<vmem>>, vector<1x128xf32>
    %add3A_34 = vector.broadcast %get3A_33 : vector<1x128xf32> to vector<1000x128xf32>
    %add3A_35 = arith.addf %add3A_30, %add3A_34 : vector<1000x128xf32>
    %max3A_36 = arith.constant 0.000000e+00 : f32
    %max3A_37 = vector.broadcast %max3A_36 : f32 to vector<1000x128xf32>
    %max3A_38 = arith.maximumf %add3A_35, %max3A_37 : vector<1000x128xf32>
    %get3A_39 = arith.constant 0 : index
    %get3A_40 = arith.constant 0 : index
    %get3A_41 = arith.constant 0 : index
    %get3A_42 = vector.load %arg4[%get3A_39, %get3A_40, %get3A_41] : memref<1x1x1000xi32, #tpu.memory_space<vmem>>, vector<1x1x1000xi32>
    %get3A_43 = vector.shape_cast %get3A_42 : vector<1x1x1000xi32> to vector<1000xi32>
    %broadcast_in_dim3A_44 = vector.shape_cast %get3A_43 : vector<1000xi32> to vector<1000x1xi32>
    %iota3A = tpu.iota {dimensions = array<i32: 1>} : vector<1000x512xi32>
    %eq3A_45 = vector.broadcast %broadcast_in_dim3A_44 : vector<1000x1xi32> to vector<1000x512xi32>
    %eq3A_46 = arith.cmpi eq, %eq3A_45, %iota3A : vector<1000x512xi32>
    %convert_element_type3A_47 = arith.extui %eq3A_46 : vector<1000x512xi1> to vector<1000x512xi32>
    %convert_element_type3A_48 = arith.sitofp %convert_element_type3A_47 : vector<1000x512xi32> to vector<1000x512xf32>
    %get3A_49 = arith.constant 0 : index
    %get3A_50 = arith.constant 0 : index
    %get3A_51 = vector.load %arg15[%get3A_49, %get3A_50] : memref<512x128xf32, #tpu.memory_space<vmem>>, vector<512x128xf32>
    %dot_general3A_52 = arith.constant dense<0.000000e+00> : vector<512x128xf32>
    %dot_general3A_53 = tpu.matmul %convert_element_type3A_48, %max3A_38, %dot_general3A_52 {dimension_numbers = #tpu.dot_dimension_numbers<[0], [0], [1], [1], [0, 1, 1, 1], [], []>, precision = #tpu.contract_precision<fp32>, transpose_lhs_hint = false} : vector<1000x512xf32>, vector<1000x128xf32>, vector<512x128xf32> -> vector<512x128xf32>
    %add3A_54 = arith.addf %get3A_51, %dot_general3A_53 : vector<512x128xf32>
    %swap3A = arith.constant 0 : index
    %swap3A_55 = arith.constant 0 : index
    %swap3A_56 = vector.load %arg15[%swap3A, %swap3A_55] : memref<512x128xf32, #tpu.memory_space<vmem>>, vector<512x128xf32>
    tpu.vector_store %arg15[%swap3A, %swap3A_55], %add3A_54 {strides = array<i32>} : memref<512x128xf32, #tpu.memory_space<vmem>>, vector<512x128xf32>,
    %get3A_57 = arith.constant 0 : index
    %get3A_58 = arith.constant 0 : index
    %get3A_59 = vector.load %arg16[%get3A_57, %get3A_58] : memref<512x128xf32, #tpu.memory_space<vmem>>, vector<512x128xf32>
    %broadcast_in_dim3A_60 = arith.constant 1.000000e+00 : f32
    %broadcast_in_dim3A_61 = vector.broadcast %broadcast_in_dim3A_60 : f32 to vector<1000x128xf32>
    %dot_general3A_62 = arith.constant dense<0.000000e+00> : vector<512x128xf32>
    %dot_general3A_63 = tpu.matmul %convert_element_type3A_48, %broadcast_in_dim3A_61, %dot_general3A_62 {dimension_numbers = #tpu.dot_dimension_numbers<[0], [0], [1], [1], [0, 1, 1, 1], [], []>, precision = #tpu.contract_precision<fp32>, transpose_lhs_hint = false} : vector<1000x512xf32>, vector<1000x128xf32>, vector<512x128xf32> -> vector<512x128xf32>
    %add3A_64 = arith.addf %get3A_59, %dot_general3A_63 : vector<512x128xf32>
    %swap3A_65 = arith.constant 0 : index
    %swap3A_66 = arith.constant 0 : index
    %swap3A_67 = vector.load %arg16[%swap3A_65, %swap3A_66] : memref<512x128xf32, #tpu.memory_space<vmem>>, vector<512x128xf32>
    tpu.vector_store %arg16[%swap3A_65, %swap3A_66], %add3A_64 {strides = array<i32>} : memref<512x128xf32, #tpu.memory_space<vmem>>, vector<512x128xf32>,
    %eq3A_68 = arith.constant 9 : i32
    %eq3A_69 = arith.cmpi eq, %arg0, %eq3A_68 : i32
    %convert_element_type3A_70 = arith.extui %eq3A_69 : i1 to i32
    %cond3A_71 = arith.constant 0 : i32
    %cond3A_72 = arith.cmpi ne, %convert_element_type3A_70, %cond3A_71 : i32
    scf.if %cond3A_72 {
      %get3A_73 = arith.constant 0 : index
      %get3A_74 = arith.constant 0 : index
      %get3A_75 = vector.load %arg15[%get3A_73, %get3A_74] : memref<512x128xf32, #tpu.memory_space<vmem>>, vector<512x128xf32>
      %get3A_76 = arith.constant 0 : index
      %get3A_77 = arith.constant 0 : index
      %get3A_78 = vector.load %arg16[%get3A_76, %get3A_77] : memref<512x128xf32, #tpu.memory_space<vmem>>, vector<512x128xf32>
      %max3A_79 = arith.constant 1.000000e+00 : f32
      %max3A_80 = vector.broadcast %max3A_79 : f32 to vector<512x128xf32>
      %max3A_81 = arith.maximumf %get3A_78, %max3A_80 : vector<512x128xf32>
      %div3A_82 = arith.divf %get3A_75, %max3A_81 : vector<512x128xf32>
      %get3A_83 = arith.constant 0 : index
      %get3A_84 = arith.constant 0 : index
      %get3A_85 = vector.load %arg10[%get3A_83, %get3A_84] : memref<128x128xf32, #tpu.memory_space<vmem>>, vector<128x128xf32>
      %dot_general3A_86 = arith.constant dense<0.000000e+00> : vector<512x128xf32>
      %dot_general3A_87 = tpu.matmul %div3A_82, %get3A_85, %dot_general3A_86 {dimension_numbers = #tpu.dot_dimension_numbers<[1], [0], [0], [1], [0, 0, 1, 1], [], []>, precision = #tpu.contract_precision<fp32>, transpose_lhs_hint = false} : vector<512x128xf32>, vector<128x128xf32>, vector<512x128xf32> -> vector<512x128xf32>
      %get3A_88 = arith.constant 0 : index
      %get3A_89 = arith.constant 0 : index
      %get3A_90 = vector.load %arg11[%get3A_88, %get3A_89] : memref<1x128xf32, #tpu.memory_space<vmem>>, vector<1x128xf32>
      %add3A_91 = vector.broadcast %get3A_90 : vector<1x128xf32> to vector<512x128xf32>
      %add3A_92 = arith.addf %dot_general3A_87, %add3A_91 : vector<512x128xf32>
      %gt3A = arith.constant 0.000000e+00 : f32
      %gt3A_93 = vector.broadcast %gt3A : f32 to vector<512x128xf32>
      %gt3A_94 = arith.cmpf ogt, %add3A_92, %gt3A_93 : vector<512x128xf32>
      %mul3A = arith.constant 0.00999999977 : f32
      %mul3A_95 = vector.broadcast %mul3A : f32 to vector<512x128xf32>
      %mul3A_96 = arith.mulf %mul3A_95, %add3A_92 : vector<512x128xf32>
      %select_n3A = arith.select %gt3A_94, %add3A_92, %mul3A_96 : vector<512x128xi1>, vector<512x128xf32>
      %get3A_97 = arith.constant 0 : index
      %get3A_98 = arith.constant 0 : index
      %get3A_99 = vector.load %arg12[%get3A_97, %get3A_98] : memref<128x1xf32, #tpu.memory_space<vmem>>, vector<128x1xf32>
      %dot_general3A_100 = arith.constant dense<0.000000e+00> : vector<512x1xf32>
      %dot_general3A_101 = tpu.matmul %select_n3A, %get3A_99, %dot_general3A_100 {dimension_numbers = #tpu.dot_dimension_numbers<[1], [0], [0], [1], [0, 0, 1, 1], [], []>, precision = #tpu.contract_precision<fp32>, transpose_lhs_hint = false} : vector<512x128xf32>, vector<128x1xf32>, vector<512x1xf32> -> vector<512x1xf32>
      %get3A_102 = arith.constant 0 : index
      %get3A_103 = arith.constant 0 : index
      %get3A_104 = vector.load %arg13[%get3A_102, %get3A_103] : memref<1x1xf32, #tpu.memory_space<vmem>>, vector<1x1xf32>
      %add3A_105 = vector.broadcast %get3A_104 : vector<1x1xf32> to vector<512x1xf32>
      %add3A_106 = arith.addf %dot_general3A_101, %add3A_105 : vector<512x1xf32>
      %get3A_107 = arith.constant 0 : index
      %get3A_108 = arith.constant 0 : index
      %get3A_109 = vector.load %arg5[%get3A_107, %get3A_108] : memref<512x1xf32, #tpu.memory_space<vmem>>, vector<512x1xf32>
      %mul3A_110 = arith.mulf %add3A_106, %get3A_109 : vector<512x1xf32>
      %get3A_111 = arith.constant 0 : index
      %get3A_112 = arith.constant 0 : index
      %get3A_113 = arith.constant 0 : index
      %get3A_114 = vector.load %arg6[%get3A_111, %get3A_112, %get3A_113] : memref<1x1x512xi32, #tpu.memory_space<vmem>>, vector<1x1x512xi32>
      %get3A_115 = vector.shape_cast %get3A_114 : vector<1x1x512xi32> to vector<512xi32>
      %broadcast_in_dim3A_116 = vector.shape_cast %get3A_115 : vector<512xi32> to vector<512x1xi32>
      %iota3A_117 = tpu.iota {dimensions = array<i32: 1>} : vector<512x8xi32>
      %eq3A_118 = vector.broadcast %broadcast_in_dim3A_116 : vector<512x1xi32> to vector<512x8xi32>
      %eq3A_119 = arith.cmpi eq, %eq3A_118, %iota3A_117 : vector<512x8xi32>
      %convert_element_type3A_120 = arith.extui %eq3A_119 : vector<512x8xi1> to vector<512x8xi32>
      %convert_element_type3A_121 = arith.sitofp %convert_element_type3A_120 : vector<512x8xi32> to vector<512x8xf32>
      %dot_general3A_122 = arith.constant dense<0.000000e+00> : vector<8x1xf32>
      %dot_general3A_123 = tpu.matmul %convert_element_type3A_121, %mul3A_110, %dot_general3A_122 {dimension_numbers = #tpu.dot_dimension_numbers<[0], [0], [1], [1], [0, 1, 1, 1], [], []>, precision = #tpu.contract_precision<fp32>, transpose_lhs_hint = false} : vector<512x8xf32>, vector<512x1xf32>, vector<8x1xf32> -> vector<8x1xf32>
      %dot_general3A_124 = arith.constant dense<0.000000e+00> : vector<8x1xf32>
      %dot_general3A_125 = tpu.matmul %convert_element_type3A_121, %get3A_109, %dot_general3A_124 {dimension_numbers = #tpu.dot_dimension_numbers<[0], [0], [1], [1], [0, 1, 1, 1], [], []>, precision = #tpu.contract_precision<fp32>, transpose_lhs_hint = false} : vector<512x8xf32>, vector<512x1xf32>, vector<8x1xf32> -> vector<8x1xf32>
      %max3A_126 = arith.constant 9.99999993E-9 : f32
      %max3A_127 = vector.broadcast %max3A_126 : f32 to vector<8x1xf32>
      %max3A_128 = arith.maximumf %dot_general3A_125, %max3A_127 : vector<8x1xf32>
      %div3A_129 = arith.divf %dot_general3A_123, %max3A_128 : vector<8x1xf32>
      %swap3A_130 = arith.constant 0 : index
      %swap3A_131 = arith.constant 0 : index
      %swap3A_132 = vector.load %arg14[%swap3A_130, %swap3A_131] : memref<8x1xf32, #tpu.memory_space<vmem>>, vector<8x1xf32>
      tpu.vector_store %arg14[%swap3A_130, %swap3A_131], %div3A_129 {strides = array<i32>} : memref<8x1xf32, #tpu.memory_space<vmem>>, vector<8x1xf32>,
    } else {
    }
    return
  }
  func.func @transform_0(%arg0: i32) -> (i32, i32) {
    %c0_i32 = arith.constant 0 : i32
    %c0_i32_0 = arith.constant 0 : i32
    return %arg0, %c0_i32 : i32, i32
  }
  func.func @transform_1(%arg0: i32) -> (i32, i32, i32) {
    %c0_i32 = arith.constant 0 : i32
    %c0_i32_0 = arith.constant 0 : i32
    %c0_i32_1 = arith.constant 0 : i32
    return %c0_i32, %arg0, %c0_i32_0 : i32, i32, i32
  }
  func.func @transform_2(%arg0: i32) -> (i32, i32) {
    %c0_i32 = arith.constant 0 : i32
    %c0_i32_0 = arith.constant 0 : i32
    return %arg0, %c0_i32 : i32, i32
  }
  func.func @transform_3(%arg0: i32) -> (i32, i32, i32) {
    %c0_i32 = arith.constant 0 : i32
    %c0_i32_0 = arith.constant 0 : i32
    %c0_i32_1 = arith.constant 0 : i32
    return %arg0, %c0_i32, %c0_i32_0 : i32, i32, i32
  }
  func.func @transform_4(%arg0: i32) -> (i32, i32) {
    %c0_i32 = arith.constant 0 : i32
    %c0_i32_0 = arith.constant 0 : i32
    %c0_i32_1 = arith.constant 0 : i32
    return %c0_i32, %c0_i32_0 : i32, i32
  }
  func.func @transform_5(%arg0: i32) -> (i32, i32, i32) {
    %c0_i32 = arith.constant 0 : i32
    %c0_i32_0 = arith.constant 0 : i32
    %c0_i32_1 = arith.constant 0 : i32
    %c0_i32_2 = arith.constant 0 : i32
    return %c0_i32, %c0_i32_0, %c0_i32_1 : i32, i32, i32
  }
  func.func @transform_6(%arg0: i32) -> (i32, i32) {
    %c0_i32 = arith.constant 0 : i32
    %c0_i32_0 = arith.constant 0 : i32
    %c0_i32_1 = arith.constant 0 : i32
    return %c0_i32, %c0_i32_0 : i32, i32
  }
  func.func @transform_7(%arg0: i32) -> (i32, i32) {
    %c0_i32 = arith.constant 0 : i32
    %c0_i32_0 = arith.constant 0 : i32
    %c0_i32_1 = arith.constant 0 : i32
    return %c0_i32, %c0_i32_0 : i32, i32
  }
  func.func @transform_8(%arg0: i32) -> (i32, i32) {
    %c0_i32 = arith.constant 0 : i32
    %c0_i32_0 = arith.constant 0 : i32
    %c0_i32_1 = arith.constant 0 : i32
    return %c0_i32, %c0_i32_0 : i32, i32
  }
  func.func @transform_9(%arg0: i32) -> (i32, i32) {
    %c0_i32 = arith.constant 0 : i32
    %c0_i32_0 = arith.constant 0 : i32
    %c0_i32_1 = arith.constant 0 : i32
    return %c0_i32, %c0_i32_0 : i32, i32
  }
  func.func @transform_10(%arg0: i32) -> (i32, i32) {
    %c0_i32 = arith.constant 0 : i32
    %c0_i32_0 = arith.constant 0 : i32
    %c0_i32_1 = arith.constant 0 : i32
    return %c0_i32, %c0_i32_0 : i32, i32
  }
  func.func @transform_11(%arg0: i32) -> (i32, i32) {
    %c0_i32 = arith.constant 0 : i32
    %c0_i32_0 = arith.constant 0 : i32
    %c0_i32_1 = arith.constant 0 : i32
    return %c0_i32, %c0_i32_0 : i32, i32
  }
  func.func @transform_12(%arg0: i32) -> (i32, i32) {
    %c0_i32 = arith.constant 0 : i32
    %c0_i32_0 = arith.constant 0 : i32
    %c0_i32_1 = arith.constant 0 : i32
    return %c0_i32, %c0_i32_0 : i32, i32
  }
  func.func @transform_13(%arg0: i32) -> (i32, i32) {
    %c0_i32 = arith.constant 0 : i32
    %c0_i32_0 = arith.constant 0 : i32
    %c0_i32_1 = arith.constant 0 : i32
    return %c0_i32, %c0_i32_0 : i32, i32
  }
}

</mosaic_0001>

<sc_bundles>
// kernel: gather_offload_async_start.1
scs
__scs_entry_jumppad:
0x0: {  	(pc) =	sbr.rel $0x88, $3  }
0x1: {  	(tag) =	ssettag $0x0;
	lr =	simm.s32 $0x1  }
0x2: {  	[smem:$0x3F95] =	sst lr;
	_ =	strace $0xD0000000  }
0x3: {  	_ = 	snop  }
0x4: {  	_ = 	snop  }
0x5: {  	_ = 	snop  }
0x6: {  	_ = 	snop  }
0x7: {  	_ = 	snop  }
__scs_overlays_trampoline_lowered:
0x8: {  	[smem:$0x3FA4] =	sst s0  }
0x9: {  	[smem:$0x3FA5] =	sst s1  }
0xa: {  	[smem:$0x3FA6] =	sst s2  }
0xb: {  	[smem:$0x3FA7] =	sst s3  }
0xc: {  	[smem:$0x3FA8] =	sst s4  }
0xd: {  	[smem:$0x3FA9] =	sst s5  }
0xe: {  	[smem:$0x3FAA] =	sst s6  }
0xf: {  	[smem:$0x3FAB] =	sst s7  }
0x10: {  	[smem:$0x3FAC] =	sst s8  }
0x11: {  	[smem:$0x3FAD] =	sst s9;
	s0 =	simm.s32 @!p0 $0x0  }
0x12: {  	s1 =	sld [smem:$0x3F93];
	s0 =	simm.s32 @p0 $0x1  }
0x13: {  	[smem:$0x3FAE] =	sst s0;
	s0 =	simm.s32 @!p1 $0x0  }
0x14: {  	s2 =	sld [smem:$0x3F92];
	s0 =	simm.s32 @p1 $0x1  }
0x15: {  	[smem:$0x3FAF] =	sst s0;
	s0 =	simm.s32 @!p2 $0x0  }
0x16: {  	s3 =	sld [smem:$0x3FDB];
	s0 =	simm.s32 @p2 $0x1  }
0x17: {  	s4 =	simm.s32 $0x1BF5;
	[smem:$0x3FB1] =	sst s0  }
0x18: {  	s0 =	sld [smem:$0x3F94];
	_ =	swait.ge [sflag:s4], $0x0  }
0x19: {  	s7 =	sld [smem:$0x3F95]  }
0x1a: {  	s8 =	sadd.s32 $0xFFFFE003, lr  }
0x1b: {  	s9 =	sadd.s32 $0xFFFFFEF7, lr;
	s5 =	simm.s32 $0xFFFFFFFF;
	p2 =	slt.u32 s8, $0xFFFFF086  }
0x1c: {  	p1 =	slt.u32 s9, $0xF7A;
	s5 =	simm.s32 @!p2 $0x0  }
0x1d: {  	s5 =	simm.s32 @p1 $0x1;
	p0 =	seq.s32 s7, s2  }
0x1e: {  	s7 =	smul.u32 @!p0 $0xF7A, s2;
	p2 =	seq.s32 @!p0 s5, $0x0  }
0x1f: {  	s9 =	smul.u32 $0xF7A, s1;
	s8 =	simm.s32 @!p0 $0x1BF5;
	p2 =	por !p2, p0  }
0x20: {  	[sflag:s8] =	ssyncset.s32 @!p0 $0xFFFFF086;
	s6 =	sadd.s32 @!p0 s3, s7;
	s7 =	simm.s32 @!p0 $0x108  }
0x21: {  	s3 =	sadd.s32 s3, s9;
	s6 =	sadd.s32 @!p0 $0x88, s6;
	s7 =	simm.s32 @p2 $0x1082  }
0x22: {  	[simem:s7], [sflag:s8] =	dma.local @!p0 [hbm:s6], $0xF7A  }
0x23: {  	s9 =	sor.u32 $0xD0000000, s2;
	s6 =	simm.s32 $0x108;
	_ =	swait.ge @!p0 [sflag:s8], $0x0  }
0x24: {  	s3 =	sadd.s32 $0x88, s3;
	s6 =	simm.s32 @!p1 $0x1082;
	[sflag:s4] =	ssyncset.s32 $0xFFFFF086  }
0x25: {  	[simem:s6], [sflag:s4] =	dma.local [hbm:s3], $0xF7A  }
0x26: {  	[smem:$0x3F95] =	sst s1;
	(tag) =	ssettag s2;
	_ =	strace s9  }
0x27: {  	s1 =	sld [smem:$0x3FA5]  }
0x28: {  	s2 =	sld [smem:$0x3FA6]  }
0x29: {  	s4 =	sld [smem:$0x3FA8]  }
0x2a: {  	p0 =	seq.s32 s5, $0x0;
	s5 =	sld [smem:$0x3FA9]  }
0x2b: {  	s6 =	sld [smem:$0x3FAA]  }
0x2c: {  	s7 =	sld [smem:$0x3FAB]  }
0x2d: {  	s3 =	simm.s32 $0x108;
	s8 =	sld [smem:$0x3FAC]  }
0x2e: {  	s3 =	simm.s32 @!p0 $0x1082;
	s9 =	sld [smem:$0x3FAD]  }
0x2f: {  	lr =	sadd.s32 s0, s3;
	s0 =	sld [smem:$0x3FA4]  }
0x30: {  	s3 =	sld [smem:$0x3FA7]  }
0x31: {  	[smem:$0x3FB0] =	sst s10  }
0x32: {  	s10 =	sld [smem:$0x3FAE];
	_ =	sdelay $0x3  }
0x33: {  	p0 =	seq.s32 s10, $0x1;
	s10 =	sld [smem:$0x3FB0];
	_ =	sdelay $0x3  }
0x34: {  	[smem:$0x3FB0] =	sst s10  }
0x35: {  	s10 =	sld [smem:$0x3FAF];
	_ =	sdelay $0x3  }
0x36: {  	p1 =	seq.s32 s10, $0x1;
	s10 =	sld [smem:$0x3FB0];
	_ =	sdelay $0x3  }
0x37: {  	[smem:$0x3FB0] =	sst s10  }
0x38: {  	s10 =	sld [smem:$0x3FB1]  }
0x39: {  	_ = 	snop;
	(pc) =	sbr.ind lr, $3  }
0x3a: {  	_ = 	snop  }
0x3b: {  	_ = 	snop  }
0x3c: {  	p2 =	seq.s32 s10, $0x1;
	s10 =	sld [smem:$0x3FB0]  }
0x3d: {  	_ =	shalt  }
0x3e: {  	_ =	shalt  }
0x3f: {  	_ =	shalt  }
0x40: {  	_ =	shalt  }
0x41: {  	_ =	shalt  }
0x42: {  	_ =	shalt  }
0x43: {  	_ =	shalt  }
0x44: {  	_ =	shalt  }
0x45: {  	_ =	shalt  }
0x46: {  	_ =	shalt  }
0x47: {  	_ =	shalt  }
0x48: {  	_ =	shalt  }
0x49: {  	_ =	shalt  }
0x4a: {  	_ =	shalt  }
0x4b: {  	_ =	shalt  }
0x4c: {  	_ =	shalt  }
0x4d: {  	_ =	shalt  }
0x4e: {  	_ =	shalt  }
0x4f: {  	_ =	shalt  }
0x50: {  	_ =	shalt  }
0x51: {  	_ =	shalt  }
0x52: {  	_ =	shalt  }
0x53: {  	_ =	shalt  }
0x54: {  	_ =	shalt  }
0x55: {  	_ =	shalt  }
0x56: {  	_ =	shalt  }
0x57: {  	_ =	shalt  }
0x58: {  	_ =	shalt  }
0x59: {  	_ =	shalt  }
0x5a: {  	_ =	shalt  }
0x5b: {  	_ =	shalt  }
0x5c: {  	_ =	shalt  }
0x5d: {  	_ =	shalt  }
0x5e: {  	_ =	shalt  }
0x5f: {  	_ =	shalt  }
0x60: {  	_ =	shalt  }
0x61: {  	_ =	shalt  }
0x62: {  	_ =	shalt  }
0x63: {  	_ =	shalt  }
0x64: {  	_ =	shalt  }
0x65: {  	_ =	shalt  }
0x66: {  	_ =	shalt  }
0x67: {  	_ =	shalt  }
0x68: {  	_ =	shalt  }
0x69: {  	_ =	shalt  }
0x6a: {  	_ =	shalt  }
0x6b: {  	_ =	shalt  }
0x6c: {  	_ =	shalt  }
0x6d: {  	_ =	shalt  }
0x6e: {  	_ =	shalt  }
0x6f: {  	_ =	shalt  }
0x70: {  	_ =	shalt  }
0x71: {  	_ =	shalt  }
0x72: {  	_ =	shalt  }
0x73: {  	_ =	shalt  }
0x74: {  	_ =	shalt  }
0x75: {  	_ =	shalt  }
0x76: {  	_ =	shalt  }
0x77: {  	_ =	shalt  }
0x78: {  	_ =	shalt  }
0x79: {  	_ =	shalt  }
0x7a: {  	_ =	shalt  }
0x7b: {  	_ =	shalt  }
0x7c: {  	_ =	shalt  }
0x7d: {  	_ =	shalt  }
0x7e: {  	_ =	shalt  }
0x7f: {  	_ =	shalt  }
0x80: {  	_ =	shalt  }
0x81: {  	_ =	shalt  }
0x82: {  	_ =	shalt  }
0x83: {  	_ =	shalt  }
0x84: {  	_ =	shalt  }
0x85: {  	_ =	shalt  }
0x86: {  	_ =	shalt  }
0x87: {  	_ =	shalt  }
.Lfunc_end0:
.L_simem_size_0:
called_computation.1_lowered:
.L_overlay_start_0:
0x88: {  	s2 =	sld [smem:$0x3FD9]  }
0x89: {  	s3 =	sld [smem:$0x3FFE];
	_ =	sdelay $0x1  }
0x8a: {  	s1 =	srdreg.scid  }
0x8b: {  	s0 =	sand.u32 $0x1, s1  }
0x8c: {  	s17 =	sshll.u32 s0, $0xA;
	s2 =	sadd.s32 s3, s2  }
0x8d: {  	s2 =	sadd.s32 s2, s17  }
0x8e: {  	[smem:$0x3FBC] =	sst s2  }
0x8f: {  	_ = 	snop  }
0x90: {  	(tm) =	ssettm $0x1  }
0x91: {  	s18 =	sld [smem:$0x3FFB];
	_ =	sdelay $0x3  }
0x92: {  	_ =	strace s18  }
0x93: {  	s2 =	sld [smem:$0x3FFC];
	_ =	sdelay $0x3  }
0x94: {  	_ =	strace s2  }
0x95: {  	s2 =	sld [smem:$0x3FFD];
	_ =	sdelay $0x3  }
0x96: {  	_ =	strace s2  }
0x97: {  	_ =	strace $0x8FFFFFFF  }
0x98: {  	s19 =	sld [smem:$0x3FDB];
	_ =	sdelay $0x1  }
0x99: {  	s20 =	simm.s32 $_scs_section_size  }
0x9a: {  	s4 =	simm.s32 $_size__tile_overlayer_lowered;
	s5 =	simm.s32 $_tile_overlayer_lowered  }
0x9b: {  	s6 =	simm.s32 $0x1BFF;
	s21 =	sshll.u32 s5, $0x1;
	s3 =	sadd.s32 s20, s19  }
0x9c: {  	s22 =	simm.s32 $0x0;
	s4 =	sshll.u32 s4, $0x1;
	s5 =	sadd.s32 s21, s3  }
0x9d: {  	[timem:s22], [sflag:s6] =	dma.local [hbm:s5], s4  }
0x9e: {  	_ =	swait.ge [sflag:s6], s4  }
0x9f: {  	s4 =	ssub.s32 $0x0, s4;
	[sflag:s6] =	ssyncset.done $0x0  }
0xa0: {  	[sflag:s6] =	ssyncadd.s32 s4;
	_ =	sdelay $0x1  }
0xa1: {  	s23 =	simm.s32 $0x1B8B  }
0xa2: {  	_ =	swait.ge [sflag:s23], $0x1  }
0xa3: {  	[sflag:s23] =	ssyncset.done $0x0  }
0xa4: {  	[sflag:s23] =	ssyncadd.s32 $0xFFFFFFFF  }
0xa5: {  	s4 =	sld [smem:$0x0]  }
0xa6: {  	s5 =	sand.u32 $0xFFFFFFFE, s1  }
0xa7: {  	p0 =	sne.s32 s1, s5  }
0xa8: {  	s5 =	sshll.u32 @p0 s5, $0xE  }
0xa9: {  	s5 =	sadd.s32 @p0 $0x11B8D, s5;
	s6 =	sshll.u32 @p0 s4, $0x11  }
0xaa: {  	s5 =	sor.u32 @p0 s6, s5  }
0xab: {  	[sflag:s5] =	ssyncadd.remote.s32 @p0 $0x1;
	_ =	sdelay $0x1  }
0xac: {  	s5 =	simm.s32 @p0 $0x1B8D  }
0xad: {  	_ =	swait.eq @p0 [sflag:s5], $0x1  }
0xae: {  	[sflag:s5] =	ssyncadd.s32 @p0 $0xFFFFFFFF  }
0xaf: {  	s6 =	sshll.u32 @!p0 s1, $0xE  }
0xb0: {  	s6 =	sor.u32 @!p0 $0x4000, s6;
	s5 =	simm.s32 @!p0 $0x1B8D  }
0xb1: {  	s4 =	sshll.u32 @!p0 s4, $0x11;
	s6 =	sadd.s32 @!p0 $0x11B8D, s6;
	_ =	swait.eq @!p0 [sflag:s5], $0x1  }
0xb2: {  	s4 =	sor.u32 @!p0 s4, s6;
	[sflag:s5] =	ssyncadd.s32 @!p0 $0xFFFFFFFF  }
0xb3: {  	s25 =	simm.s32 $0x1B8E;
	s24 =	sld [smem:$0x3FFE];
	[sflag:s4] =	ssyncadd.remote.s32 @!p0 $0x1  }
0xb4: {  	s26 =	simm.s32 $execute0_lowered;
	[smem:$0x3FD2] =	sst s25  }
0xb5: {  	s5 =	sshll.u32 s26, $0x1;
	_ =	strace $0x80000049;
	[dreg:$0x1] =	wrdreg $0xFFFFFFFF  }
0xb6: {  	s28 =	simm.s32 $_size_execute0_lowered;
	s3 =	sadd.s32 s3, s5;
	[dreg:$0x0] =	wrdreg $0x0  }
0xb7: {  	s5 =	sshll.u32 s28, $0x1;
	[dreg:$0x2] =	wrdreg s3  }
0xb8: {  	[dreg:$0x3] =	wrdreg s5  }
0xb9: {  	[dreg:$0x4] =	wrdreg $0xC0  }
0xba: {  	_ =	task [dreg:s22], $0x5FFFF  }
0xbb: {  	[dreg:$0x1] =	wrdreg $0xFFFFFFFF  }
0xbc: {  	[dreg:$0x0] =	wrdreg $0x60  }
0xbd: {  	[dreg:$0x2] =	wrdreg s24  }
0xbe: {  	[dreg:$0x3] =	wrdreg $0xA  }
0xbf: {  	_ =	task.clear_ibuf [dreg:s22], $0x4FFFF;
	_ =	strace $0x90000049  }
0xc0: {  	s29 =	simm.s32 $0xA;
	_ =	strace $0x8000004B  }
0xc1: {  	_ =	swait.ge [sflag:s29], $0x1  }
0xc2: {  	[sflag:s29] =	ssyncadd.s32 $0xFFFFFFFF  }
0xc3: {  	_ =	strace $0x9000004B  }
0xc4: {  	_ =	sfence  }
0xc5: {  	s30 =	sld [smem:$0x0];
	_ =	sdelay $0x2  }
0xc6: {  	s31 =	sshll.u32 s1, $0xD;
	s1 =	sshrl.u32 s1, $0x2  }
0xc7: {  	s4 =	sand.u32 $0x4000, s31;
	s1 =	sadd.s32 s1, s30  }
0xc8: {  	s0 =	sor.u32 s4, s0;
	s1 =	sshll.u32 s1, $0x11  }
0xc9: {  	s0 =	sor.u32 s1, s0  }
0xca: {  	s0 =	sadd.s32 $0x8F2B, s0  }
0xcb: {  	[sflag:s0] =	ssyncadd.remote.s32 $0x1  }
0xcc: {  	_ =	sfence.sel $0xFFFF  }
0xcd: {  	[dreg:$0x0] =	wrdreg $0xFFFFFFFF;
	(pc) =	sbr.abs _section_cstart, $3  }
0xce: {  	[dreg:$0x1] =	wrdreg $0xFFFFFFFF  }
0xcf: {  	_ =	task.clear_ibuf [dreg:s22], $0x2FFFF;
	_ =	strace $0x9FFFFFFF  }
0xd0: {  	(tm) =	ssettm $0x7FFFFFFF  }
0xd1: {  	_ =	shalt  }
tec
execute0_lowered:
.L_overlay_start_1:
0x0: {  	(tag) =	ssettag $0x1  }
0x1: {  	s0 =	srdreg.scid  }
0x2: {  	s1 =	sshll.u32 s0, $0x4  }
0x3: {  	s0 =	stileid.u32;
	s1 =	sand.u32 $0x10, s1  }
0x4: {  	s1 =	sor.u32 s0, s1  }
0x5: {  	s9 =	rddreg [dreg:$0x0];
	s6 =	simm.s32 $0x1;
	s2 =	smin.u32 s1, $0x8  }
0x6: {  	p0 =	slt.u32 s1, $0x8;
	s2 =	sadd.s32 s1, s2;
	s1 =	simm.s32 $0x80  }
0x7: {  	s7 =	simm.s32 $0x2;
	s2 =	sshll.u32 s2, $0x6;
	s1 =	simm.s32 @!p0 $0x40  }
0x8: {  	s10 =	simm.s32 $0x3;
	s13 =	simm.s32 $0x0;
	s3 =	sadd.s32 s1, s2  }
0x9: {  	s12 =	simm.s32 $0x0;
	s4 =	sadd.s32 $0x16800, s9;
	s3 =	smin.u32 s3, $0xA00  }
.Ltmp0:
0xa: {  	s5 =	sadd.s32 $0x2600, s9;
	s8 =	ssub.s32 s3, s2;
	(pc) =	sbr.rel .LBB2_1-.Ltmp0, $4  }
0xb: {  	s1 =	rddreg [dreg:$0x1];
	_ =	strace $0x8000004A;
	p0 =	sgt.s32 s8, $0x0  }
0xc: {  	s9 =	sadd.s32 $0x20800, s9;
	[sflag:s6] =	ssyncpa.u1 $0x0;
	s8 =	simm.s32 @!p0 $0x0  }
0xd: {  	s11 =	smov.u32 s2;
	[sflag:s7] =	ssyncpa.u1 $0x0;
	s8 =	sshrl.u32 s8, $0x6  }
0xe: {  	vm0 =	vmmov $0xff;
	vm1 =	vcmask $0x3F20;
	[sflag:s10] =	ssyncpa.u1 $0x0;
	p0 =	por $0x0, $0x0;
	s10 =	sadd.s32 $0x1, s8  }
.LBB2_6:
0xf: {  	[hbm:s17] =	stream.linear.scatter [tilespmem:s14], [sflag:$0x3], $0x400, $0x38;
	[tilespmem:$0x4080] =	vst v63  }
.LBB2_7:
0x10: {  	s13 =	sadd.s32 $0x40, s11  }
0x11: {  	s15 =	smov.u32 s2;
	p2 =	slt.s32 s13, s3  }
0x12: {  	s15 =	smov.u32 @p2 s13;
	p2 =	sne.s32 s12, s10  }
.Ltmp1:
0x13: {  	p1 =	slt.u32 s12, $0x2;
	(pc) =	sbr.rel @!p2 .LBB2_8-.Ltmp1, $4  }
0x14: {  	s14 =	simm.s32 @!p1 $0x3  }
0x15: {  	s16 =	sadd.s32 $0x1, s12;
	_ =	swait.ge @!p1 [sflag:s14], $0x2000  }
0x16: {  	p0 =	por !p0, !p0;
	s13 =	smov.u32 s11;
	[sflag:s14] =	ssyncset.done @!p1 $0x0  }
0x17: {  	s12 =	smov.u32 s16;
	s11 =	smov.u32 s15;
	[sflag:s14] =	ssyncadd.s32 @!p1 $0xFFFFE000  }
.LBB2_1:
0x18: {  	p1 =	sge.u32 s12, s8  }
0x19: {  	s14 =	sxor.u32 @!p1 $0xFFFFFFFF, s12  }
0x1a: {  	s31 =	sadd.s32 $0xFFFFFFFF, s12;
	s15 =	sshrl.u32 @!p1 s11, $0x3;
	s14 =	sshll.u32 @!p1 s14, $0x6  }
0x1b: {  	s16 =	sand.u32 @!p1 $0x7, s11;
	s15 =	sadd.s32 @!p1 s5, s15;
	s14 =	sand.u32 @!p1 $0x40, s14  }
0x1c: {  	[tilespmem:s14], [sflag:$0x2] =	stream.linear.gather @!p1 [hbm4b:s15+s16], $0x40, $0x38;
	[tilespmem:$0x4080] =	vst v63  }
0x1d: {  	p1 =	sge.u32 s31, s8  }
.Ltmp2:
0x1e: {  	_ = 	snop;
	(pc) =	sbr.rel @p1 .LBB2_7-.Ltmp2, $1  }
0x1f: {  	_ =	sdelay $0x3  }
0x20: {  	s14 =	simm.s32 $0x1  }
0x21: {  	_ =	swait.ge [sflag:s7], $0x40;
	s14 =	simm.s32 @!p0 $0x0  }
0x22: {  	[sflag:s7] =	ssyncset.done $0x0;
	s16 =	sshll.u32 s14, $0x6  }
0x23: {  	[sflag:s7] =	ssyncadd.s32 $0xFFFFFFC0;
	s15 =	sadd.s32 $0x0, s16  }
0x24: {  	v0 =	vld.msk [tilespmem:s15+$0x0 ss:$0x1], $0xffff;
	_ =	sdelay $0x4  }
0x25: {  	vm2 =	vgt.s32 v0, $0x0  }
0x26: {  	v0 =	vnsel vm2, $0x0, v0  }
0x27: {  	v0 =	vmin.u32 v0, $0x9FF  }
0x28: {  	v0 =	vshll.u32 v0, $0x4;
	_ =	sdelay $0x2  }
0x29: {  	s14 =	sshll.u32 s14, $0xD  }
0x2a: {  	s14 =	sor.u32 $0x80, s14  }
0x2b: {  	[tilespmem:s14], [sflag:$0x1] =	stream.indirect_vreg.gather [hbm:s4], $0x80, v0, vm0, $0x38;
	[tilespmem:$0x4080] =	vst v63  }
0x2c: {  	s17 =	sadd.s32 $0x10, s16;
	s15 =	sadd.s32 $0x400, s14  }
0x2d: {  	[tilespmem:s15], [sflag:$0x1] =	stream.indirect_vreg.gather [hbm:s4], $0x80, v0, vm1, $0x38;
	[tilespmem:$0x4080] =	vst v63  }
0x2e: {  	s18 =	simm.s32 $0x80;
	v0 =	vld.msk [tilespmem:s17+$0x0 ss:$0x1], $0xffff;
	s17 =	smov.u32 s14  }
.LBB2_3:
0x2f: {  	p1 =	sne.s32 s18, $0xC0;
	_ =	sdelay $0x4  }
0x30: {  	vm2 =	vgt.s32 v0, $0x0  }
0x31: {  	v0 =	vnsel vm2, $0x0, v0  }
0x32: {  	v0 =	vmin.u32 v0, $0x9FF  }
0x33: {  	v0 =	vshll.u32 v0, $0x4;
	_ =	sdelay $0x3  }
.Ltmp3:
0x34: {  	s19 =	sshra.s32 s18, $0x2;
	s17 =	sadd.s32 $0x800, s17;
	(pc) =	sbr.rel @p1 .LBB2_3-.Ltmp3, $4  }
0x35: {  	[tilespmem:s17], [sflag:$0x1] =	stream.indirect_vreg.gather [hbm:s4], $0x80, v0, vm0, $0x38;
	[tilespmem:$0x4080] =	vst v63  }
0x36: {  	s19 =	sadd.s32 s19, s16;
	s20 =	sadd.s32 $0x400, s17  }
0x37: {  	[tilespmem:s20], [sflag:$0x1] =	stream.indirect_vreg.gather [hbm:s4], $0x80, v0, vm1, $0x38;
	[tilespmem:$0x4080] =	vst v63  }
0x38: {  	s18 =	sadd.s32 $0x40, s18;
	v0 =	vld.msk [tilespmem:s19+$0x0 ss:$0x1], $0xffff  }
0x39: {  	_ =	sdelay $0x3  }
0x3a: {  	vm2 =	vgt.s32 v0, $0x0  }
0x3b: {  	v0 =	vnsel vm2, $0x0, v0  }
0x3c: {  	v0 =	vmin.u32 v0, $0x9FF  }
0x3d: {  	v0 =	vshll.u32 v0, $0x4;
	_ =	sdelay $0x3  }
0x3e: {  	s16 =	sadd.s32 $0x800, s17  }
0x3f: {  	[tilespmem:s16], [sflag:$0x1] =	stream.indirect_vreg.gather [hbm:s4], $0x80, v0, vm0, $0x38;
	[tilespmem:$0x4080] =	vst v63  }
0x40: {  	s16 =	sadd.s32 $0x400, s16  }
0x41: {  	[tilespmem:s16], [sflag:$0x1] =	stream.indirect_vreg.gather [hbm:s4], $0x80, v0, vm1, $0x38;
	[tilespmem:$0x4080] =	vst v63  }
0x42: {  	s13 =	sshll.u32 s13, $0x4;
	_ =	swait.ge [sflag:s6], $0x2000  }
0x43: {  	s13 =	sadd.s32 s13, s9;
	[sflag:s6] =	ssyncset.done $0x0  }
0x44: {  	s17 =	sadd.s32 $0x0, s13;
	s16 =	simm.s32 $0x80;
	[sflag:s6] =	ssyncadd.s32 $0xFFFFE000  }
.LBB2_5:
0x45: {  	[hbm:s17] =	stream.linear.scatter [tilespmem:s14], [sflag:$0x3], $0x400, $0x38;
	[tilespmem:$0x4080] =	vst v63  }
0x46: {  	s17 =	smov.u32 s16;
	s14 =	smov.u32 s15;
	p1 =	sne.s32 s16, $0x380  }
.Ltmp4:
0x47: {  	s16 =	sadd.s32 $0x80, s16;
	(pc) =	sbr.rel @p1 .LBB2_5-.Ltmp4, $2  }
0x48: {  	_ =	sdelay $0x2  }
0x49: {  	s15 =	sadd.s32 $0x400, s15;
	s17 =	sadd.s32 s17, s13  }
.Ltmp5:
0x4a: {  	_ = 	snop;
	(pc) =	sbr.rel .LBB2_6-.Ltmp5, $1  }
0x4b: {  	_ =	sdelay $0x3  }
.LBB2_8:
0x4c: {  	_ =	sfence.sel $0x180000  }
0x4d: {  	s2 =	simm.s32 $0x2;
	[bflag:$0x0] =	sbarrier.arrive $0xFFFF  }
0x4e: {  	s30 =	simm.s32 $0x3;
	[sflag:s2] =	ssyncpa.u1 $0x1  }
0x4f: {  	s31 =	simm.s32 $0x1;
	[sflag:s30] =	ssyncpa.u1 $0x1  }
0x50: {  	[sflag:s31] =	ssyncpa.u1 $0x1  }
0x51: {  	p0 =	sne.s32 s0, $0x0;
	_ =	strace $0x9000004A  }
0x52: {  	s0 =	sadd.s32 @!p0 $0x100000, s1;
	[bflag:$0x2] =	sbarrier.arrive $0xFFFF  }
0x53: {  	[sflag:s0] =	ssyncadd.tile.s32 @!p0 $0x1;
	_ =	shalt  }
.Lfunc_end2:
_tile_overlayer_lowered:
.L_overlay_start_2:
0x54: {  	(tag) =	ssettag $0x2  }
0x55: {  	s0 =	rddreg [dreg:$0x0];
	s2 =	stileid.u32  }
0x56: {  	s1 =	rddreg [dreg:$0x1];
	p0 =	sne.s32 s2, $0x0  }
0x57: {  	s3 =	rddreg [dreg:$0x2];
	[bflag:$0x3] =	sbarrier.arrive $0xFFFF;
	s2 =	simm.s32 @!p0 $0x1C01  }
0x58: {  	[timem:s3], [sflag:s2] =	dma.local @!p0 [hbm:s0], s1  }
0x59: {  	s0 =	simm.s32 @!p0 $0x1  }
0x5a: {  	_ =	swait.ge @!p0 [sflag:s0], s1  }
0x5b: {  	s1 =	ssub.s32 @!p0 $0x0, s1;
	[sflag:s0] =	ssyncset.done @!p0 $0x0  }
0x5c: {  	[sflag:s0] =	ssyncadd.s32 @!p0 s1  }
0x5d: {  	[bflag:$0x3] =	sbarrier.arrive $0xFFFF  }
0x5e: {  	_ =	shalt  }

// kernel: gather_offload_async_start
scs
__scs_entry_jumppad:
0x0: {  	(pc) =	sbr.rel $0x88, $3  }
0x1: {  	(tag) =	ssettag $0x0;
	lr =	simm.s32 $0x1  }
0x2: {  	[smem:$0x3F95] =	sst lr;
	_ =	strace $0xD0000000  }
0x3: {  	_ = 	snop  }
0x4: {  	_ = 	snop  }
0x5: {  	_ = 	snop  }
0x6: {  	_ = 	snop  }
0x7: {  	_ = 	snop  }
__scs_overlays_trampoline_lowered:
0x8: {  	[smem:$0x3FA4] =	sst s0  }
0x9: {  	[smem:$0x3FA5] =	sst s1  }
0xa: {  	[smem:$0x3FA6] =	sst s2  }
0xb: {  	[smem:$0x3FA7] =	sst s3  }
0xc: {  	[smem:$0x3FA8] =	sst s4  }
0xd: {  	[smem:$0x3FA9] =	sst s5  }
0xe: {  	[smem:$0x3FAA] =	sst s6  }
0xf: {  	[smem:$0x3FAB] =	sst s7  }
0x10: {  	[smem:$0x3FAC] =	sst s8  }
0x11: {  	[smem:$0x3FAD] =	sst s9;
	s0 =	simm.s32 @!p0 $0x0  }
0x12: {  	s1 =	sld [smem:$0x3F93];
	s0 =	simm.s32 @p0 $0x1  }
0x13: {  	[smem:$0x3FAE] =	sst s0;
	s0 =	simm.s32 @!p1 $0x0  }
0x14: {  	s2 =	sld [smem:$0x3F92];
	s0 =	simm.s32 @p1 $0x1  }
0x15: {  	[smem:$0x3FAF] =	sst s0;
	s0 =	simm.s32 @!p2 $0x0  }
0x16: {  	s3 =	sld [smem:$0x3FDB];
	s0 =	simm.s32 @p2 $0x1  }
0x17: {  	s4 =	simm.s32 $0x1BF5;
	[smem:$0x3FB1] =	sst s0  }
0x18: {  	s0 =	sld [smem:$0x3F94];
	_ =	swait.ge [sflag:s4], $0x0  }
0x19: {  	s7 =	sld [smem:$0x3F95]  }
0x1a: {  	s8 =	sadd.s32 $0xFFFFE003, lr  }
0x1b: {  	s9 =	sadd.s32 $0xFFFFFEF7, lr;
	s5 =	simm.s32 $0xFFFFFFFF;
	p2 =	slt.u32 s8, $0xFFFFF086  }
0x1c: {  	p1 =	slt.u32 s9, $0xF7A;
	s5 =	simm.s32 @!p2 $0x0  }
0x1d: {  	s5 =	simm.s32 @p1 $0x1;
	p0 =	seq.s32 s7, s2  }
0x1e: {  	s7 =	smul.u32 @!p0 $0xF7A, s2;
	p2 =	seq.s32 @!p0 s5, $0x0  }
0x1f: {  	s9 =	smul.u32 $0xF7A, s1;
	s8 =	simm.s32 @!p0 $0x1BF5;
	p2 =	por !p2, p0  }
0x20: {  	[sflag:s8] =	ssyncset.s32 @!p0 $0xFFFFF086;
	s6 =	sadd.s32 @!p0 s3, s7;
	s7 =	simm.s32 @!p0 $0x108  }
0x21: {  	s3 =	sadd.s32 s3, s9;
	s6 =	sadd.s32 @!p0 $0x88, s6;
	s7 =	simm.s32 @p2 $0x1082  }
0x22: {  	[simem:s7], [sflag:s8] =	dma.local @!p0 [hbm:s6], $0xF7A  }
0x23: {  	s9 =	sor.u32 $0xD0000000, s2;
	s6 =	simm.s32 $0x108;
	_ =	swait.ge @!p0 [sflag:s8], $0x0  }
0x24: {  	s3 =	sadd.s32 $0x88, s3;
	s6 =	simm.s32 @!p1 $0x1082;
	[sflag:s4] =	ssyncset.s32 $0xFFFFF086  }
0x25: {  	[simem:s6], [sflag:s4] =	dma.local [hbm:s3], $0xF7A  }
0x26: {  	[smem:$0x3F95] =	sst s1;
	(tag) =	ssettag s2;
	_ =	strace s9  }
0x27: {  	s1 =	sld [smem:$0x3FA5]  }
0x28: {  	s2 =	sld [smem:$0x3FA6]  }
0x29: {  	s4 =	sld [smem:$0x3FA8]  }
0x2a: {  	p0 =	seq.s32 s5, $0x0;
	s5 =	sld [smem:$0x3FA9]  }
0x2b: {  	s6 =	sld [smem:$0x3FAA]  }
0x2c: {  	s7 =	sld [smem:$0x3FAB]  }
0x2d: {  	s3 =	simm.s32 $0x108;
	s8 =	sld [smem:$0x3FAC]  }
0x2e: {  	s3 =	simm.s32 @!p0 $0x1082;
	s9 =	sld [smem:$0x3FAD]  }
0x2f: {  	lr =	sadd.s32 s0, s3;
	s0 =	sld [smem:$0x3FA4]  }
0x30: {  	s3 =	sld [smem:$0x3FA7]  }
0x31: {  	[smem:$0x3FB0] =	sst s10  }
0x32: {  	s10 =	sld [smem:$0x3FAE];
	_ =	sdelay $0x3  }
0x33: {  	p0 =	seq.s32 s10, $0x1;
	s10 =	sld [smem:$0x3FB0];
	_ =	sdelay $0x3  }
0x34: {  	[smem:$0x3FB0] =	sst s10  }
0x35: {  	s10 =	sld [smem:$0x3FAF];
	_ =	sdelay $0x3  }
0x36: {  	p1 =	seq.s32 s10, $0x1;
	s10 =	sld [smem:$0x3FB0];
	_ =	sdelay $0x3  }
0x37: {  	[smem:$0x3FB0] =	sst s10  }
0x38: {  	s10 =	sld [smem:$0x3FB1]  }
0x39: {  	_ = 	snop;
	(pc) =	sbr.ind lr, $3  }
0x3a: {  	_ = 	snop  }
0x3b: {  	_ = 	snop  }
0x3c: {  	p2 =	seq.s32 s10, $0x1;
	s10 =	sld [smem:$0x3FB0]  }
0x3d: {  	_ =	shalt  }
0x3e: {  	_ =	shalt  }
0x3f: {  	_ =	shalt  }
0x40: {  	_ =	shalt  }
0x41: {  	_ =	shalt  }
0x42: {  	_ =	shalt  }
0x43: {  	_ =	shalt  }
0x44: {  	_ =	shalt  }
0x45: {  	_ =	shalt  }
0x46: {  	_ =	shalt  }
0x47: {  	_ =	shalt  }
0x48: {  	_ =	shalt  }
0x49: {  	_ =	shalt  }
0x4a: {  	_ =	shalt  }
0x4b: {  	_ =	shalt  }
0x4c: {  	_ =	shalt  }
0x4d: {  	_ =	shalt  }
0x4e: {  	_ =	shalt  }
0x4f: {  	_ =	shalt  }
0x50: {  	_ =	shalt  }
0x51: {  	_ =	shalt  }
0x52: {  	_ =	shalt  }
0x53: {  	_ =	shalt  }
0x54: {  	_ =	shalt  }
0x55: {  	_ =	shalt  }
0x56: {  	_ =	shalt  }
0x57: {  	_ =	shalt  }
0x58: {  	_ =	shalt  }
0x59: {  	_ =	shalt  }
0x5a: {  	_ =	shalt  }
0x5b: {  	_ =	shalt  }
0x5c: {  	_ =	shalt  }
0x5d: {  	_ =	shalt  }
0x5e: {  	_ =	shalt  }
0x5f: {  	_ =	shalt  }
0x60: {  	_ =	shalt  }
0x61: {  	_ =	shalt  }
0x62: {  	_ =	shalt  }
0x63: {  	_ =	shalt  }
0x64: {  	_ =	shalt  }
0x65: {  	_ =	shalt  }
0x66: {  	_ =	shalt  }
0x67: {  	_ =	shalt  }
0x68: {  	_ =	shalt  }
0x69: {  	_ =	shalt  }
0x6a: {  	_ =	shalt  }
0x6b: {  	_ =	shalt  }
0x6c: {  	_ =	shalt  }
0x6d: {  	_ =	shalt  }
0x6e: {  	_ =	shalt  }
0x6f: {  	_ =	shalt  }
0x70: {  	_ =	shalt  }
0x71: {  	_ =	shalt  }
0x72: {  	_ =	shalt  }
0x73: {  	_ =	shalt  }
0x74: {  	_ =	shalt  }
0x75: {  	_ =	shalt  }
0x76: {  	_ =	shalt  }
0x77: {  	_ =	shalt  }
0x78: {  	_ =	shalt  }
0x79: {  	_ =	shalt  }
0x7a: {  	_ =	shalt  }
0x7b: {  	_ =	shalt  }
0x7c: {  	_ =	shalt  }
0x7d: {  	_ =	shalt  }
0x7e: {  	_ =	shalt  }
0x7f: {  	_ =	shalt  }
0x80: {  	_ =	shalt  }
0x81: {  	_ =	shalt  }
0x82: {  	_ =	shalt  }
0x83: {  	_ =	shalt  }
0x84: {  	_ =	shalt  }
0x85: {  	_ =	shalt  }
0x86: {  	_ =	shalt  }
0x87: {  	_ =	shalt  }
.Lfunc_end0:
.L_simem_size_0:
called_computation_lowered:
.L_overlay_start_0:
0x88: {  	s2 =	sld [smem:$0x3FD9]  }
0x89: {  	s3 =	sld [smem:$0x3FFE];
	_ =	sdelay $0x1  }
0x8a: {  	s1 =	srdreg.scid  }
0x8b: {  	s0 =	sand.u32 $0x1, s1  }
0x8c: {  	s16 =	sshll.u32 s0, $0xA;
	s2 =	sadd.s32 s3, s2  }
0x8d: {  	s2 =	sadd.s32 s2, s16  }
0x8e: {  	[smem:$0x3FBC] =	sst s2  }
0x8f: {  	_ = 	snop  }
0x90: {  	(tm) =	ssettm $0x1  }
0x91: {  	s17 =	sld [smem:$0x3FFB];
	_ =	sdelay $0x3  }
0x92: {  	_ =	strace s17  }
0x93: {  	s2 =	sld [smem:$0x3FFC];
	_ =	sdelay $0x3  }
0x94: {  	_ =	strace s2  }
0x95: {  	s2 =	sld [smem:$0x3FFD];
	_ =	sdelay $0x3  }
0x96: {  	_ =	strace s2  }
0x97: {  	_ =	strace $0x8FFFFFFF  }
0x98: {  	s18 =	sld [smem:$0x3FDB];
	_ =	sdelay $0x1  }
0x99: {  	s19 =	simm.s32 $_scs_section_size  }
0x9a: {  	s4 =	simm.s32 $_size__tile_overlayer_lowered;
	s5 =	simm.s32 $_tile_overlayer_lowered  }
0x9b: {  	s22 =	simm.s32 $0x1BFF;
	s21 =	sshll.u32 s5, $0x1;
	s2 =	sadd.s32 s19, s18  }
0x9c: {  	s6 =	simm.s32 $0x0;
	s20 =	sshll.u32 s4, $0x1;
	s4 =	sadd.s32 s21, s2  }
0x9d: {  	[timem:s6], [sflag:s22] =	dma.local [hbm:s4], s20  }
0x9e: {  	_ =	swait.ge [sflag:s22], s20  }
0x9f: {  	s3 =	ssub.s32 $0x0, s20;
	[sflag:s22] =	ssyncset.done $0x0  }
0xa0: {  	[sflag:s22] =	ssyncadd.s32 s3;
	_ =	sdelay $0x1  }
0xa1: {  	s23 =	simm.s32 $0x1B8B  }
0xa2: {  	_ =	swait.ge [sflag:s23], $0x1  }
0xa3: {  	[sflag:s23] =	ssyncset.done $0x0  }
0xa4: {  	s25 =	simm.s32 $0x1B8E;
	s24 =	sld [smem:$0x3FFE];
	[sflag:s23] =	ssyncadd.s32 $0xFFFFFFFF  }
0xa5: {  	s26 =	simm.s32 $execute0_lowered;
	[smem:$0x3FD2] =	sst s25  }
0xa6: {  	s4 =	sshll.u32 s26, $0x1;
	_ =	strace $0x80000046;
	[dreg:$0x1] =	wrdreg $0xFFFFFFFF  }
0xa7: {  	s28 =	simm.s32 $_size_execute0_lowered;
	s2 =	sadd.s32 s2, s4;
	[dreg:$0x0] =	wrdreg $0x0  }
0xa8: {  	s4 =	sshll.u32 s28, $0x1;
	[dreg:$0x2] =	wrdreg s2  }
0xa9: {  	[dreg:$0x3] =	wrdreg s4  }
0xaa: {  	[dreg:$0x4] =	wrdreg $0xC0  }
0xab: {  	_ =	task [dreg:s6], $0x5FFFF  }
0xac: {  	[dreg:$0x1] =	wrdreg $0xFFFFFFFF  }
0xad: {  	[dreg:$0x0] =	wrdreg $0x60  }
0xae: {  	[dreg:$0x2] =	wrdreg s24  }
0xaf: {  	[dreg:$0x3] =	wrdreg $0x9  }
0xb0: {  	_ =	task.clear_ibuf [dreg:s6], $0x4FFFF;
	_ =	strace $0x90000046  }
0xb1: {  	s29 =	simm.s32 $0x9;
	_ =	strace $0x80000048  }
0xb2: {  	_ =	swait.ge [sflag:s29], $0x1  }
0xb3: {  	[sflag:s29] =	ssyncadd.s32 $0xFFFFFFFF  }
0xb4: {  	_ =	strace $0x90000048  }
0xb5: {  	_ =	sfence  }
0xb6: {  	s30 =	sld [smem:$0x0];
	_ =	sdelay $0x2  }
0xb7: {  	s31 =	sshll.u32 s1, $0xD;
	s1 =	sshrl.u32 s1, $0x2  }
0xb8: {  	s3 =	sand.u32 $0x4000, s31;
	s1 =	sadd.s32 s1, s30  }
0xb9: {  	s0 =	sor.u32 s3, s0;
	s1 =	sshll.u32 s1, $0x11  }
0xba: {  	s0 =	sor.u32 s1, s0  }
0xbb: {  	s0 =	sadd.s32 $0x8F2B, s0  }
0xbc: {  	[sflag:s0] =	ssyncadd.remote.s32 $0x1  }
0xbd: {  	_ =	sfence.sel $0xFFFF  }
0xbe: {  	[dreg:$0x0] =	wrdreg $0xFFFFFFFF;
	(pc) =	sbr.abs _section_cstart, $3  }
0xbf: {  	[dreg:$0x1] =	wrdreg $0xFFFFFFFF  }
0xc0: {  	_ =	task.clear_ibuf [dreg:s6], $0x2FFFF;
	_ =	strace $0x9FFFFFFF  }
0xc1: {  	(tm) =	ssettm $0x7FFFFFFF  }
tec
execute0_lowered:
.L_overlay_start_1:
0x0: {  	(tag) =	ssettag $0x1  }
0x1: {  	s0 =	srdreg.scid  }
0x2: {  	s1 =	sshll.u32 s0, $0x4  }
0x3: {  	s0 =	stileid.u32;
	s1 =	sand.u32 $0x10, s1  }
0x4: {  	s1 =	sor.u32 s0, s1  }
0x5: {  	s9 =	rddreg [dreg:$0x0];
	s6 =	simm.s32 $0x1;
	s2 =	smin.u32 s1, $0x8  }
0x6: {  	p0 =	slt.u32 s1, $0x8;
	s2 =	sadd.s32 s1, s2;
	s1 =	simm.s32 $0x80  }
0x7: {  	s7 =	simm.s32 $0x2;
	s2 =	sshll.u32 s2, $0x6;
	s1 =	simm.s32 @!p0 $0x40  }
0x8: {  	s10 =	simm.s32 $0x3;
	s13 =	simm.s32 $0x0;
	s3 =	sadd.s32 s1, s2  }
0x9: {  	s12 =	simm.s32 $0x0;
	s4 =	sadd.s32 $0x2800, s9;
	s3 =	smin.u32 s3, $0xA00  }
.Ltmp0:
0xa: {  	s5 =	sadd.s32 $0x2600, s9;
	s8 =	ssub.s32 s3, s2;
	(pc) =	sbr.rel .LBB2_1-.Ltmp0, $4  }
0xb: {  	s1 =	rddreg [dreg:$0x1];
	_ =	strace $0x80000047;
	p0 =	sgt.s32 s8, $0x0  }
0xc: {  	s9 =	sadd.s32 $0xC800, s9;
	[sflag:s6] =	ssyncpa.u1 $0x0;
	s8 =	simm.s32 @!p0 $0x0  }
0xd: {  	s11 =	smov.u32 s2;
	[sflag:s7] =	ssyncpa.u1 $0x0;
	s8 =	sshrl.u32 s8, $0x6  }
0xe: {  	vm0 =	vmmov $0xff;
	vm1 =	vcmask $0x3F20;
	[sflag:s10] =	ssyncpa.u1 $0x0;
	p0 =	por $0x0, $0x0;
	s10 =	sadd.s32 $0x1, s8  }
.LBB2_6:
0xf: {  	[hbm:s17] =	stream.linear.scatter [tilespmem:s14], [sflag:$0x3], $0x400, $0x38;
	[tilespmem:$0x4080] =	vst v63  }
.LBB2_7:
0x10: {  	s13 =	sadd.s32 $0x40, s11  }
0x11: {  	s15 =	smov.u32 s2;
	p2 =	slt.s32 s13, s3  }
0x12: {  	s15 =	smov.u32 @p2 s13;
	p2 =	sne.s32 s12, s10  }
.Ltmp1:
0x13: {  	p1 =	slt.u32 s12, $0x2;
	(pc) =	sbr.rel @!p2 .LBB2_8-.Ltmp1, $4  }
0x14: {  	s14 =	simm.s32 @!p1 $0x3  }
0x15: {  	s16 =	sadd.s32 $0x1, s12;
	_ =	swait.ge @!p1 [sflag:s14], $0x2000  }
0x16: {  	p0 =	por !p0, !p0;
	s13 =	smov.u32 s11;
	[sflag:s14] =	ssyncset.done @!p1 $0x0  }
0x17: {  	s12 =	smov.u32 s16;
	s11 =	smov.u32 s15;
	[sflag:s14] =	ssyncadd.s32 @!p1 $0xFFFFE000  }
.LBB2_1:
0x18: {  	p1 =	sge.u32 s12, s8  }
0x19: {  	s14 =	sxor.u32 @!p1 $0xFFFFFFFF, s12  }
0x1a: {  	s31 =	sadd.s32 $0xFFFFFFFF, s12;
	s15 =	sshrl.u32 @!p1 s11, $0x3;
	s14 =	sshll.u32 @!p1 s14, $0x6  }
0x1b: {  	s16 =	sand.u32 @!p1 $0x7, s11;
	s15 =	sadd.s32 @!p1 s5, s15;
	s14 =	sand.u32 @!p1 $0x40, s14  }
0x1c: {  	[tilespmem:s14], [sflag:$0x2] =	stream.linear.gather @!p1 [hbm4b:s15+s16], $0x40, $0x38;
	[tilespmem:$0x4080] =	vst v63  }
0x1d: {  	p1 =	sge.u32 s31, s8  }
.Ltmp2:
0x1e: {  	_ = 	snop;
	(pc) =	sbr.rel @p1 .LBB2_7-.Ltmp2, $1  }
0x1f: {  	_ =	sdelay $0x3  }
0x20: {  	s14 =	simm.s32 $0x1  }
0x21: {  	_ =	swait.ge [sflag:s7], $0x40;
	s14 =	simm.s32 @!p0 $0x0  }
0x22: {  	[sflag:s7] =	ssyncset.done $0x0;
	s16 =	sshll.u32 s14, $0x6  }
0x23: {  	[sflag:s7] =	ssyncadd.s32 $0xFFFFFFC0;
	s15 =	sadd.s32 $0x0, s16  }
0x24: {  	v0 =	vld.msk [tilespmem:s15+$0x0 ss:$0x1], $0xffff;
	_ =	sdelay $0x4  }
0x25: {  	vm2 =	vgt.s32 v0, $0x0  }
0x26: {  	v0 =	vnsel vm2, $0x0, v0  }
0x27: {  	v0 =	vmin.u32 v0, $0x9FF  }
0x28: {  	v0 =	vshll.u32 v0, $0x4;
	_ =	sdelay $0x2  }
0x29: {  	s14 =	sshll.u32 s14, $0xD  }
0x2a: {  	s14 =	sor.u32 $0x80, s14  }
0x2b: {  	[tilespmem:s14], [sflag:$0x1] =	stream.indirect_vreg.gather [hbm:s4], $0x80, v0, vm0, $0x38;
	[tilespmem:$0x4080] =	vst v63  }
0x2c: {  	s17 =	sadd.s32 $0x10, s16;
	s15 =	sadd.s32 $0x400, s14  }
0x2d: {  	[tilespmem:s15], [sflag:$0x1] =	stream.indirect_vreg.gather [hbm:s4], $0x80, v0, vm1, $0x38;
	[tilespmem:$0x4080] =	vst v63  }
0x2e: {  	s18 =	simm.s32 $0x80;
	v0 =	vld.msk [tilespmem:s17+$0x0 ss:$0x1], $0xffff;
	s17 =	smov.u32 s14  }
.LBB2_3:
0x2f: {  	p1 =	sne.s32 s18, $0xC0;
	_ =	sdelay $0x4  }
0x30: {  	vm2 =	vgt.s32 v0, $0x0  }
0x31: {  	v0 =	vnsel vm2, $0x0, v0  }
0x32: {  	v0 =	vmin.u32 v0, $0x9FF  }
0x33: {  	v0 =	vshll.u32 v0, $0x4;
	_ =	sdelay $0x3  }
.Ltmp3:
0x34: {  	s19 =	sshra.s32 s18, $0x2;
	s17 =	sadd.s32 $0x800, s17;
	(pc) =	sbr.rel @p1 .LBB2_3-.Ltmp3, $4  }
0x35: {  	[tilespmem:s17], [sflag:$0x1] =	stream.indirect_vreg.gather [hbm:s4], $0x80, v0, vm0, $0x38;
	[tilespmem:$0x4080] =	vst v63  }
0x36: {  	s19 =	sadd.s32 s19, s16;
	s20 =	sadd.s32 $0x400, s17  }
0x37: {  	[tilespmem:s20], [sflag:$0x1] =	stream.indirect_vreg.gather [hbm:s4], $0x80, v0, vm1, $0x38;
	[tilespmem:$0x4080] =	vst v63  }
0x38: {  	s18 =	sadd.s32 $0x40, s18;
	v0 =	vld.msk [tilespmem:s19+$0x0 ss:$0x1], $0xffff  }
0x39: {  	_ =	sdelay $0x3  }
0x3a: {  	vm2 =	vgt.s32 v0, $0x0  }
0x3b: {  	v0 =	vnsel vm2, $0x0, v0  }
0x3c: {  	v0 =	vmin.u32 v0, $0x9FF  }
0x3d: {  	v0 =	vshll.u32 v0, $0x4;
	_ =	sdelay $0x3  }
0x3e: {  	s16 =	sadd.s32 $0x800, s17  }
0x3f: {  	[tilespmem:s16], [sflag:$0x1] =	stream.indirect_vreg.gather [hbm:s4], $0x80, v0, vm0, $0x38;
	[tilespmem:$0x4080] =	vst v63  }
0x40: {  	s16 =	sadd.s32 $0x400, s16  }
0x41: {  	[tilespmem:s16], [sflag:$0x1] =	stream.indirect_vreg.gather [hbm:s4], $0x80, v0, vm1, $0x38;
	[tilespmem:$0x4080] =	vst v63  }
0x42: {  	s13 =	sshll.u32 s13, $0x4;
	_ =	swait.ge [sflag:s6], $0x2000  }
0x43: {  	s13 =	sadd.s32 s13, s9;
	[sflag:s6] =	ssyncset.done $0x0  }
0x44: {  	s17 =	sadd.s32 $0x0, s13;
	s16 =	simm.s32 $0x80;
	[sflag:s6] =	ssyncadd.s32 $0xFFFFE000  }
.LBB2_5:
0x45: {  	[hbm:s17] =	stream.linear.scatter [tilespmem:s14], [sflag:$0x3], $0x400, $0x38;
	[tilespmem:$0x4080] =	vst v63  }
0x46: {  	s17 =	smov.u32 s16;
	s14 =	smov.u32 s15;
	p1 =	sne.s32 s16, $0x380  }
.Ltmp4:
0x47: {  	s16 =	sadd.s32 $0x80, s16;
	(pc) =	sbr.rel @p1 .LBB2_5-.Ltmp4, $2  }
0x48: {  	_ =	sdelay $0x2  }
0x49: {  	s15 =	sadd.s32 $0x400, s15;
	s17 =	sadd.s32 s17, s13  }
.Ltmp5:
0x4a: {  	_ = 	snop;
	(pc) =	sbr.rel .LBB2_6-.Ltmp5, $1  }
0x4b: {  	_ =	sdelay $0x3  }
.LBB2_8:
0x4c: {  	_ =	sfence.sel $0x180000  }
0x4d: {  	s2 =	simm.s32 $0x2;
	[bflag:$0x0] =	sbarrier.arrive $0xFFFF  }
0x4e: {  	s30 =	simm.s32 $0x3;
	[sflag:s2] =	ssyncpa.u1 $0x1  }
0x4f: {  	s31 =	simm.s32 $0x1;
	[sflag:s30] =	ssyncpa.u1 $0x1  }
0x50: {  	[sflag:s31] =	ssyncpa.u1 $0x1  }
0x51: {  	p0 =	sne.s32 s0, $0x0;
	_ =	strace $0x90000047  }
0x52: {  	s0 =	sadd.s32 @!p0 $0x100000, s1;
	[bflag:$0x2] =	sbarrier.arrive $0xFFFF  }
0x53: {  	[sflag:s0] =	ssyncadd.tile.s32 @!p0 $0x1;
	_ =	shalt  }
.Lfunc_end2:
_tile_overlayer_lowered:
.L_overlay_start_2:
0x54: {  	(tag) =	ssettag $0x2  }
0x55: {  	s0 =	rddreg [dreg:$0x0];
	s2 =	stileid.u32  }
0x56: {  	s1 =	rddreg [dreg:$0x1];
	p0 =	sne.s32 s2, $0x0  }
0x57: {  	s3 =	rddreg [dreg:$0x2];
	[bflag:$0x3] =	sbarrier.arrive $0xFFFF;
	s2 =	simm.s32 @!p0 $0x1C01  }
0x58: {  	[timem:s3], [sflag:s2] =	dma.local @!p0 [hbm:s0], s1  }
0x59: {  	s0 =	simm.s32 @!p0 $0x1  }
0x5a: {  	_ =	swait.ge @!p0 [sflag:s0], s1  }
0x5b: {  	s1 =	ssub.s32 @!p0 $0x0, s1;
	[sflag:s0] =	ssyncset.done @!p0 $0x0  }
0x5c: {  	[sflag:s0] =	ssyncadd.s32 @!p0 s1  }
0x5d: {  	[bflag:$0x3] =	sbarrier.arrive $0xFFFF  }
0x5e: {  	_ =	shalt  }

// kernel: kernel.4.cloned.1.call-start
scs
__scs_entry_jumppad:
0x0: {  	(pc) =	sbr.rel $0x88, $3  }
0x1: {  	(tag) =	ssettag $0x0;
	lr =	simm.s32 $0x1  }
0x2: {  	[smem:$0x3F95] =	sst lr;
	_ =	strace $0xD0000000  }
0x3: {  	_ = 	snop  }
0x4: {  	_ = 	snop  }
0x5: {  	_ = 	snop  }
0x6: {  	_ = 	snop  }
0x7: {  	_ = 	snop  }
__scs_overlays_trampoline_lowered:
0x8: {  	[smem:$0x3FA4] =	sst s0  }
0x9: {  	[smem:$0x3FA5] =	sst s1  }
0xa: {  	[smem:$0x3FA6] =	sst s2  }
0xb: {  	[smem:$0x3FA7] =	sst s3  }
0xc: {  	[smem:$0x3FA8] =	sst s4  }
0xd: {  	[smem:$0x3FA9] =	sst s5  }
0xe: {  	[smem:$0x3FAA] =	sst s6  }
0xf: {  	[smem:$0x3FAB] =	sst s7  }
0x10: {  	[smem:$0x3FAC] =	sst s8  }
0x11: {  	[smem:$0x3FAD] =	sst s9;
	s0 =	simm.s32 @!p0 $0x0  }
0x12: {  	s1 =	sld [smem:$0x3F93];
	s0 =	simm.s32 @p0 $0x1  }
0x13: {  	[smem:$0x3FAE] =	sst s0;
	s0 =	simm.s32 @!p1 $0x0  }
0x14: {  	s2 =	sld [smem:$0x3F92];
	s0 =	simm.s32 @p1 $0x1  }
0x15: {  	[smem:$0x3FAF] =	sst s0;
	s0 =	simm.s32 @!p2 $0x0  }
0x16: {  	s3 =	sld [smem:$0x3FDB];
	s0 =	simm.s32 @p2 $0x1  }
0x17: {  	s4 =	simm.s32 $0x1BF5;
	[smem:$0x3FB1] =	sst s0  }
0x18: {  	s0 =	sld [smem:$0x3F94];
	_ =	swait.ge [sflag:s4], $0x0  }
0x19: {  	s7 =	sld [smem:$0x3F95]  }
0x1a: {  	s8 =	sadd.s32 $0xFFFFE003, lr  }
0x1b: {  	s9 =	sadd.s32 $0xFFFFFEF7, lr;
	s5 =	simm.s32 $0xFFFFFFFF;
	p2 =	slt.u32 s8, $0xFFFFF086  }
0x1c: {  	p1 =	slt.u32 s9, $0xF7A;
	s5 =	simm.s32 @!p2 $0x0  }
0x1d: {  	s5 =	simm.s32 @p1 $0x1;
	p0 =	seq.s32 s7, s2  }
0x1e: {  	s7 =	smul.u32 @!p0 $0xF7A, s2;
	p2 =	seq.s32 @!p0 s5, $0x0  }
0x1f: {  	s9 =	smul.u32 $0xF7A, s1;
	s8 =	simm.s32 @!p0 $0x1BF5;
	p2 =	por !p2, p0  }
0x20: {  	[sflag:s8] =	ssyncset.s32 @!p0 $0xFFFFF086;
	s6 =	sadd.s32 @!p0 s3, s7;
	s7 =	simm.s32 @!p0 $0x108  }
0x21: {  	s3 =	sadd.s32 s3, s9;
	s6 =	sadd.s32 @!p0 $0x88, s6;
	s7 =	simm.s32 @p2 $0x1082  }
0x22: {  	[simem:s7], [sflag:s8] =	dma.local @!p0 [hbm:s6], $0xF7A  }
0x23: {  	s9 =	sor.u32 $0xD0000000, s2;
	s6 =	simm.s32 $0x108;
	_ =	swait.ge @!p0 [sflag:s8], $0x0  }
0x24: {  	s3 =	sadd.s32 $0x88, s3;
	s6 =	simm.s32 @!p1 $0x1082;
	[sflag:s4] =	ssyncset.s32 $0xFFFFF086  }
0x25: {  	[simem:s6], [sflag:s4] =	dma.local [hbm:s3], $0xF7A  }
0x26: {  	[smem:$0x3F95] =	sst s1;
	(tag) =	ssettag s2;
	_ =	strace s9  }
0x27: {  	s1 =	sld [smem:$0x3FA5]  }
0x28: {  	s2 =	sld [smem:$0x3FA6]  }
0x29: {  	s4 =	sld [smem:$0x3FA8]  }
0x2a: {  	p0 =	seq.s32 s5, $0x0;
	s5 =	sld [smem:$0x3FA9]  }
0x2b: {  	s6 =	sld [smem:$0x3FAA]  }
0x2c: {  	s7 =	sld [smem:$0x3FAB]  }
0x2d: {  	s3 =	simm.s32 $0x108;
	s8 =	sld [smem:$0x3FAC]  }
0x2e: {  	s3 =	simm.s32 @!p0 $0x1082;
	s9 =	sld [smem:$0x3FAD]  }
0x2f: {  	lr =	sadd.s32 s0, s3;
	s0 =	sld [smem:$0x3FA4]  }
0x30: {  	s3 =	sld [smem:$0x3FA7]  }
0x31: {  	[smem:$0x3FB0] =	sst s10  }
0x32: {  	s10 =	sld [smem:$0x3FAE];
	_ =	sdelay $0x3  }
0x33: {  	p0 =	seq.s32 s10, $0x1;
	s10 =	sld [smem:$0x3FB0];
	_ =	sdelay $0x3  }
0x34: {  	[smem:$0x3FB0] =	sst s10  }
0x35: {  	s10 =	sld [smem:$0x3FAF];
	_ =	sdelay $0x3  }
0x36: {  	p1 =	seq.s32 s10, $0x1;
	s10 =	sld [smem:$0x3FB0];
	_ =	sdelay $0x3  }
0x37: {  	[smem:$0x3FB0] =	sst s10  }
0x38: {  	s10 =	sld [smem:$0x3FB1]  }
0x39: {  	_ = 	snop;
	(pc) =	sbr.ind lr, $3  }
0x3a: {  	_ = 	snop  }
0x3b: {  	_ = 	snop  }
0x3c: {  	p2 =	seq.s32 s10, $0x1;
	s10 =	sld [smem:$0x3FB0]  }
0x3d: {  	_ =	shalt  }
0x3e: {  	_ =	shalt  }
0x3f: {  	_ =	shalt  }
0x40: {  	_ =	shalt  }
0x41: {  	_ =	shalt  }
0x42: {  	_ =	shalt  }
0x43: {  	_ =	shalt  }
0x44: {  	_ =	shalt  }
0x45: {  	_ =	shalt  }
0x46: {  	_ =	shalt  }
0x47: {  	_ =	shalt  }
0x48: {  	_ =	shalt  }
0x49: {  	_ =	shalt  }
0x4a: {  	_ =	shalt  }
0x4b: {  	_ =	shalt  }
0x4c: {  	_ =	shalt  }
0x4d: {  	_ =	shalt  }
0x4e: {  	_ =	shalt  }
0x4f: {  	_ =	shalt  }
0x50: {  	_ =	shalt  }
0x51: {  	_ =	shalt  }
0x52: {  	_ =	shalt  }
0x53: {  	_ =	shalt  }
0x54: {  	_ =	shalt  }
0x55: {  	_ =	shalt  }
0x56: {  	_ =	shalt  }
0x57: {  	_ =	shalt  }
0x58: {  	_ =	shalt  }
0x59: {  	_ =	shalt  }
0x5a: {  	_ =	shalt  }
0x5b: {  	_ =	shalt  }
0x5c: {  	_ =	shalt  }
0x5d: {  	_ =	shalt  }
0x5e: {  	_ =	shalt  }
0x5f: {  	_ =	shalt  }
0x60: {  	_ =	shalt  }
0x61: {  	_ =	shalt  }
0x62: {  	_ =	shalt  }
0x63: {  	_ =	shalt  }
0x64: {  	_ =	shalt  }
0x65: {  	_ =	shalt  }
0x66: {  	_ =	shalt  }
0x67: {  	_ =	shalt  }
0x68: {  	_ =	shalt  }
0x69: {  	_ =	shalt  }
0x6a: {  	_ =	shalt  }
0x6b: {  	_ =	shalt  }
0x6c: {  	_ =	shalt  }
0x6d: {  	_ =	shalt  }
0x6e: {  	_ =	shalt  }
0x6f: {  	_ =	shalt  }
0x70: {  	_ =	shalt  }
0x71: {  	_ =	shalt  }
0x72: {  	_ =	shalt  }
0x73: {  	_ =	shalt  }
0x74: {  	_ =	shalt  }
0x75: {  	_ =	shalt  }
0x76: {  	_ =	shalt  }
0x77: {  	_ =	shalt  }
0x78: {  	_ =	shalt  }
0x79: {  	_ =	shalt  }
0x7a: {  	_ =	shalt  }
0x7b: {  	_ =	shalt  }
0x7c: {  	_ =	shalt  }
0x7d: {  	_ =	shalt  }
0x7e: {  	_ =	shalt  }
0x7f: {  	_ =	shalt  }
0x80: {  	_ =	shalt  }
0x81: {  	_ =	shalt  }
0x82: {  	_ =	shalt  }
0x83: {  	_ =	shalt  }
0x84: {  	_ =	shalt  }
0x85: {  	_ =	shalt  }
0x86: {  	_ =	shalt  }
0x87: {  	_ =	shalt  }
.Lfunc_end0:
.L_simem_size_0:
called_computation.2_lowered:
.L_overlay_start_0:
0x88: {  	s2 =	sld [smem:$0x3FD9]  }
0x89: {  	s3 =	sld [smem:$0x3FFE];
	_ =	sdelay $0x1  }
0x8a: {  	s1 =	srdreg.scid  }
0x8b: {  	s0 =	sand.u32 $0x1, s1  }
0x8c: {  	s17 =	sshll.u32 s0, $0xA;
	s2 =	sadd.s32 s3, s2  }
0x8d: {  	s2 =	sadd.s32 s2, s17  }
0x8e: {  	[smem:$0x3FBC] =	sst s2  }
0x8f: {  	_ = 	snop  }
0x90: {  	s2 =	sld [smem:$0x3FC9];
	(tm) =	ssettm $0x1  }
0x91: {  	s18 =	sld [smem:$0x3FFB];
	_ =	sdelay $0x3  }
0x92: {  	_ =	strace s18  }
0x93: {  	s3 =	sld [smem:$0x3FFC];
	_ =	sdelay $0x3  }
0x94: {  	_ =	strace s3  }
0x95: {  	s3 =	sld [smem:$0x3FFD];
	_ =	sdelay $0x3  }
0x96: {  	_ =	strace s3  }
0x97: {  	_ =	strace $0x8FFFFFFF  }
0x98: {  	s19 =	sld [smem:$0x3FDB];
	_ =	sdelay $0x1  }
0x99: {  	s4 =	simm.s32 $_scs_section_size  }
0x9a: {  	s5 =	simm.s32 $_size__tile_overlayer_lowered;
	s6 =	simm.s32 $_tile_overlayer_lowered  }
0x9b: {  	s22 =	simm.s32 $0x1BFF;
	s21 =	sshll.u32 s6, $0x1;
	s3 =	sadd.s32 s4, s19  }
0x9c: {  	s7 =	simm.s32 $0x0;
	s20 =	sshll.u32 s5, $0x1;
	s5 =	sadd.s32 s21, s3  }
0x9d: {  	[timem:s7], [sflag:s22] =	dma.local [hbm:s5], s20  }
0x9e: {  	_ =	swait.ge [sflag:s22], s20  }
0x9f: {  	s4 =	ssub.s32 $0x0, s20;
	[sflag:s22] =	ssyncset.done $0x0  }
0xa0: {  	[sflag:s22] =	ssyncadd.s32 s4;
	_ =	sdelay $0x1  }
0xa1: {  	s23 =	simm.s32 $0x1B8B  }
0xa2: {  	_ =	swait.ge [sflag:s23], $0x1  }
0xa3: {  	[sflag:s23] =	ssyncset.done $0x0  }
0xa4: {  	s25 =	simm.s32 $0x1B8E;
	s24 =	sld [smem:$0x3FFE];
	[sflag:s23] =	ssyncadd.s32 $0xFFFFFFFF  }
0xa5: {  	s26 =	simm.s32 $execute0_lowered;
	[smem:$0x3FD2] =	sst s25  }
0xa6: {  	s5 =	sshll.u32 s26, $0x1;
	_ =	strace $0x8000004C;
	[dreg:$0x1] =	wrdreg $0xFFFFFFFF  }
0xa7: {  	s28 =	simm.s32 $_size_execute0_lowered;
	s3 =	sadd.s32 s3, s5;
	[dreg:$0x0] =	wrdreg $0x0  }
0xa8: {  	s5 =	sshll.u32 s28, $0x1;
	[dreg:$0x2] =	wrdreg s3  }
0xa9: {  	[dreg:$0x3] =	wrdreg s5  }
0xaa: {  	[dreg:$0x4] =	wrdreg $0xC0  }
0xab: {  	_ =	task [dreg:s7], $0x5FFFF  }
0xac: {  	[dreg:$0x1] =	wrdreg $0xFFFFFFFF  }
0xad: {  	[dreg:$0x0] =	wrdreg $0x60  }
0xae: {  	[dreg:$0x2] =	wrdreg s2  }
0xaf: {  	[dreg:$0x3] =	wrdreg s24  }
0xb0: {  	[dreg:$0x4] =	wrdreg $0xB8000  }
0xb1: {  	[dreg:$0x5] =	wrdreg $0x9  }
0xb2: {  	_ =	task.clear_ibuf [dreg:s7], $0x6FFFF;
	_ =	strace $0x9000004C  }
0xb3: {  	s29 =	simm.s32 $0x9;
	_ =	strace $0x8000004E  }
0xb4: {  	_ =	swait.ge [sflag:s29], $0x1  }
0xb5: {  	[sflag:s29] =	ssyncadd.s32 $0xFFFFFFFF  }
0xb6: {  	_ =	strace $0x9000004E  }
0xb7: {  	_ =	sfence  }
0xb8: {  	s30 =	sld [smem:$0x0];
	_ =	sdelay $0x2  }
0xb9: {  	s31 =	sshll.u32 s1, $0xD;
	s1 =	sshrl.u32 s1, $0x2  }
0xba: {  	s3 =	sand.u32 $0x4000, s31;
	s1 =	sadd.s32 s1, s30  }
0xbb: {  	s0 =	sor.u32 s3, s0;
	s1 =	sshll.u32 s1, $0x11  }
0xbc: {  	s0 =	sor.u32 s1, s0  }
0xbd: {  	s0 =	sadd.s32 $0x8F2B, s0  }
0xbe: {  	[sflag:s0] =	ssyncadd.remote.s32 $0x1  }
0xbf: {  	_ =	sfence.sel $0xFFFF  }
0xc0: {  	[dreg:$0x0] =	wrdreg $0xFFFFFFFF;
	(pc) =	sbr.abs _section_cstart, $3  }
0xc1: {  	[dreg:$0x1] =	wrdreg $0xFFFFFFFF  }
0xc2: {  	_ =	task.clear_ibuf [dreg:s7], $0x2FFFF;
	_ =	strace $0x9FFFFFFF  }
0xc3: {  	(tm) =	ssettm $0x7FFFFFFF  }
tec
execute0_lowered:
.L_overlay_start_1:
0x0: {  	(tag) =	ssettag $0x1  }
0x1: {  	s1 =	rddreg [dreg:$0x0]  }
0x2: {  	s0 =	rddreg [dreg:$0x1]  }
0x3: {  	s2 =	rddreg [dreg:$0x2];
	s3 =	simm.s32 $0x0  }
0x4: {  	s4 =	srdreg.scid;
	s5 =	stileid.u32;
	s28 =	simm.s32 $0x1  }
0x5: {  	s29 =	simm.s32 $0x9000;
	s30 =	simm.s32 $0x2;
	s31 =	simm.s32 $0x0  }
0x6: {  	[smem:$0x7FF] =	sst s3;
	s26 =	sadd.s32 $0xC800, s0;
	s7 =	sadd.s32 $0x20800, s0  }
0x7: {  	s8 =	sand.u32 $0x1, s4;
	s6 =	sshll.u32 s5, $0x1;
	s4 =	sadd.s32 $0x16800, s0  }
0x8: {  	s9 =	smul.u32 $0x4E000, s5;
	s20 =	sadd.s32 $0x2A800, s0;
	s16 =	sadd.s32 $0x138000, s2  }
0x9: {  	s6 =	sor.u32 s8, s6;
	s11 =	ssub.s32 $0x2, s8;
	s8 =	smul.u32 $0x138800, s8  }
0xa: {  	p0 =	sne.s32 s5, $0x0;
	_ =	strace $0x8000004D;
	s10 =	smul.u32 $0x4E2, s6  }
0xb: {  	[dreg:$0x5] =	wrdreg s16;
	s12 =	sshrl.u32 s11, $0x1;
	s13 =	smul.u32 $0x2800, s6  }
0xc: {  	s9 =	sshrl.u32 s9, $0x2;
	s14 =	smul.u32 $0x500, s6;
	s21 =	ssub.s32 s11, s12  }
0xd: {  	s9 =	sadd.s32 s9, s2;
	s12 =	sshll.u32 s5, $0x6;
	s25 =	sshrl.u32 s8, $0x3  }
0xe: {  	s0 =	sadd.s32 s10, s0;
	[dreg:$0x4] =	wrdreg s9;
	s15 =	sshrl.u32 s13, $0x3  }
0xf: {  	s6 =	sor.u32 $0x1C05, s12;
	s18 =	sadd.s32 s26, s14;
	s10 =	sadd.s32 s7, s14  }
0x10: {  	s21 =	smax.u32 s21, $0x1;
	s17 =	sadd.s32 $0x100, s15;
	[dreg:$0x6] =	wrdreg s18  }
0x11: {  	[dreg:$0x7] =	wrdreg s10;
	s22 =	sadd.s32 $0x200, s15;
	s16 =	sadd.s32 $0x300, s15  }
0x12: {  	s23 =	sadd.s32 $0x400, s15;
	s19 =	sadd.s32 s26, s17;
	s11 =	sadd.s32 s7, s17  }
0x13: {  	s12 =	sadd.s32 s26, s22;
	s17 =	smul.u32 $0x13800, s5;
	s13 =	sadd.s32 s7, s22  }
0x14: {  	s14 =	sadd.s32 s26, s16;
	s15 =	sadd.s32 s7, s16;
	s16 =	sadd.s32 s26, s23  }
0x15: {  	s26 =	sadd.s32 s20, s25;
	s22 =	simm.s32 $0x5;
	s25 =	simm.s32 $0x1000  }
0x16: {  	[dreg:$0x8] =	wrdreg s19;
	s19 =	sadd.s32 $0x2600, s0;
	s24 =	sadd.s32 s17, s8  }
0x17: {  	s0 =	simm.s32 $0x3;
	s17 =	sadd.s32 s7, s23;
	s3 =	sshrl.u32 s24, $0x3  }
0x18: {  	s23 =	simm.s32 $0x800;
	s24 =	simm.s32 $0x80;
	s18 =	sadd.s32 s20, s3  }
0x19: {  	v0 =	vimm.f32 $0.0e+00;
	v1 =	vimm.f32 $1.000000000e+00;
	s20 =	sadd.s32 $0x27000, s26;
	s26 =	simm.s32 $0x5000;
	s3 =	simm.s32 $0x4  }
.LBB2_1:
0x1a: {  	s5 =	rddreg [dreg:$0x4]  }
0x1b: {  	s7 =	sshrl.u32 s5, $0x3  }
0x1c: {  	[spmem:s7], [sflag:s6] =	dma.local [hbm:s4], $0x2700  }
0x1d: {  	_ =	swait.ge [sflag:s22], $0x2700  }
0x1e: {  	[sflag:s22] =	ssyncset.done $0x0;
	s5 =	rddreg [dreg:$0x5]  }
0x1f: {  	s8 =	simm.s32 @!p0 $0x5;
	[sflag:s22] =	ssyncadd.s32 $0xFFFFD900;
	s5 =	sshrl.u32 @!p0 s5, $0x3  }
0x20: {  	[spmem:s5], [sflag:s6] =	dma.local @!p0 [hbm:s4], $0x100  }
0x21: {  	_ =	swait.ge @!p0 [sflag:s8], $0x100  }
0x22: {  	[sflag:s8] =	ssyncset.done @!p0 $0x0  }
0x23: {  	s9 =	simm.s32 $0x0;
	[sflag:s8] =	ssyncadd.s32 @!p0 $0xFFFFFF00;
	s8 =	simm.s32 $0x40  }
.LBB2_2:
0x24: {  	p1 =	sne.s32 s8, $0x9E00;
	[tilespmem:s9+$0x9000] =	vst v0;
	s9 =	smov.u32 s8;
	s8 =	sadd.s32 $0x40, s8  }
.Ltmp0:
0x25: {  	(pc) =	sbr.rel @p1 .LBB2_2-.Ltmp0, $2  }
0x26: {  	_ =	sdelay $0x2  }
0x27: {  	s9 =	sshra.s32 s9, $0x2  }
0x28: {  	[tilespmem:s9+$0x9000] =	vst v0  }
0x29: {  	[bflag:$0x0] =	sbarrier.arrive $0xFFFF  }
0x2a: {  	s8 =	simm.s32 $0x0;
	s10 =	rddreg [dreg:$0x6]  }
0x2b: {  	[tilespmem:s8], [sflag:$0x5] =	stream.linear.gather [hbm4b:s10+s8], $0x800, $0x38;
	[tilespmem:$0x1F480] =	vst v63  }
0x2c: {  	_ =	swait.ge [sflag:s22], $0x800  }
0x2d: {  	[sflag:s22] =	ssyncset.done $0x0  }
0x2e: {  	s10 =	rddreg [dreg:$0x7];
	[sflag:s22] =	ssyncadd.s32 $0xFFFFF800  }
0x2f: {  	[tilespmem:s23], [sflag:$0x5] =	stream.linear.gather [hbm4b:s10+s8], $0x800, $0x38;
	[tilespmem:$0x1F480] =	vst v63  }
0x30: {  	_ =	swait.ge [sflag:s22], $0x800  }
0x31: {  	[sflag:s22] =	ssyncset.done $0x0  }
0x32: {  	[sflag:s22] =	ssyncadd.s32 $0xFFFFF800  }
0x33: {  	[tilespmem:s25], [sflag:$0x1] =	stream.indirect.gather [hbm4b:s1+s24], $0x80, s8, s24, $0xb8;
	[tilespmem:$0x1F480] =	vst v63  }
0x34: {  	_ = 	snop  }
0x35: {  	[tilespmem:s26], [sflag:$0x2] =	stream.indirect.gather [hbm4b:s1+s24], $0x80, s24, s24, $0xb8;
	[tilespmem:$0x1F480] =	vst v63  }
0x36: {  	_ =	swait.ge [sflag:s28], $0x4000  }
0x37: {  	[sflag:s28] =	ssyncset.done $0x0  }
0x38: {  	[sflag:s28] =	ssyncadd.s32 $0xFFFFC000  }
0x39: {  	[spmem:s2] =	stream.indirect.scatter.add.f32 [tilespmem:s25], [sflag:$0x3], $0x80, s23, s24, $0xb8;
	[tilespmem:$0x1F480] =	vst v63  }
0x3a: {  	v2 =	vld [tilespmem:$0x800];
	_ =	sdelay $0x7  }
0x3b: {  	[tilespmem:v2+s29+$0x0] =	vst.idx.add.f32.msk $0xffff, v1  }
0x3c: {  	v2 =	vld [tilespmem:$0x810];
	_ =	sdelay $0x7  }
0x3d: {  	[tilespmem:v2+s29+$0x0] =	vst.idx.add.f32.msk $0xffff, v1  }
0x3e: {  	v2 =	vld [tilespmem:$0x820];
	_ =	sdelay $0x7  }
0x3f: {  	[tilespmem:v2+s29+$0x0] =	vst.idx.add.f32.msk $0xffff, v1  }
0x40: {  	v2 =	vld [tilespmem:$0x830];
	_ =	sdelay $0x7  }
0x41: {  	[tilespmem:v2+s29+$0x0] =	vst.idx.add.f32.msk $0xffff, v1  }
0x42: {  	v2 =	vld [tilespmem:$0x840];
	_ =	sdelay $0x7  }
0x43: {  	[tilespmem:v2+s29+$0x0] =	vst.idx.add.f32.msk $0xffff, v1  }
0x44: {  	v2 =	vld [tilespmem:$0x850];
	_ =	sdelay $0x7  }
0x45: {  	[tilespmem:v2+s29+$0x0] =	vst.idx.add.f32.msk $0xffff, v1  }
0x46: {  	v2 =	vld [tilespmem:$0x860];
	_ =	sdelay $0x7  }
0x47: {  	[tilespmem:v2+s29+$0x0] =	vst.idx.add.f32.msk $0xffff, v1  }
0x48: {  	v2 =	vld [tilespmem:$0x870];
	_ =	sdelay $0x7  }
0x49: {  	[tilespmem:v2+s29+$0x0] =	vst.idx.add.f32.msk $0xffff, v1  }
0x4a: {  	_ =	swait.ge [sflag:s30], $0x4000  }
0x4b: {  	[sflag:s30] =	ssyncset.done $0x0  }
0x4c: {  	s10 =	simm.s32 $0x880;
	[sflag:s30] =	ssyncadd.s32 $0xFFFFC000  }
0x4d: {  	[spmem:s2] =	stream.indirect.scatter.add.f32 [tilespmem:s26], [sflag:$0x4], $0x80, s10, s24, $0xb8;
	[tilespmem:$0x1F480] =	vst v63  }
0x4e: {  	v2 =	vld [tilespmem:$0x880];
	_ =	sdelay $0x7  }
0x4f: {  	[tilespmem:v2+s29+$0x0] =	vst.idx.add.f32.msk $0xffff, v1  }
0x50: {  	v2 =	vld [tilespmem:$0x890];
	_ =	sdelay $0x7  }
0x51: {  	[tilespmem:v2+s29+$0x0] =	vst.idx.add.f32.msk $0xffff, v1  }
0x52: {  	v2 =	vld [tilespmem:$0x8A0];
	_ =	sdelay $0x7  }
0x53: {  	[tilespmem:v2+s29+$0x0] =	vst.idx.add.f32.msk $0xffff, v1  }
0x54: {  	v2 =	vld [tilespmem:$0x8B0];
	_ =	sdelay $0x7  }
0x55: {  	[tilespmem:v2+s29+$0x0] =	vst.idx.add.f32.msk $0xffff, v1  }
0x56: {  	v2 =	vld [tilespmem:$0x8C0];
	_ =	sdelay $0x7  }
0x57: {  	[tilespmem:v2+s29+$0x0] =	vst.idx.add.f32.msk $0xffff, v1  }
0x58: {  	v2 =	vld [tilespmem:$0x8D0];
	_ =	sdelay $0x7  }
0x59: {  	[tilespmem:v2+s29+$0x0] =	vst.idx.add.f32.msk $0xffff, v1  }
0x5a: {  	v2 =	vld [tilespmem:$0x8E0];
	_ =	sdelay $0x7  }
0x5b: {  	[tilespmem:v2+s29+$0x0] =	vst.idx.add.f32.msk $0xffff, v1  }
0x5c: {  	v2 =	vld [tilespmem:$0x8F0];
	_ =	sdelay $0x7  }
0x5d: {  	[tilespmem:v2+s29+$0x0] =	vst.idx.add.f32.msk $0xffff, v1  }
.LBB2_4:
0x5e: {  	_ =	swait.ge [sflag:s0], $0x4000  }
0x5f: {  	s9 =	sshra.s32 s8, $0x2;
	[sflag:s0] =	ssyncset.done $0x0  }
0x60: {  	s10 =	sadd.s32 $0x100, s9;
	[sflag:s0] =	ssyncadd.s32 $0xFFFFC000  }
0x61: {  	[tilespmem:s25], [sflag:$0x1] =	stream.indirect.gather [hbm4b:s1+s24], $0x80, s10, s24, $0xb8;
	[tilespmem:$0x1F480] =	vst v63  }
0x62: {  	_ =	swait.ge [sflag:s3], $0x4000  }
0x63: {  	[sflag:s3] =	ssyncset.done $0x0  }
0x64: {  	s10 =	sadd.s32 $0x180, s9;
	[sflag:s3] =	ssyncadd.s32 $0xFFFFC000  }
0x65: {  	[tilespmem:s26], [sflag:$0x2] =	stream.indirect.gather [hbm4b:s1+s24], $0x80, s10, s24, $0xb8;
	[tilespmem:$0x1F480] =	vst v63  }
0x66: {  	_ =	swait.ge [sflag:s28], $0x4000  }
0x67: {  	[sflag:s28] =	ssyncset.done $0x0  }
0x68: {  	s10 =	sadd.s32 $0x900, s9;
	[sflag:s28] =	ssyncadd.s32 $0xFFFFC000  }
0x69: {  	[spmem:s2] =	stream.indirect.scatter.add.f32 [tilespmem:s25], [sflag:$0x3], $0x80, s10, s24, $0xb8;
	[tilespmem:$0x1F480] =	vst v63  }
0x6a: {  	v2 =	vld [tilespmem:s9+$0x900];
	_ =	sdelay $0x7  }
0x6b: {  	[tilespmem:v2+s29+$0x0] =	vst.idx.add.f32.msk $0xffff, v1  }
0x6c: {  	v2 =	vld [tilespmem:s9+$0x910];
	_ =	sdelay $0x7  }
0x6d: {  	[tilespmem:v2+s29+$0x0] =	vst.idx.add.f32.msk $0xffff, v1  }
0x6e: {  	v2 =	vld [tilespmem:s9+$0x920];
	_ =	sdelay $0x7  }
0x6f: {  	[tilespmem:v2+s29+$0x0] =	vst.idx.add.f32.msk $0xffff, v1  }
0x70: {  	v2 =	vld [tilespmem:s9+$0x930];
	_ =	sdelay $0x7  }
0x71: {  	[tilespmem:v2+s29+$0x0] =	vst.idx.add.f32.msk $0xffff, v1  }
0x72: {  	v2 =	vld [tilespmem:s9+$0x940];
	_ =	sdelay $0x7  }
0x73: {  	[tilespmem:v2+s29+$0x0] =	vst.idx.add.f32.msk $0xffff, v1  }
0x74: {  	v2 =	vld [tilespmem:s9+$0x950];
	_ =	sdelay $0x7  }
0x75: {  	[tilespmem:v2+s29+$0x0] =	vst.idx.add.f32.msk $0xffff, v1  }
0x76: {  	v2 =	vld [tilespmem:s9+$0x960];
	_ =	sdelay $0x7  }
0x77: {  	[tilespmem:v2+s29+$0x0] =	vst.idx.add.f32.msk $0xffff, v1  }
0x78: {  	v2 =	vld [tilespmem:s9+$0x970];
	_ =	sdelay $0x7  }
0x79: {  	[tilespmem:v2+s29+$0x0] =	vst.idx.add.f32.msk $0xffff, v1  }
0x7a: {  	_ =	swait.ge [sflag:s30], $0x4000  }
0x7b: {  	[sflag:s30] =	ssyncset.done $0x0  }
0x7c: {  	s10 =	sadd.s32 $0x980, s9;
	[sflag:s30] =	ssyncadd.s32 $0xFFFFC000  }
0x7d: {  	[spmem:s2] =	stream.indirect.scatter.add.f32 [tilespmem:s26], [sflag:$0x4], $0x80, s10, s24, $0xb8;
	[tilespmem:$0x1F480] =	vst v63  }
0x7e: {  	v2 =	vld [tilespmem:s9+$0x980];
	_ =	sdelay $0x7  }
0x7f: {  	[tilespmem:v2+s29+$0x0] =	vst.idx.add.f32.msk $0xffff, v1  }
0x80: {  	v2 =	vld [tilespmem:s9+$0x990];
	_ =	sdelay $0x7  }
0x81: {  	[tilespmem:v2+s29+$0x0] =	vst.idx.add.f32.msk $0xffff, v1  }
0x82: {  	v2 =	vld [tilespmem:s9+$0x9A0];
	_ =	sdelay $0x7  }
0x83: {  	[tilespmem:v2+s29+$0x0] =	vst.idx.add.f32.msk $0xffff, v1  }
0x84: {  	v2 =	vld [tilespmem:s9+$0x9B0];
	_ =	sdelay $0x7  }
0x85: {  	[tilespmem:v2+s29+$0x0] =	vst.idx.add.f32.msk $0xffff, v1  }
0x86: {  	v2 =	vld [tilespmem:s9+$0x9C0];
	_ =	sdelay $0x7  }
0x87: {  	[tilespmem:v2+s29+$0x0] =	vst.idx.add.f32.msk $0xffff, v1  }
0x88: {  	v2 =	vld [tilespmem:s9+$0x9D0];
	_ =	sdelay $0x7  }
0x89: {  	[tilespmem:v2+s29+$0x0] =	vst.idx.add.f32.msk $0xffff, v1  }
0x8a: {  	v2 =	vld [tilespmem:s9+$0x9E0];
	_ =	sdelay $0x7  }
0x8b: {  	[tilespmem:v2+s29+$0x0] =	vst.idx.add.f32.msk $0xffff, v1  }
0x8c: {  	v2 =	vld [tilespmem:s9+$0x9F0];
	_ =	sdelay $0x2  }
0x8d: {  	p1 =	sne.s32 s8, $0x1800  }
.Ltmp1:
0x8e: {  	_ = 	snop;
	(pc) =	sbr.rel @p1 .LBB2_4-.Ltmp1, $2  }
0x8f: {  	_ =	sdelay $0x2  }
0x90: {  	s8 =	sadd.s32 $0x400, s8;
	[tilespmem:v2+s29+$0x0] =	vst.idx.add.f32.msk $0xffff, v1  }
0x91: {  	s8 =	simm.s32 $0x0;
	s9 =	rddreg [dreg:$0x8]  }
0x92: {  	[tilespmem:s8], [sflag:$0x5] =	stream.linear.gather [hbm4b:s9+s8], $0x800, $0x38;
	[tilespmem:$0x1F480] =	vst v63  }
0x93: {  	_ =	swait.ge [sflag:s22], $0x800  }
0x94: {  	[sflag:s22] =	ssyncset.done $0x0  }
0x95: {  	[sflag:s22] =	ssyncadd.s32 $0xFFFFF800  }
0x96: {  	[tilespmem:s23], [sflag:$0x5] =	stream.linear.gather [hbm4b:s11+s8], $0x800, $0x38;
	[tilespmem:$0x1F480] =	vst v63  }
0x97: {  	_ =	swait.ge [sflag:s22], $0x800  }
0x98: {  	[sflag:s22] =	ssyncset.done $0x0  }
0x99: {  	[sflag:s22] =	ssyncadd.s32 $0xFFFFF800  }
.LBB2_6:
0x9a: {  	_ =	swait.ge [sflag:s0], $0x4000  }
0x9b: {  	[sflag:s0] =	ssyncset.done $0x0  }
0x9c: {  	s9 =	sshra.s32 s8, $0x2;
	[sflag:s0] =	ssyncadd.s32 $0xFFFFC000  }
0x9d: {  	[tilespmem:s25], [sflag:$0x1] =	stream.indirect.gather [hbm4b:s1+s24], $0x80, s9, s24, $0xb8;
	[tilespmem:$0x1F480] =	vst v63  }
0x9e: {  	_ =	swait.ge [sflag:s3], $0x4000  }
0x9f: {  	[sflag:s3] =	ssyncset.done $0x0  }
0xa0: {  	s10 =	sadd.s32 $0x80, s9;
	[sflag:s3] =	ssyncadd.s32 $0xFFFFC000  }
0xa1: {  	[tilespmem:s26], [sflag:$0x2] =	stream.indirect.gather [hbm4b:s1+s24], $0x80, s10, s24, $0xb8;
	[tilespmem:$0x1F480] =	vst v63  }
0xa2: {  	_ =	swait.ge [sflag:s28], $0x4000  }
0xa3: {  	[sflag:s28] =	ssyncset.done $0x0  }
0xa4: {  	s10 =	sadd.s32 $0x800, s9;
	[sflag:s28] =	ssyncadd.s32 $0xFFFFC000  }
0xa5: {  	[spmem:s2] =	stream.indirect.scatter.add.f32 [tilespmem:s25], [sflag:$0x3], $0x80, s10, s24, $0xb8;
	[tilespmem:$0x1F480] =	vst v63  }
0xa6: {  	v2 =	vld [tilespmem:s9+$0x800];
	_ =	sdelay $0x7  }
0xa7: {  	[tilespmem:v2+s29+$0x0] =	vst.idx.add.f32.msk $0xffff, v1  }
0xa8: {  	v2 =	vld [tilespmem:s9+$0x810];
	_ =	sdelay $0x7  }
0xa9: {  	[tilespmem:v2+s29+$0x0] =	vst.idx.add.f32.msk $0xffff, v1  }
0xaa: {  	v2 =	vld [tilespmem:s9+$0x820];
	_ =	sdelay $0x7  }
0xab: {  	[tilespmem:v2+s29+$0x0] =	vst.idx.add.f32.msk $0xffff, v1  }
0xac: {  	v2 =	vld [tilespmem:s9+$0x830];
	_ =	sdelay $0x7  }
0xad: {  	[tilespmem:v2+s29+$0x0] =	vst.idx.add.f32.msk $0xffff, v1  }
0xae: {  	v2 =	vld [tilespmem:s9+$0x840];
	_ =	sdelay $0x7  }
0xaf: {  	[tilespmem:v2+s29+$0x0] =	vst.idx.add.f32.msk $0xffff, v1  }
0xb0: {  	v2 =	vld [tilespmem:s9+$0x850];
	_ =	sdelay $0x7  }
0xb1: {  	[tilespmem:v2+s29+$0x0] =	vst.idx.add.f32.msk $0xffff, v1  }
0xb2: {  	v2 =	vld [tilespmem:s9+$0x860];
	_ =	sdelay $0x7  }
0xb3: {  	[tilespmem:v2+s29+$0x0] =	vst.idx.add.f32.msk $0xffff, v1  }
0xb4: {  	v2 =	vld [tilespmem:s9+$0x870];
	_ =	sdelay $0x7  }
0xb5: {  	[tilespmem:v2+s29+$0x0] =	vst.idx.add.f32.msk $0xffff, v1  }
0xb6: {  	_ =	swait.ge [sflag:s30], $0x4000  }
0xb7: {  	[sflag:s30] =	ssyncset.done $0x0  }
0xb8: {  	s10 =	sadd.s32 $0x880, s9;
	[sflag:s30] =	ssyncadd.s32 $0xFFFFC000  }
0xb9: {  	[spmem:s2] =	stream.indirect.scatter.add.f32 [tilespmem:s26], [sflag:$0x4], $0x80, s10, s24, $0xb8;
	[tilespmem:$0x1F480] =	vst v63  }
0xba: {  	v2 =	vld [tilespmem:s9+$0x880];
	_ =	sdelay $0x7  }
0xbb: {  	[tilespmem:v2+s29+$0x0] =	vst.idx.add.f32.msk $0xffff, v1  }
0xbc: {  	v2 =	vld [tilespmem:s9+$0x890];
	_ =	sdelay $0x7  }
0xbd: {  	[tilespmem:v2+s29+$0x0] =	vst.idx.add.f32.msk $0xffff, v1  }
0xbe: {  	v2 =	vld [tilespmem:s9+$0x8A0];
	_ =	sdelay $0x7  }
0xbf: {  	[tilespmem:v2+s29+$0x0] =	vst.idx.add.f32.msk $0xffff, v1  }
0xc0: {  	v2 =	vld [tilespmem:s9+$0x8B0];
	_ =	sdelay $0x7  }
0xc1: {  	[tilespmem:v2+s29+$0x0] =	vst.idx.add.f32.msk $0xffff, v1  }
0xc2: {  	v2 =	vld [tilespmem:s9+$0x8C0];
	_ =	sdelay $0x7  }
0xc3: {  	[tilespmem:v2+s29+$0x0] =	vst.idx.add.f32.msk $0xffff, v1  }
0xc4: {  	v2 =	vld [tilespmem:s9+$0x8D0];
	_ =	sdelay $0x7  }
0xc5: {  	[tilespmem:v2+s29+$0x0] =	vst.idx.add.f32.msk $0xffff, v1  }
0xc6: {  	v2 =	vld [tilespmem:s9+$0x8E0];
	_ =	sdelay $0x7  }
0xc7: {  	[tilespmem:v2+s29+$0x0] =	vst.idx.add.f32.msk $0xffff, v1  }
0xc8: {  	v2 =	vld [tilespmem:s9+$0x8F0];
	_ =	sdelay $0x2  }
0xc9: {  	p1 =	sne.s32 s8, $0x1C00  }
.Ltmp2:
0xca: {  	_ = 	snop;
	(pc) =	sbr.rel @p1 .LBB2_6-.Ltmp2, $2  }
0xcb: {  	_ =	sdelay $0x2  }
0xcc: {  	s8 =	sadd.s32 $0x400, s8;
	[tilespmem:v2+s29+$0x0] =	vst.idx.add.f32.msk $0xffff, v1  }
0xcd: {  	s8 =	simm.s32 $0x0  }
0xce: {  	[tilespmem:s8], [sflag:$0x5] =	stream.linear.gather [hbm4b:s12+s8], $0x800, $0x38;
	[tilespmem:$0x1F480] =	vst v63  }
0xcf: {  	_ =	swait.ge [sflag:s22], $0x800  }
0xd0: {  	[sflag:s22] =	ssyncset.done $0x0  }
0xd1: {  	[sflag:s22] =	ssyncadd.s32 $0xFFFFF800  }
0xd2: {  	[tilespmem:s23], [sflag:$0x5] =	stream.linear.gather [hbm4b:s13+s8], $0x800, $0x38;
	[tilespmem:$0x1F480] =	vst v63  }
0xd3: {  	_ =	swait.ge [sflag:s22], $0x800  }
0xd4: {  	[sflag:s22] =	ssyncset.done $0x0  }
0xd5: {  	[sflag:s22] =	ssyncadd.s32 $0xFFFFF800  }
.LBB2_8:
0xd6: {  	_ =	swait.ge [sflag:s0], $0x4000  }
0xd7: {  	[sflag:s0] =	ssyncset.done $0x0  }
0xd8: {  	s9 =	sshra.s32 s8, $0x2;
	[sflag:s0] =	ssyncadd.s32 $0xFFFFC000  }
0xd9: {  	[tilespmem:s25], [sflag:$0x1] =	stream.indirect.gather [hbm4b:s1+s24], $0x80, s9, s24, $0xb8;
	[tilespmem:$0x1F480] =	vst v63  }
0xda: {  	_ =	swait.ge [sflag:s3], $0x4000  }
0xdb: {  	[sflag:s3] =	ssyncset.done $0x0  }
0xdc: {  	s10 =	sadd.s32 $0x80, s9;
	[sflag:s3] =	ssyncadd.s32 $0xFFFFC000  }
0xdd: {  	[tilespmem:s26], [sflag:$0x2] =	stream.indirect.gather [hbm4b:s1+s24], $0x80, s10, s24, $0xb8;
	[tilespmem:$0x1F480] =	vst v63  }
0xde: {  	_ =	swait.ge [sflag:s28], $0x4000  }
0xdf: {  	[sflag:s28] =	ssyncset.done $0x0  }
0xe0: {  	s10 =	sadd.s32 $0x800, s9;
	[sflag:s28] =	ssyncadd.s32 $0xFFFFC000  }
0xe1: {  	[spmem:s2] =	stream.indirect.scatter.add.f32 [tilespmem:s25], [sflag:$0x3], $0x80, s10, s24, $0xb8;
	[tilespmem:$0x1F480] =	vst v63  }
0xe2: {  	v2 =	vld [tilespmem:s9+$0x800];
	_ =	sdelay $0x7  }
0xe3: {  	[tilespmem:v2+s29+$0x0] =	vst.idx.add.f32.msk $0xffff, v1  }
0xe4: {  	v2 =	vld [tilespmem:s9+$0x810];
	_ =	sdelay $0x7  }
0xe5: {  	[tilespmem:v2+s29+$0x0] =	vst.idx.add.f32.msk $0xffff, v1  }
0xe6: {  	v2 =	vld [tilespmem:s9+$0x820];
	_ =	sdelay $0x7  }
0xe7: {  	[tilespmem:v2+s29+$0x0] =	vst.idx.add.f32.msk $0xffff, v1  }
0xe8: {  	v2 =	vld [tilespmem:s9+$0x830];
	_ =	sdelay $0x7  }
0xe9: {  	[tilespmem:v2+s29+$0x0] =	vst.idx.add.f32.msk $0xffff, v1  }
0xea: {  	v2 =	vld [tilespmem:s9+$0x840];
	_ =	sdelay $0x7  }
0xeb: {  	[tilespmem:v2+s29+$0x0] =	vst.idx.add.f32.msk $0xffff, v1  }
0xec: {  	v2 =	vld [tilespmem:s9+$0x850];
	_ =	sdelay $0x7  }
0xed: {  	[tilespmem:v2+s29+$0x0] =	vst.idx.add.f32.msk $0xffff, v1  }
0xee: {  	v2 =	vld [tilespmem:s9+$0x860];
	_ =	sdelay $0x7  }
0xef: {  	[tilespmem:v2+s29+$0x0] =	vst.idx.add.f32.msk $0xffff, v1  }
0xf0: {  	v2 =	vld [tilespmem:s9+$0x870];
	_ =	sdelay $0x7  }
0xf1: {  	[tilespmem:v2+s29+$0x0] =	vst.idx.add.f32.msk $0xffff, v1  }
0xf2: {  	_ =	swait.ge [sflag:s30], $0x4000  }
0xf3: {  	[sflag:s30] =	ssyncset.done $0x0  }
0xf4: {  	s10 =	sadd.s32 $0x880, s9;
	[sflag:s30] =	ssyncadd.s32 $0xFFFFC000  }
0xf5: {  	[spmem:s2] =	stream.indirect.scatter.add.f32 [tilespmem:s26], [sflag:$0x4], $0x80, s10, s24, $0xb8;
	[tilespmem:$0x1F480] =	vst v63  }
0xf6: {  	v2 =	vld [tilespmem:s9+$0x880];
	_ =	sdelay $0x7  }
0xf7: {  	[tilespmem:v2+s29+$0x0] =	vst.idx.add.f32.msk $0xffff, v1  }
0xf8: {  	v2 =	vld [tilespmem:s9+$0x890];
	_ =	sdelay $0x7  }
0xf9: {  	[tilespmem:v2+s29+$0x0] =	vst.idx.add.f32.msk $0xffff, v1  }
0xfa: {  	v2 =	vld [tilespmem:s9+$0x8A0];
	_ =	sdelay $0x7  }
0xfb: {  	[tilespmem:v2+s29+$0x0] =	vst.idx.add.f32.msk $0xffff, v1  }
0xfc: {  	v2 =	vld [tilespmem:s9+$0x8B0];
	_ =	sdelay $0x7  }
0xfd: {  	[tilespmem:v2+s29+$0x0] =	vst.idx.add.f32.msk $0xffff, v1  }
0xfe: {  	v2 =	vld [tilespmem:s9+$0x8C0];
	_ =	sdelay $0x7  }
0xff: {  	[tilespmem:v2+s29+$0x0] =	vst.idx.add.f32.msk $0xffff, v1  }
0x100: {  	v2 =	vld [tilespmem:s9+$0x8D0];
	_ =	sdelay $0x7  }
0x101: {  	[tilespmem:v2+s29+$0x0] =	vst.idx.add.f32.msk $0xffff, v1  }
0x102: {  	v2 =	vld [tilespmem:s9+$0x8E0];
	_ =	sdelay $0x7  }
0x103: {  	[tilespmem:v2+s29+$0x0] =	vst.idx.add.f32.msk $0xffff, v1  }
0x104: {  	v2 =	vld [tilespmem:s9+$0x8F0];
	_ =	sdelay $0x2  }
0x105: {  	p1 =	sne.s32 s8, $0x1C00  }
.Ltmp3:
0x106: {  	_ = 	snop;
	(pc) =	sbr.rel @p1 .LBB2_8-.Ltmp3, $2  }
0x107: {  	_ =	sdelay $0x2  }
0x108: {  	s8 =	sadd.s32 $0x400, s8;
	[tilespmem:v2+s29+$0x0] =	vst.idx.add.f32.msk $0xffff, v1  }
0x109: {  	s8 =	simm.s32 $0x0  }
0x10a: {  	[tilespmem:s8], [sflag:$0x5] =	stream.linear.gather [hbm4b:s14+s8], $0x800, $0x38;
	[tilespmem:$0x1F480] =	vst v63  }
0x10b: {  	_ =	swait.ge [sflag:s22], $0x800  }
0x10c: {  	[sflag:s22] =	ssyncset.done $0x0  }
0x10d: {  	[sflag:s22] =	ssyncadd.s32 $0xFFFFF800  }
0x10e: {  	[tilespmem:s23], [sflag:$0x5] =	stream.linear.gather [hbm4b:s15+s8], $0x800, $0x38;
	[tilespmem:$0x1F480] =	vst v63  }
0x10f: {  	_ =	swait.ge [sflag:s22], $0x800  }
0x110: {  	[sflag:s22] =	ssyncset.done $0x0  }
0x111: {  	[sflag:s22] =	ssyncadd.s32 $0xFFFFF800  }
.LBB2_10:
0x112: {  	_ =	swait.ge [sflag:s0], $0x4000  }
0x113: {  	[sflag:s0] =	ssyncset.done $0x0  }
0x114: {  	s9 =	sshra.s32 s8, $0x2;
	[sflag:s0] =	ssyncadd.s32 $0xFFFFC000  }
0x115: {  	[tilespmem:s25], [sflag:$0x1] =	stream.indirect.gather [hbm4b:s1+s24], $0x80, s9, s24, $0xb8;
	[tilespmem:$0x1F480] =	vst v63  }
0x116: {  	_ =	swait.ge [sflag:s3], $0x4000  }
0x117: {  	[sflag:s3] =	ssyncset.done $0x0  }
0x118: {  	s10 =	sadd.s32 $0x80, s9;
	[sflag:s3] =	ssyncadd.s32 $0xFFFFC000  }
0x119: {  	[tilespmem:s26], [sflag:$0x2] =	stream.indirect.gather [hbm4b:s1+s24], $0x80, s10, s24, $0xb8;
	[tilespmem:$0x1F480] =	vst v63  }
0x11a: {  	_ =	swait.ge [sflag:s28], $0x4000  }
0x11b: {  	[sflag:s28] =	ssyncset.done $0x0  }
0x11c: {  	s10 =	sadd.s32 $0x800, s9;
	[sflag:s28] =	ssyncadd.s32 $0xFFFFC000  }
0x11d: {  	[spmem:s2] =	stream.indirect.scatter.add.f32 [tilespmem:s25], [sflag:$0x3], $0x80, s10, s24, $0xb8;
	[tilespmem:$0x1F480] =	vst v63  }
0x11e: {  	v2 =	vld [tilespmem:s9+$0x800];
	_ =	sdelay $0x7  }
0x11f: {  	[tilespmem:v2+s29+$0x0] =	vst.idx.add.f32.msk $0xffff, v1  }
0x120: {  	v2 =	vld [tilespmem:s9+$0x810];
	_ =	sdelay $0x7  }
0x121: {  	[tilespmem:v2+s29+$0x0] =	vst.idx.add.f32.msk $0xffff, v1  }
0x122: {  	v2 =	vld [tilespmem:s9+$0x820];
	_ =	sdelay $0x7  }
0x123: {  	[tilespmem:v2+s29+$0x0] =	vst.idx.add.f32.msk $0xffff, v1  }
0x124: {  	v2 =	vld [tilespmem:s9+$0x830];
	_ =	sdelay $0x7  }
0x125: {  	[tilespmem:v2+s29+$0x0] =	vst.idx.add.f32.msk $0xffff, v1  }
0x126: {  	v2 =	vld [tilespmem:s9+$0x840];
	_ =	sdelay $0x7  }
0x127: {  	[tilespmem:v2+s29+$0x0] =	vst.idx.add.f32.msk $0xffff, v1  }
0x128: {  	v2 =	vld [tilespmem:s9+$0x850];
	_ =	sdelay $0x7  }
0x129: {  	[tilespmem:v2+s29+$0x0] =	vst.idx.add.f32.msk $0xffff, v1  }
0x12a: {  	v2 =	vld [tilespmem:s9+$0x860];
	_ =	sdelay $0x7  }
0x12b: {  	[tilespmem:v2+s29+$0x0] =	vst.idx.add.f32.msk $0xffff, v1  }
0x12c: {  	v2 =	vld [tilespmem:s9+$0x870];
	_ =	sdelay $0x7  }
0x12d: {  	[tilespmem:v2+s29+$0x0] =	vst.idx.add.f32.msk $0xffff, v1  }
0x12e: {  	_ =	swait.ge [sflag:s30], $0x4000  }
0x12f: {  	[sflag:s30] =	ssyncset.done $0x0  }
0x130: {  	s10 =	sadd.s32 $0x880, s9;
	[sflag:s30] =	ssyncadd.s32 $0xFFFFC000  }
0x131: {  	[spmem:s2] =	stream.indirect.scatter.add.f32 [tilespmem:s26], [sflag:$0x4], $0x80, s10, s24, $0xb8;
	[tilespmem:$0x1F480] =	vst v63  }
0x132: {  	v2 =	vld [tilespmem:s9+$0x880];
	_ =	sdelay $0x7  }
0x133: {  	[tilespmem:v2+s29+$0x0] =	vst.idx.add.f32.msk $0xffff, v1  }
0x134: {  	v2 =	vld [tilespmem:s9+$0x890];
	_ =	sdelay $0x7  }
0x135: {  	[tilespmem:v2+s29+$0x0] =	vst.idx.add.f32.msk $0xffff, v1  }
0x136: {  	v2 =	vld [tilespmem:s9+$0x8A0];
	_ =	sdelay $0x7  }
0x137: {  	[tilespmem:v2+s29+$0x0] =	vst.idx.add.f32.msk $0xffff, v1  }
0x138: {  	v2 =	vld [tilespmem:s9+$0x8B0];
	_ =	sdelay $0x7  }
0x139: {  	[tilespmem:v2+s29+$0x0] =	vst.idx.add.f32.msk $0xffff, v1  }
0x13a: {  	v2 =	vld [tilespmem:s9+$0x8C0];
	_ =	sdelay $0x7  }
0x13b: {  	[tilespmem:v2+s29+$0x0] =	vst.idx.add.f32.msk $0xffff, v1  }
0x13c: {  	v2 =	vld [tilespmem:s9+$0x8D0];
	_ =	sdelay $0x7  }
0x13d: {  	[tilespmem:v2+s29+$0x0] =	vst.idx.add.f32.msk $0xffff, v1  }
0x13e: {  	v2 =	vld [tilespmem:s9+$0x8E0];
	_ =	sdelay $0x7  }
0x13f: {  	[tilespmem:v2+s29+$0x0] =	vst.idx.add.f32.msk $0xffff, v1  }
0x140: {  	v2 =	vld [tilespmem:s9+$0x8F0];
	_ =	sdelay $0x2  }
0x141: {  	p1 =	sne.s32 s8, $0x1C00  }
.Ltmp4:
0x142: {  	_ = 	snop;
	(pc) =	sbr.rel @p1 .LBB2_10-.Ltmp4, $2  }
0x143: {  	_ =	sdelay $0x2  }
0x144: {  	s8 =	sadd.s32 $0x400, s8;
	[tilespmem:v2+s29+$0x0] =	vst.idx.add.f32.msk $0xffff, v1  }
0x145: {  	s8 =	simm.s32 $0x0  }
0x146: {  	[tilespmem:s8], [sflag:$0x5] =	stream.linear.gather [hbm4b:s16+s8], $0x800, $0x38;
	[tilespmem:$0x1F480] =	vst v63  }
0x147: {  	_ =	swait.ge [sflag:s22], $0x800  }
0x148: {  	[sflag:s22] =	ssyncset.done $0x0  }
0x149: {  	[sflag:s22] =	ssyncadd.s32 $0xFFFFF800  }
0x14a: {  	[tilespmem:s23], [sflag:$0x5] =	stream.linear.gather [hbm4b:s17+s8], $0x800, $0x38;
	[tilespmem:$0x1F480] =	vst v63  }
0x14b: {  	_ =	swait.ge [sflag:s22], $0x800  }
0x14c: {  	[sflag:s22] =	ssyncset.done $0x0  }
0x14d: {  	[sflag:s22] =	ssyncadd.s32 $0xFFFFF800  }
.LBB2_12:
0x14e: {  	_ =	swait.ge [sflag:s0], $0x4000  }
0x14f: {  	[sflag:s0] =	ssyncset.done $0x0  }
0x150: {  	s9 =	sshra.s32 s8, $0x2;
	[sflag:s0] =	ssyncadd.s32 $0xFFFFC000  }
0x151: {  	[tilespmem:s25], [sflag:$0x1] =	stream.indirect.gather [hbm4b:s1+s24], $0x80, s9, s24, $0xb8;
	[tilespmem:$0x1F480] =	vst v63  }
0x152: {  	_ =	swait.ge [sflag:s3], $0x4000  }
0x153: {  	[sflag:s3] =	ssyncset.done $0x0  }
0x154: {  	s10 =	sadd.s32 $0x80, s9;
	[sflag:s3] =	ssyncadd.s32 $0xFFFFC000  }
0x155: {  	[tilespmem:s26], [sflag:$0x2] =	stream.indirect.gather [hbm4b:s1+s24], $0x80, s10, s24, $0xb8;
	[tilespmem:$0x1F480] =	vst v63  }
0x156: {  	_ =	swait.ge [sflag:s28], $0x4000  }
0x157: {  	[sflag:s28] =	ssyncset.done $0x0  }
0x158: {  	s10 =	sadd.s32 $0x800, s9;
	[sflag:s28] =	ssyncadd.s32 $0xFFFFC000  }
0x159: {  	[spmem:s2] =	stream.indirect.scatter.add.f32 [tilespmem:s25], [sflag:$0x3], $0x80, s10, s24, $0xb8;
	[tilespmem:$0x1F480] =	vst v63  }
0x15a: {  	v2 =	vld [tilespmem:s9+$0x800];
	_ =	sdelay $0x7  }
0x15b: {  	[tilespmem:v2+s29+$0x0] =	vst.idx.add.f32.msk $0xffff, v1  }
0x15c: {  	v2 =	vld [tilespmem:s9+$0x810];
	_ =	sdelay $0x7  }
0x15d: {  	[tilespmem:v2+s29+$0x0] =	vst.idx.add.f32.msk $0xffff, v1  }
0x15e: {  	v2 =	vld [tilespmem:s9+$0x820];
	_ =	sdelay $0x7  }
0x15f: {  	[tilespmem:v2+s29+$0x0] =	vst.idx.add.f32.msk $0xffff, v1  }
0x160: {  	v2 =	vld [tilespmem:s9+$0x830];
	_ =	sdelay $0x7  }
0x161: {  	[tilespmem:v2+s29+$0x0] =	vst.idx.add.f32.msk $0xffff, v1  }
0x162: {  	v2 =	vld [tilespmem:s9+$0x840];
	_ =	sdelay $0x7  }
0x163: {  	[tilespmem:v2+s29+$0x0] =	vst.idx.add.f32.msk $0xffff, v1  }
0x164: {  	v2 =	vld [tilespmem:s9+$0x850];
	_ =	sdelay $0x7  }
0x165: {  	[tilespmem:v2+s29+$0x0] =	vst.idx.add.f32.msk $0xffff, v1  }
0x166: {  	v2 =	vld [tilespmem:s9+$0x860];
	_ =	sdelay $0x7  }
0x167: {  	[tilespmem:v2+s29+$0x0] =	vst.idx.add.f32.msk $0xffff, v1  }
0x168: {  	v2 =	vld [tilespmem:s9+$0x870];
	_ =	sdelay $0x7  }
0x169: {  	[tilespmem:v2+s29+$0x0] =	vst.idx.add.f32.msk $0xffff, v1  }
0x16a: {  	_ =	swait.ge [sflag:s30], $0x4000  }
0x16b: {  	[sflag:s30] =	ssyncset.done $0x0  }
0x16c: {  	s10 =	sadd.s32 $0x880, s9;
	[sflag:s30] =	ssyncadd.s32 $0xFFFFC000  }
0x16d: {  	[spmem:s2] =	stream.indirect.scatter.add.f32 [tilespmem:s26], [sflag:$0x4], $0x80, s10, s24, $0xb8;
	[tilespmem:$0x1F480] =	vst v63  }
0x16e: {  	v2 =	vld [tilespmem:s9+$0x880];
	_ =	sdelay $0x7  }
0x16f: {  	[tilespmem:v2+s29+$0x0] =	vst.idx.add.f32.msk $0xffff, v1  }
0x170: {  	v2 =	vld [tilespmem:s9+$0x890];
	_ =	sdelay $0x7  }
0x171: {  	[tilespmem:v2+s29+$0x0] =	vst.idx.add.f32.msk $0xffff, v1  }
0x172: {  	v2 =	vld [tilespmem:s9+$0x8A0];
	_ =	sdelay $0x7  }
0x173: {  	[tilespmem:v2+s29+$0x0] =	vst.idx.add.f32.msk $0xffff, v1  }
0x174: {  	v2 =	vld [tilespmem:s9+$0x8B0];
	_ =	sdelay $0x7  }
0x175: {  	[tilespmem:v2+s29+$0x0] =	vst.idx.add.f32.msk $0xffff, v1  }
0x176: {  	v2 =	vld [tilespmem:s9+$0x8C0];
	_ =	sdelay $0x7  }
0x177: {  	[tilespmem:v2+s29+$0x0] =	vst.idx.add.f32.msk $0xffff, v1  }
0x178: {  	v2 =	vld [tilespmem:s9+$0x8D0];
	_ =	sdelay $0x7  }
0x179: {  	[tilespmem:v2+s29+$0x0] =	vst.idx.add.f32.msk $0xffff, v1  }
0x17a: {  	v2 =	vld [tilespmem:s9+$0x8E0];
	_ =	sdelay $0x7  }
0x17b: {  	[tilespmem:v2+s29+$0x0] =	vst.idx.add.f32.msk $0xffff, v1  }
0x17c: {  	v2 =	vld [tilespmem:s9+$0x8F0];
	_ =	sdelay $0x2  }
0x17d: {  	p1 =	sne.s32 s8, $0x1C00  }
.Ltmp5:
0x17e: {  	_ = 	snop;
	(pc) =	sbr.rel @p1 .LBB2_12-.Ltmp5, $2  }
0x17f: {  	_ =	sdelay $0x2  }
0x180: {  	s8 =	sadd.s32 $0x400, s8;
	[tilespmem:v2+s29+$0x0] =	vst.idx.add.f32.msk $0xffff, v1  }
0x181: {  	_ =	swait.ge [sflag:s0], $0x4000  }
0x182: {  	[sflag:s0] =	ssyncset.done $0x0  }
0x183: {  	[sflag:s0] =	ssyncadd.s32 $0xFFFFC000  }
0x184: {  	_ =	swait.ge [sflag:s3], $0x4000  }
0x185: {  	[sflag:s3] =	ssyncset.done $0x0  }
0x186: {  	[sflag:s3] =	ssyncadd.s32 $0xFFFFC000  }
0x187: {  	[bflag:$0x0] =	sbarrier.arrive $0xFFFF  }
0x188: {  	[hbm:s18], [sflag:s6] =	dma.local [spmem:s7], $0x2700  }
0x189: {  	_ =	swait.ge [sflag:s22], $0x2700  }
0x18a: {  	[sflag:s22] =	ssyncset.done $0x0  }
0x18b: {  	s10 =	simm.s32 $0x0;
	[sflag:s22] =	ssyncadd.s32 $0xFFFFD900  }
0x18c: {  	[hbm4b:s19+s10] =	stream.linear.scatter [tilespmem:s29], [sflag:$0x5], $0x2710, $0x38;
	[tilespmem:$0x1F480] =	vst v63  }
0x18d: {  	_ =	swait.ge [sflag:s22], $0x2710  }
0x18e: {  	s31 =	sadd.s32 $0x1, s31;
	[sflag:s22] =	ssyncset.done $0x0  }
0x18f: {  	p1 =	sne.s32 s31, s21;
	[sflag:s22] =	ssyncadd.s32 $0xFFFFD8F0  }
0x190: {  	[hbm:s20], [sflag:s6] =	dma.local @!p0 [spmem:s5], $0x100  }
.Ltmp6:
0x191: {  	_ = 	snop;
	(pc) =	sbr.rel @p1 .LBB2_1-.Ltmp6, $4  }
0x192: {  	s5 =	simm.s32 @!p0 $0x5  }
0x193: {  	_ =	swait.ge @!p0 [sflag:s5], $0x100  }
0x194: {  	[sflag:s5] =	ssyncset.done @!p0 $0x0  }
0x195: {  	[sflag:s5] =	ssyncadd.s32 @!p0 $0xFFFFFF00  }
0x196: {  	_ =	sfence.sel $0x180000  }
0x197: {  	[bflag:$0x0] =	sbarrier.arrive $0xFFFF  }
0x198: {  	_ =	strace $0x9000004D  }
0x199: {  	[bflag:$0x2] =	sbarrier.arrive $0xFFFF  }
0x19a: {  	s0 =	rddreg [dreg:$0x3]  }
0x19b: {  	s0 =	sadd.s32 @!p0 $0x100000, s0  }
0x19c: {  	[sflag:s0] =	ssyncadd.tile.s32 @!p0 $0x1;
	_ =	shalt  }
.Lfunc_end2:
_tile_overlayer_lowered:
.L_overlay_start_2:
0x19d: {  	(tag) =	ssettag $0x2  }
0x19e: {  	s0 =	rddreg [dreg:$0x0];
	s2 =	stileid.u32  }
0x19f: {  	s1 =	rddreg [dreg:$0x1];
	p0 =	sne.s32 s2, $0x0  }
0x1a0: {  	s3 =	rddreg [dreg:$0x2];
	[bflag:$0x3] =	sbarrier.arrive $0xFFFF;
	s2 =	simm.s32 @!p0 $0x1C05  }
0x1a1: {  	[timem:s3], [sflag:s2] =	dma.local @!p0 [hbm:s0], s1  }
0x1a2: {  	s0 =	simm.s32 @!p0 $0x5  }
0x1a3: {  	_ =	swait.ge @!p0 [sflag:s0], s1  }
0x1a4: {  	s1 =	ssub.s32 @!p0 $0x0, s1;
	[sflag:s0] =	ssyncset.done @!p0 $0x0  }
0x1a5: {  	[sflag:s0] =	ssyncadd.s32 @!p0 s1  }
0x1a6: {  	[bflag:$0x3] =	sbarrier.arrive $0xFFFF  }
0x1a7: {  	_ =	shalt  }

</sc_bundles>
